<compile_context>
chip_gen: v7x
topology: tpu7x:2x2x1
jax: 0.10.2.dev20260603
libtpu: 0.0.44.dev20260713+nightly
codegen_flags: <defaults>
</compile_context>

<pallas_src>
import functools

import jax
import jax.numpy as jnp
from jax import lax
from jax.experimental import pallas as pl
from jax.experimental.pallas import tpu as pltpu
from jax.experimental.pallas import tpu_sc as plsc

S, B, N, H, T = 4, 8, 1024, 768, 4096

NC, NS, L = 2, 16, 16
NW = NC * NS
TPW = T // NW
PER_W = TPW * B
CHUNK = 32
NCHUNK = PER_W // CHUNK
NBUF = 5


def _cls_body(cls_ref, w_ref, b_ref, out_ref):
    out_ref[...] = lax.dot_general(
        cls_ref[...], w_ref[...], (((1,), (1,)), ((), ())),
        preferred_element_type=jnp.float32) + b_ref[...]


def _class_project(cls2, W, b2):
    return pl.pallas_call(
        _cls_body,
        out_shape=jax.ShapeDtypeStruct((B, H), jnp.float32),
    )(cls2, W, b2)


def _patch_body(big_ref, cls_ref, out_ref, sem):
    del big_ref
    cp = pltpu.make_async_copy(cls_ref, out_ref.at[pl.ds(0, B)], sem)
    cp.start()
    cp.wait()


def _patch_class(big, cls_rows):
    return pl.pallas_call(
        _patch_body,
        in_specs=[
            pl.BlockSpec(memory_space=pl.ANY),
            pl.BlockSpec(memory_space=pl.ANY),
        ],
        out_specs=pl.BlockSpec(memory_space=pl.ANY),
        out_shape=jax.ShapeDtypeStruct(((T + 1) * B, H), jnp.float32),
        scratch_shapes=[pltpu.SemaphoreType.DMA],
        input_output_aliases={0: 0},
    )(big, cls_rows)


def _sc_gather(table, src_img, src_tok):
    mesh = plsc.VectorSubcoreMesh(
        core_axis_name="c", subcore_axis_name="s",
        num_cores=NC, num_subcores=NS)

    @functools.partial(
        pl.kernel,
        out_type=jax.ShapeDtypeStruct(((T + 1) * B, H), jnp.float32),
        mesh=mesh,
        compiler_params=pltpu.CompilerParams(needs_layout_passes=False),
        scratch_types=[
            pltpu.VMEM((B, TPW), jnp.int32),
            pltpu.VMEM((B, TPW), jnp.int32),
            pltpu.VMEM((PER_W,), jnp.int32),
            *[pltpu.VMEM((CHUNK, H), jnp.float32) for _ in range(NBUF)],
            *[pltpu.SemaphoreType.DMA for _ in range(NBUF)],
            *[pltpu.SemaphoreType.DMA for _ in range(NBUF)],
        ],
    )
    def k(table_hbm, img_hbm, tok_hbm, out_hbm,
          img_v, tok_v, idx_v, *bufs_and_sems):
        bufs = bufs_and_sems[:NBUF]
        gsems = bufs_and_sems[NBUF:2 * NBUF]
        wsems = bufs_and_sems[2 * NBUF:3 * NBUF]
        wid = lax.axis_index("s") * NC + lax.axis_index("c")
        t0 = wid * TPW

        pltpu.sync_copy(img_hbm.at[:, pl.ds(t0, TPW)], img_v)
        pltpu.sync_copy(tok_hbm.at[:, pl.ds(t0, TPW)], tok_v)

        lane = lax.iota(jnp.int32, L)

        def compute_idx(j, carry):
            r = j * L + lane
            bb = lax.bitwise_and(r, B - 1)
            tt = lax.shift_right_logical(r, 3)
            img = plsc.load_gather(img_v, [bb, tt])
            tok = plsc.load_gather(tok_v, [bb, tt])
            idx_v[pl.ds(j * L, L)] = img * (B * N) + (bb * N + tok)
            return carry

        lax.fori_loop(0, PER_W // L, compute_idx, 0)

        dst0 = (1 + t0) * B
        gathers = [None] * NCHUNK
        writes = [None] * NCHUNK

        def issue_gather(c):
            gathers[c] = pltpu.async_copy(
                table_hbm.at[idx_v.at[pl.ds(c * CHUNK, CHUNK)]],
                bufs[c % NBUF], gsems[c % NBUF])

        def issue_write(c):
            writes[c] = pltpu.async_copy(
                bufs[c % NBUF],
                out_hbm.at[pl.ds(dst0 + c * CHUNK, CHUNK)],
                wsems[c % NBUF])

        for c in range(NCHUNK + NBUF - 1):
            if c < NCHUNK:
                if c >= NBUF:
                    writes[c - NBUF].wait()
                issue_gather(c)
            d = c - (NBUF - 1)
            if 0 <= d < NCHUNK:
                gathers[d].wait()
                issue_write(d)
        for c in range(NCHUNK - NBUF, NCHUNK):
            writes[c].wait()

    return k(table, src_img, src_tok)


def kernel(class_tokens, patch_tokens, src_img, src_tok, W, b):
    Bn = src_img.shape[0]
    cls2 = jnp.transpose(class_tokens, (1, 2, 0, 3)).reshape(Bn, S * H)
    cls_rows = _class_project(cls2, W, b.reshape(1, H))

    table = patch_tokens.reshape(S * B * N, H)
    out = _sc_gather(table, src_img.astype(jnp.int32),
                     src_tok.astype(jnp.int32))
    out = _patch_class(out, cls_rows)
    return out.reshape(T + 1, Bn, H).transpose(1, 0, 2)

# --- scband reference (transcript-rebuilt; emitter-appended) ---
"""Pipeline reference for scband-multi-vi-ttoken-mapper-738734375556 (READ-ONLY COPY).

The authoritative reference and input builder live on the scoring server;
editing this copy changes nothing except your own understanding.
"""

import jax, jax.numpy as jnp
import numpy as np

S, B, N, H, T = 4, 8, 1024, 768, 4096

def setup_inputs(seed: int = 0) -> dict:
    key = jax.random.key(seed)
    ks = jax.random.split(key, 6)
    class_tokens = jax.random.normal(ks[0], (S, B, 1, H), dtype=jnp.float32)
    patch_tokens = jax.random.normal(ks[1], (S, B, N, H), dtype=jnp.float32)
    src_img = jax.random.randint(ks[2], (B, T), 0, S)
    src_tok = jax.random.randint(ks[3], (B, T), 0, N)
    W = jax.random.normal(ks[4], (H, S * H), dtype=jnp.float32) * (1.0 / np.sqrt(S * H))
    b = jnp.zeros((H,), dtype=jnp.float32)
    return {"class_tokens": class_tokens, "patch_tokens": patch_tokens,
            "src_img": src_img, "src_tok": src_tok, "W": W, "b": b}

def reference(class_tokens, patch_tokens, src_img, src_tok, W, b):
    # class_tokens: [S, B, 1, H] (stacked list of per-view class tokens)
    # patch_tokens: [S, B, N, H] (stacked list of per-view patch tokens)
    # mapping encoded as dense per-destination gather indices:
    #   output patch token (b, t) = patch_tokens[src_img[b,t], b, src_tok[b,t], :]
    Bn = src_img.shape[0]
    batch_idx = jnp.arange(Bn)[:, None]  # [B, 1]
    batch_patch_output = patch_tokens[src_img, batch_idx, src_tok]  # [B, T, H] gather
    # class tokens: concat all views along hidden dim (same order as torch.cat over s)
    cls = jnp.transpose(class_tokens, (1, 2, 0, 3)).reshape(Bn, 1, -1)  # [B, 1, S*H]
    batch_class_output = cls @ W.T + b  # [B, 1, H]
    batch_output = jnp.concatenate([batch_class_output, batch_patch_output], axis=1)
    return batch_output

if __name__ == "__main__":
    import jax
    _d = setup_inputs()
    print(jax.jit(kernel)(*tuple(_d.values())))

</pallas_src>

<mosaic_0001>
#map = affine_map<(d0, d1) -> (0, 0)>
module attributes {stable_mosaic.version = 14 : i64} {
  func.func @k(%arg0: i32, %arg1: i32, %arg2: memref<32768x768xf32, #tpu.memory_space<hbm>>, %arg3: memref<8x4096xi32, #tpu.memory_space<hbm>>, %arg4: memref<8x4096xi32, #tpu.memory_space<hbm>>, %arg5: memref<32776x768xf32, #tpu.memory_space<hbm>>, %arg6: memref<8x128xi32, #tpu.memory_space<vmem>>, %arg7: memref<8x128xi32, #tpu.memory_space<vmem>>, %arg8: memref<1024xi32, #tpu.memory_space<vmem>>, %arg9: memref<32x768xf32, #tpu.memory_space<vmem>>, %arg10: memref<32x768xf32, #tpu.memory_space<vmem>>, %arg11: memref<32x768xf32, #tpu.memory_space<vmem>>, %arg12: memref<32x768xf32, #tpu.memory_space<vmem>>, %arg13: memref<32x768xf32, #tpu.memory_space<vmem>>, %arg14: memref<!tpu.dma_semaphore, #tpu.memory_space<semaphore_mem>>, %arg15: memref<!tpu.dma_semaphore, #tpu.memory_space<semaphore_mem>>, %arg16: memref<!tpu.dma_semaphore, #tpu.memory_space<semaphore_mem>>, %arg17: memref<!tpu.dma_semaphore, #tpu.memory_space<semaphore_mem>>, %arg18: memref<!tpu.dma_semaphore, #tpu.memory_space<semaphore_mem>>, %arg19: memref<!tpu.dma_semaphore, #tpu.memory_space<semaphore_mem>>, %arg20: memref<!tpu.dma_semaphore, #tpu.memory_space<semaphore_mem>>, %arg21: memref<!tpu.dma_semaphore, #tpu.memory_space<semaphore_mem>>, %arg22: memref<!tpu.dma_semaphore, #tpu.memory_space<semaphore_mem>>, %arg23: memref<!tpu.dma_semaphore, #tpu.memory_space<semaphore_mem>>) attributes {dimension_semantics = [#tpu.dimension_semantics<core_parallel>, #tpu.dimension_semantics<subcore_parallel>], iteration_bounds = array<i64: 2, 16>, scalar_prefetch = 0 : i64, scratch_operands = 18 : i64, tpu.core_type = #tpu.core_type<sc_vector_subcore>, window_params = [{transform_indices = #map}, {transform_indices = #map}, {transform_indices = #map}, {transform_indices = #map}]} {
    %mul3A = arith.constant 2 : i32
    %mul3A_0 = arith.muli %arg1, %mul3A : i32
    %add3A = arith.addi %mul3A_0, %arg0 : i32
    %mul3A_1 = arith.constant 128 : i32
    %mul3A_2 = arith.muli %add3A, %mul3A_1 : i32
    "tpu.region"() ({
      %run_scoped3A = tpu.sem_alloc : memref<!tpu.dma_semaphore, #tpu.memory_space<semaphore_mem>>
      %dma_start3A_650 = arith.constant 0 : i32
      %dma_start3A_651 = tpu.memref_slice %arg3[%dma_start3A_650, %mul3A_2] : memref<8x4096xi32, #tpu.memory_space<hbm>> -> memref<8x128xi32, #tpu.memory_space<hbm>>
      %dma_start3A_652 = arith.constant 0 : i32
      %dma_start3A_653 = tpu.memref_slice %arg3[%dma_start3A_652, %mul3A_2] : memref<8x4096xi32, #tpu.memory_space<hbm>> -> memref<8x128xi32, #tpu.memory_space<hbm>>
      tpu.enqueue_dma source(%dma_start3A_653 : memref<8x128xi32, #tpu.memory_space<hbm>>) target(%arg6 : memref<8x128xi32, #tpu.memory_space<vmem>>) target_semaphore(%run_scoped3A : memref<!tpu.dma_semaphore, #tpu.memory_space<semaphore_mem>>)
      %dma_wait3A_654 = arith.constant 0 : i32
      %dma_wait3A_655 = tpu.memref_slice %arg3[%dma_wait3A_654, %mul3A_2] : memref<8x4096xi32, #tpu.memory_space<hbm>> -> memref<8x128xi32, #tpu.memory_space<hbm>>
      %dma_wait3A_656 = arith.constant 0 : i32
      %dma_wait3A_657 = tpu.memref_slice %arg3[%dma_wait3A_656, %mul3A_2] : memref<8x4096xi32, #tpu.memory_space<hbm>> -> memref<8x128xi32, #tpu.memory_space<hbm>>
      tpu.wait_dma2 semaphore(%run_scoped3A : memref<!tpu.dma_semaphore, #tpu.memory_space<semaphore_mem>>) src(%dma_wait3A_657 : memref<8x128xi32, #tpu.memory_space<hbm>>) dst(%arg6 : memref<8x128xi32, #tpu.memory_space<vmem>>)
      tpu.yield
    }) : () -> ()
    "tpu.region"() ({
      %run_scoped3A = tpu.sem_alloc : memref<!tpu.dma_semaphore, #tpu.memory_space<semaphore_mem>>
      %dma_start3A_650 = arith.constant 0 : i32
      %dma_start3A_651 = tpu.memref_slice %arg4[%dma_start3A_650, %mul3A_2] : memref<8x4096xi32, #tpu.memory_space<hbm>> -> memref<8x128xi32, #tpu.memory_space<hbm>>
      %dma_start3A_652 = arith.constant 0 : i32
      %dma_start3A_653 = tpu.memref_slice %arg4[%dma_start3A_652, %mul3A_2] : memref<8x4096xi32, #tpu.memory_space<hbm>> -> memref<8x128xi32, #tpu.memory_space<hbm>>
      tpu.enqueue_dma source(%dma_start3A_653 : memref<8x128xi32, #tpu.memory_space<hbm>>) target(%arg7 : memref<8x128xi32, #tpu.memory_space<vmem>>) target_semaphore(%run_scoped3A : memref<!tpu.dma_semaphore, #tpu.memory_space<semaphore_mem>>)
      %dma_wait3A_654 = arith.constant 0 : i32
      %dma_wait3A_655 = tpu.memref_slice %arg4[%dma_wait3A_654, %mul3A_2] : memref<8x4096xi32, #tpu.memory_space<hbm>> -> memref<8x128xi32, #tpu.memory_space<hbm>>
      %dma_wait3A_656 = arith.constant 0 : i32
      %dma_wait3A_657 = tpu.memref_slice %arg4[%dma_wait3A_656, %mul3A_2] : memref<8x4096xi32, #tpu.memory_space<hbm>> -> memref<8x128xi32, #tpu.memory_space<hbm>>
      tpu.wait_dma2 semaphore(%run_scoped3A : memref<!tpu.dma_semaphore, #tpu.memory_space<semaphore_mem>>) src(%dma_wait3A_657 : memref<8x128xi32, #tpu.memory_space<hbm>>) dst(%arg7 : memref<8x128xi32, #tpu.memory_space<vmem>>)
      tpu.yield
    }) : () -> ()
    %iota3A = tpu.iota {dimensions = array<i32: 0>} : vector<16xi32>
    %scan3A = arith.constant 0 : i32
    %scan3A_3 = arith.constant 0 : i32
    %scan3A_4 = arith.constant 64 : i32
    %scan3A_5 = arith.addi %scan3A_3, %scan3A_4 : i32
    %scan3A_6 = arith.constant 1 : i32
    scf.for %scan3A_650 = %scan3A_3 to %scan3A_5 step %scan3A_6  : i32 {
      %mul3A_651 = arith.constant 16 : i32
      %mul3A_652 = arith.muli %scan3A_650, %mul3A_651 : i32
      %add3A_653 = vector.broadcast %mul3A_652 : i32 to vector<16xi32>
      %add3A_654 = arith.addi %add3A_653, %iota3A : vector<16xi32>
      %and3A = arith.constant 7 : i32
      %and3A_655 = vector.broadcast %and3A : i32 to vector<16xi32>
      %and3A_656 = arith.andi %add3A_654, %and3A_655 : vector<16xi32>
      %shift_right_logical3A = arith.constant 3 : i32
      %shift_right_logical3A_657 = vector.broadcast %shift_right_logical3A : i32 to vector<16xi32>
      %shift_right_logical3A_658 = arith.shrui %add3A_654, %shift_right_logical3A_657 : vector<16xi32>
      %gather3A = tpu.vector_load_idx %arg6[%and3A_656, %shift_right_logical3A_658] : memref<8x128xi32, #tpu.memory_space<vmem>>[vector<16xi32>, vector<16xi32>], vector<16xi32>,
      %gather3A_659 = tpu.vector_load_idx %arg7[%and3A_656, %shift_right_logical3A_658] : memref<8x128xi32, #tpu.memory_space<vmem>>[vector<16xi32>, vector<16xi32>], vector<16xi32>,
      %mul3A_660 = arith.constant 8192 : i32
      %mul3A_661 = vector.broadcast %mul3A_660 : i32 to vector<16xi32>
      %mul3A_662 = arith.muli %gather3A, %mul3A_661 : vector<16xi32>
      %mul3A_663 = arith.constant 1024 : i32
      %mul3A_664 = vector.broadcast %mul3A_663 : i32 to vector<16xi32>
      %mul3A_665 = arith.muli %and3A_656, %mul3A_664 : vector<16xi32>
      %add3A_666 = arith.addi %mul3A_665, %gather3A_659 : vector<16xi32>
      %add3A_667 = arith.addi %mul3A_662, %add3A_666 : vector<16xi32>
      %mul3A_668 = arith.constant 16 : i32
      %mul3A_669 = arith.muli %scan3A_650, %mul3A_668 : i32
      %swap3A = arith.index_cast %mul3A_669 : i32 to index
      %swap3A_670 = tpu.vector_load %arg8[%swap3A] {strides = array<i32>} : memref<1024xi32, #tpu.memory_space<vmem>>, vector<16xi32>,
      tpu.vector_store %arg8[%swap3A], %add3A_667 {strides = array<i32>} : memref<1024xi32, #tpu.memory_space<vmem>>, vector<16xi32>,
    }
    %scan3A_7 = arith.constant 64 : i32
    %add3A_8 = arith.constant 1 : i32
    %add3A_9 = arith.addi %add3A_8, %mul3A_2 : i32
    %mul3A_10 = arith.constant 8 : i32
    %mul3A_11 = arith.muli %add3A_9, %mul3A_10 : i32
    %dma_start3A = arith.constant 0 : i32
    %dma_start3A_12 = tpu.memref_slice %arg8[%dma_start3A] : memref<1024xi32, #tpu.memory_space<vmem>> -> memref<32xi32, #tpu.memory_space<vmem>>
    %dma_start3A_13 = arith.constant 0 : i32
    %dma_start3A_14 = arith.constant 0 : i32
    %dma_start3A_15 = tpu.memref_slice %arg2[%dma_start3A_13, %dma_start3A_14] : memref<32768x768xf32, #tpu.memory_space<hbm>> -> memref<32768x768xf32, #tpu.memory_space<hbm>>
    tpu.enqueue_indirect_dma source(%dma_start3A_15 : memref<32768x768xf32, #tpu.memory_space<hbm>>) target(%arg9 : memref<32x768xf32, #tpu.memory_space<vmem>>) offsets(%dma_start3A_12 : memref<32xi32, #tpu.memory_space<vmem>>) semaphore(%arg14 : memref<!tpu.dma_semaphore, #tpu.memory_space<semaphore_mem>>)
    %dma_start3A_16 = arith.constant 32 : i32
    %dma_start3A_17 = tpu.memref_slice %arg8[%dma_start3A_16] : memref<1024xi32, #tpu.memory_space<vmem>> -> memref<32xi32, #tpu.memory_space<vmem>>
    %dma_start3A_18 = arith.constant 0 : i32
    %dma_start3A_19 = arith.constant 0 : i32
    %dma_start3A_20 = tpu.memref_slice %arg2[%dma_start3A_18, %dma_start3A_19] : memref<32768x768xf32, #tpu.memory_space<hbm>> -> memref<32768x768xf32, #tpu.memory_space<hbm>>
    tpu.enqueue_indirect_dma source(%dma_start3A_20 : memref<32768x768xf32, #tpu.memory_space<hbm>>) target(%arg10 : memref<32x768xf32, #tpu.memory_space<vmem>>) offsets(%dma_start3A_17 : memref<32xi32, #tpu.memory_space<vmem>>) semaphore(%arg15 : memref<!tpu.dma_semaphore, #tpu.memory_space<semaphore_mem>>)
    %dma_start3A_21 = arith.constant 64 : i32
    %dma_start3A_22 = tpu.memref_slice %arg8[%dma_start3A_21] : memref<1024xi32, #tpu.memory_space<vmem>> -> memref<32xi32, #tpu.memory_space<vmem>>
    %dma_start3A_23 = arith.constant 0 : i32
    %dma_start3A_24 = arith.constant 0 : i32
    %dma_start3A_25 = tpu.memref_slice %arg2[%dma_start3A_23, %dma_start3A_24] : memref<32768x768xf32, #tpu.memory_space<hbm>> -> memref<32768x768xf32, #tpu.memory_space<hbm>>
    tpu.enqueue_indirect_dma source(%dma_start3A_25 : memref<32768x768xf32, #tpu.memory_space<hbm>>) target(%arg11 : memref<32x768xf32, #tpu.memory_space<vmem>>) offsets(%dma_start3A_22 : memref<32xi32, #tpu.memory_space<vmem>>) semaphore(%arg16 : memref<!tpu.dma_semaphore, #tpu.memory_space<semaphore_mem>>)
    %dma_start3A_26 = arith.constant 96 : i32
    %dma_start3A_27 = tpu.memref_slice %arg8[%dma_start3A_26] : memref<1024xi32, #tpu.memory_space<vmem>> -> memref<32xi32, #tpu.memory_space<vmem>>
    %dma_start3A_28 = arith.constant 0 : i32
    %dma_start3A_29 = arith.constant 0 : i32
    %dma_start3A_30 = tpu.memref_slice %arg2[%dma_start3A_28, %dma_start3A_29] : memref<32768x768xf32, #tpu.memory_space<hbm>> -> memref<32768x768xf32, #tpu.memory_space<hbm>>
    tpu.enqueue_indirect_dma source(%dma_start3A_30 : memref<32768x768xf32, #tpu.memory_space<hbm>>) target(%arg12 : memref<32x768xf32, #tpu.memory_space<vmem>>) offsets(%dma_start3A_27 : memref<32xi32, #tpu.memory_space<vmem>>) semaphore(%arg17 : memref<!tpu.dma_semaphore, #tpu.memory_space<semaphore_mem>>)
    %dma_start3A_31 = arith.constant 128 : i32
    %dma_start3A_32 = tpu.memref_slice %arg8[%dma_start3A_31] : memref<1024xi32, #tpu.memory_space<vmem>> -> memref<32xi32, #tpu.memory_space<vmem>>
    %dma_start3A_33 = arith.constant 0 : i32
    %dma_start3A_34 = arith.constant 0 : i32
    %dma_start3A_35 = tpu.memref_slice %arg2[%dma_start3A_33, %dma_start3A_34] : memref<32768x768xf32, #tpu.memory_space<hbm>> -> memref<32768x768xf32, #tpu.memory_space<hbm>>
    tpu.enqueue_indirect_dma source(%dma_start3A_35 : memref<32768x768xf32, #tpu.memory_space<hbm>>) target(%arg13 : memref<32x768xf32, #tpu.memory_space<vmem>>) offsets(%dma_start3A_32 : memref<32xi32, #tpu.memory_space<vmem>>) semaphore(%arg18 : memref<!tpu.dma_semaphore, #tpu.memory_space<semaphore_mem>>)
    %dma_wait3A = arith.constant 0 : i32
    %dma_wait3A_36 = tpu.memref_slice %arg8[%dma_wait3A] : memref<1024xi32, #tpu.memory_space<vmem>> -> memref<32xi32, #tpu.memory_space<vmem>>
    %dma_wait3A_37 = arith.constant 0 : i32
    %dma_wait3A_38 = arith.constant 0 : i32
    %dma_wait3A_39 = tpu.memref_slice %arg2[%dma_wait3A_37, %dma_wait3A_38] : memref<32768x768xf32, #tpu.memory_space<hbm>> -> memref<32768x768xf32, #tpu.memory_space<hbm>>
    tpu.wait_indirect_dma semaphore(%arg14 : memref<!tpu.dma_semaphore, #tpu.memory_space<semaphore_mem>>) src(%dma_wait3A_39 : memref<32768x768xf32, #tpu.memory_space<hbm>>) dst(%arg9 : memref<32x768xf32, #tpu.memory_space<vmem>>)
    %add3A_40 = arith.constant 0 : i32
    %add3A_41 = arith.addi %mul3A_11, %add3A_40 : i32
    %dma_start3A_42 = arith.constant 0 : i32
    %dma_start3A_43 = tpu.memref_slice %arg5[%add3A_41, %dma_start3A_42] : memref<32776x768xf32, #tpu.memory_space<hbm>> -> memref<32x768xf32, #tpu.memory_space<hbm>>
    %dma_start3A_44 = arith.constant 0 : i32
    %dma_start3A_45 = tpu.memref_slice %arg5[%add3A_41, %dma_start3A_44] : memref<32776x768xf32, #tpu.memory_space<hbm>> -> memref<32x768xf32, #tpu.memory_space<hbm>>
    tpu.enqueue_dma source(%arg9 : memref<32x768xf32, #tpu.memory_space<vmem>>) target(%dma_start3A_45 : memref<32x768xf32, #tpu.memory_space<hbm>>) target_semaphore(%arg19 : memref<!tpu.dma_semaphore, #tpu.memory_space<semaphore_mem>>)
    %dma_wait3A_46 = arith.constant 0 : i32
    %dma_wait3A_47 = tpu.memref_slice %arg5[%add3A_41, %dma_wait3A_46] : memref<32776x768xf32, #tpu.memory_space<hbm>> -> memref<32x768xf32, #tpu.memory_space<hbm>>
    %dma_wait3A_48 = arith.constant 0 : i32
    %dma_wait3A_49 = tpu.memref_slice %arg5[%add3A_41, %dma_wait3A_48] : memref<32776x768xf32, #tpu.memory_space<hbm>> -> memref<32x768xf32, #tpu.memory_space<hbm>>
    tpu.wait_dma2 semaphore(%arg19 : memref<!tpu.dma_semaphore, #tpu.memory_space<semaphore_mem>>) src(%arg9 : memref<32x768xf32, #tpu.memory_space<vmem>>) dst(%dma_wait3A_49 : memref<32x768xf32, #tpu.memory_space<hbm>>)
    %dma_start3A_50 = arith.constant 160 : i32
    %dma_start3A_51 = tpu.memref_slice %arg8[%dma_start3A_50] : memref<1024xi32, #tpu.memory_space<vmem>> -> memref<32xi32, #tpu.memory_space<vmem>>
    %dma_start3A_52 = arith.constant 0 : i32
    %dma_start3A_53 = arith.constant 0 : i32
    %dma_start3A_54 = tpu.memref_slice %arg2[%dma_start3A_52, %dma_start3A_53] : memref<32768x768xf32, #tpu.memory_space<hbm>> -> memref<32768x768xf32, #tpu.memory_space<hbm>>
    tpu.enqueue_indirect_dma source(%dma_start3A_54 : memref<32768x768xf32, #tpu.memory_space<hbm>>) target(%arg9 : memref<32x768xf32, #tpu.memory_space<vmem>>) offsets(%dma_start3A_51 : memref<32xi32, #tpu.memory_space<vmem>>) semaphore(%arg14 : memref<!tpu.dma_semaphore, #tpu.memory_space<semaphore_mem>>)
    %dma_wait3A_55 = arith.constant 32 : i32
    %dma_wait3A_56 = tpu.memref_slice %arg8[%dma_wait3A_55] : memref<1024xi32, #tpu.memory_space<vmem>> -> memref<32xi32, #tpu.memory_space<vmem>>
    %dma_wait3A_57 = arith.constant 0 : i32
    %dma_wait3A_58 = arith.constant 0 : i32
    %dma_wait3A_59 = tpu.memref_slice %arg2[%dma_wait3A_57, %dma_wait3A_58] : memref<32768x768xf32, #tpu.memory_space<hbm>> -> memref<32768x768xf32, #tpu.memory_space<hbm>>
    tpu.wait_indirect_dma semaphore(%arg15 : memref<!tpu.dma_semaphore, #tpu.memory_space<semaphore_mem>>) src(%dma_wait3A_59 : memref<32768x768xf32, #tpu.memory_space<hbm>>) dst(%arg10 : memref<32x768xf32, #tpu.memory_space<vmem>>)
    %add3A_60 = arith.constant 32 : i32
    %add3A_61 = arith.addi %mul3A_11, %add3A_60 : i32
    %dma_start3A_62 = arith.constant 0 : i32
    %dma_start3A_63 = tpu.memref_slice %arg5[%add3A_61, %dma_start3A_62] : memref<32776x768xf32, #tpu.memory_space<hbm>> -> memref<32x768xf32, #tpu.memory_space<hbm>>
    %dma_start3A_64 = arith.constant 0 : i32
    %dma_start3A_65 = tpu.memref_slice %arg5[%add3A_61, %dma_start3A_64] : memref<32776x768xf32, #tpu.memory_space<hbm>> -> memref<32x768xf32, #tpu.memory_space<hbm>>
    tpu.enqueue_dma source(%arg10 : memref<32x768xf32, #tpu.memory_space<vmem>>) target(%dma_start3A_65 : memref<32x768xf32, #tpu.memory_space<hbm>>) target_semaphore(%arg20 : memref<!tpu.dma_semaphore, #tpu.memory_space<semaphore_mem>>)
    %dma_wait3A_66 = arith.constant 0 : i32
    %dma_wait3A_67 = tpu.memref_slice %arg5[%add3A_61, %dma_wait3A_66] : memref<32776x768xf32, #tpu.memory_space<hbm>> -> memref<32x768xf32, #tpu.memory_space<hbm>>
    %dma_wait3A_68 = arith.constant 0 : i32
    %dma_wait3A_69 = tpu.memref_slice %arg5[%add3A_61, %dma_wait3A_68] : memref<32776x768xf32, #tpu.memory_space<hbm>> -> memref<32x768xf32, #tpu.memory_space<hbm>>
    tpu.wait_dma2 semaphore(%arg20 : memref<!tpu.dma_semaphore, #tpu.memory_space<semaphore_mem>>) src(%arg10 : memref<32x768xf32, #tpu.memory_space<vmem>>) dst(%dma_wait3A_69 : memref<32x768xf32, #tpu.memory_space<hbm>>)
    %dma_start3A_70 = arith.constant 192 : i32
    %dma_start3A_71 = tpu.memref_slice %arg8[%dma_start3A_70] : memref<1024xi32, #tpu.memory_space<vmem>> -> memref<32xi32, #tpu.memory_space<vmem>>
    %dma_start3A_72 = arith.constant 0 : i32
    %dma_start3A_73 = arith.constant 0 : i32
    %dma_start3A_74 = tpu.memref_slice %arg2[%dma_start3A_72, %dma_start3A_73] : memref<32768x768xf32, #tpu.memory_space<hbm>> -> memref<32768x768xf32, #tpu.memory_space<hbm>>
    tpu.enqueue_indirect_dma source(%dma_start3A_74 : memref<32768x768xf32, #tpu.memory_space<hbm>>) target(%arg10 : memref<32x768xf32, #tpu.memory_space<vmem>>) offsets(%dma_start3A_71 : memref<32xi32, #tpu.memory_space<vmem>>) semaphore(%arg15 : memref<!tpu.dma_semaphore, #tpu.memory_space<semaphore_mem>>)
    %dma_wait3A_75 = arith.constant 64 : i32
    %dma_wait3A_76 = tpu.memref_slice %arg8[%dma_wait3A_75] : memref<1024xi32, #tpu.memory_space<vmem>> -> memref<32xi32, #tpu.memory_space<vmem>>
    %dma_wait3A_77 = arith.constant 0 : i32
    %dma_wait3A_78 = arith.constant 0 : i32
    %dma_wait3A_79 = tpu.memref_slice %arg2[%dma_wait3A_77, %dma_wait3A_78] : memref<32768x768xf32, #tpu.memory_space<hbm>> -> memref<32768x768xf32, #tpu.memory_space<hbm>>
    tpu.wait_indirect_dma semaphore(%arg16 : memref<!tpu.dma_semaphore, #tpu.memory_space<semaphore_mem>>) src(%dma_wait3A_79 : memref<32768x768xf32, #tpu.memory_space<hbm>>) dst(%arg11 : memref<32x768xf32, #tpu.memory_space<vmem>>)
    %add3A_80 = arith.constant 64 : i32
    %add3A_81 = arith.addi %mul3A_11, %add3A_80 : i32
    %dma_start3A_82 = arith.constant 0 : i32
    %dma_start3A_83 = tpu.memref_slice %arg5[%add3A_81, %dma_start3A_82] : memref<32776x768xf32, #tpu.memory_space<hbm>> -> memref<32x768xf32, #tpu.memory_space<hbm>>
    %dma_start3A_84 = arith.constant 0 : i32
    %dma_start3A_85 = tpu.memref_slice %arg5[%add3A_81, %dma_start3A_84] : memref<32776x768xf32, #tpu.memory_space<hbm>> -> memref<32x768xf32, #tpu.memory_space<hbm>>
    tpu.enqueue_dma source(%arg11 : memref<32x768xf32, #tpu.memory_space<vmem>>) target(%dma_start3A_85 : memref<32x768xf32, #tpu.memory_space<hbm>>) target_semaphore(%arg21 : memref<!tpu.dma_semaphore, #tpu.memory_space<semaphore_mem>>)
    %dma_wait3A_86 = arith.constant 0 : i32
    %dma_wait3A_87 = tpu.memref_slice %arg5[%add3A_81, %dma_wait3A_86] : memref<32776x768xf32, #tpu.memory_space<hbm>> -> memref<32x768xf32, #tpu.memory_space<hbm>>
    %dma_wait3A_88 = arith.constant 0 : i32
    %dma_wait3A_89 = tpu.memref_slice %arg5[%add3A_81, %dma_wait3A_88] : memref<32776x768xf32, #tpu.memory_space<hbm>> -> memref<32x768xf32, #tpu.memory_space<hbm>>
    tpu.wait_dma2 semaphore(%arg21 : memref<!tpu.dma_semaphore, #tpu.memory_space<semaphore_mem>>) src(%arg11 : memref<32x768xf32, #tpu.memory_space<vmem>>) dst(%dma_wait3A_89 : memref<32x768xf32, #tpu.memory_space<hbm>>)
    %dma_start3A_90 = arith.constant 224 : i32
    %dma_start3A_91 = tpu.memref_slice %arg8[%dma_start3A_90] : memref<1024xi32, #tpu.memory_space<vmem>> -> memref<32xi32, #tpu.memory_space<vmem>>
    %dma_start3A_92 = arith.constant 0 : i32
    %dma_start3A_93 = arith.constant 0 : i32
    %dma_start3A_94 = tpu.memref_slice %arg2[%dma_start3A_92, %dma_start3A_93] : memref<32768x768xf32, #tpu.memory_space<hbm>> -> memref<32768x768xf32, #tpu.memory_space<hbm>>
    tpu.enqueue_indirect_dma source(%dma_start3A_94 : memref<32768x768xf32, #tpu.memory_space<hbm>>) target(%arg11 : memref<32x768xf32, #tpu.memory_space<vmem>>) offsets(%dma_start3A_91 : memref<32xi32, #tpu.memory_space<vmem>>) semaphore(%arg16 : memref<!tpu.dma_semaphore, #tpu.memory_space<semaphore_mem>>)
    %dma_wait3A_95 = arith.constant 96 : i32
    %dma_wait3A_96 = tpu.memref_slice %arg8[%dma_wait3A_95] : memref<1024xi32, #tpu.memory_space<vmem>> -> memref<32xi32, #tpu.memory_space<vmem>>
    %dma_wait3A_97 = arith.constant 0 : i32
    %dma_wait3A_98 = arith.constant 0 : i32
    %dma_wait3A_99 = tpu.memref_slice %arg2[%dma_wait3A_97, %dma_wait3A_98] : memref<32768x768xf32, #tpu.memory_space<hbm>> -> memref<32768x768xf32, #tpu.memory_space<hbm>>
    tpu.wait_indirect_dma semaphore(%arg17 : memref<!tpu.dma_semaphore, #tpu.memory_space<semaphore_mem>>) src(%dma_wait3A_99 : memref<32768x768xf32, #tpu.memory_space<hbm>>) dst(%arg12 : memref<32x768xf32, #tpu.memory_space<vmem>>)
    %add3A_100 = arith.constant 96 : i32
    %add3A_101 = arith.addi %mul3A_11, %add3A_100 : i32
    %dma_start3A_102 = arith.constant 0 : i32
    %dma_start3A_103 = tpu.memref_slice %arg5[%add3A_101, %dma_start3A_102] : memref<32776x768xf32, #tpu.memory_space<hbm>> -> memref<32x768xf32, #tpu.memory_space<hbm>>
    %dma_start3A_104 = arith.constant 0 : i32
    %dma_start3A_105 = tpu.memref_slice %arg5[%add3A_101, %dma_start3A_104] : memref<32776x768xf32, #tpu.memory_space<hbm>> -> memref<32x768xf32, #tpu.memory_space<hbm>>
    tpu.enqueue_dma source(%arg12 : memref<32x768xf32, #tpu.memory_space<vmem>>) target(%dma_start3A_105 : memref<32x768xf32, #tpu.memory_space<hbm>>) target_semaphore(%arg22 : memref<!tpu.dma_semaphore, #tpu.memory_space<semaphore_mem>>)
    %dma_wait3A_106 = arith.constant 0 : i32
    %dma_wait3A_107 = tpu.memref_slice %arg5[%add3A_101, %dma_wait3A_106] : memref<32776x768xf32, #tpu.memory_space<hbm>> -> memref<32x768xf32, #tpu.memory_space<hbm>>
    %dma_wait3A_108 = arith.constant 0 : i32
    %dma_wait3A_109 = tpu.memref_slice %arg5[%add3A_101, %dma_wait3A_108] : memref<32776x768xf32, #tpu.memory_space<hbm>> -> memref<32x768xf32, #tpu.memory_space<hbm>>
    tpu.wait_dma2 semaphore(%arg22 : memref<!tpu.dma_semaphore, #tpu.memory_space<semaphore_mem>>) src(%arg12 : memref<32x768xf32, #tpu.memory_space<vmem>>) dst(%dma_wait3A_109 : memref<32x768xf32, #tpu.memory_space<hbm>>)
    %dma_start3A_110 = arith.constant 256 : i32
    %dma_start3A_111 = tpu.memref_slice %arg8[%dma_start3A_110] : memref<1024xi32, #tpu.memory_space<vmem>> -> memref<32xi32, #tpu.memory_space<vmem>>
    %dma_start3A_112 = arith.constant 0 : i32
    %dma_start3A_113 = arith.constant 0 : i32
    %dma_start3A_114 = tpu.memref_slice %arg2[%dma_start3A_112, %dma_start3A_113] : memref<32768x768xf32, #tpu.memory_space<hbm>> -> memref<32768x768xf32, #tpu.memory_space<hbm>>
    tpu.enqueue_indirect_dma source(%dma_start3A_114 : memref<32768x768xf32, #tpu.memory_space<hbm>>) target(%arg12 : memref<32x768xf32, #tpu.memory_space<vmem>>) offsets(%dma_start3A_111 : memref<32xi32, #tpu.memory_space<vmem>>) semaphore(%arg17 : memref<!tpu.dma_semaphore, #tpu.memory_space<semaphore_mem>>)
    %dma_wait3A_115 = arith.constant 128 : i32
    %dma_wait3A_116 = tpu.memref_slice %arg8[%dma_wait3A_115] : memref<1024xi32, #tpu.memory_space<vmem>> -> memref<32xi32, #tpu.memory_space<vmem>>
    %dma_wait3A_117 = arith.constant 0 : i32
    %dma_wait3A_118 = arith.constant 0 : i32
    %dma_wait3A_119 = tpu.memref_slice %arg2[%dma_wait3A_117, %dma_wait3A_118] : memref<32768x768xf32, #tpu.memory_space<hbm>> -> memref<32768x768xf32, #tpu.memory_space<hbm>>
    tpu.wait_indirect_dma semaphore(%arg18 : memref<!tpu.dma_semaphore, #tpu.memory_space<semaphore_mem>>) src(%dma_wait3A_119 : memref<32768x768xf32, #tpu.memory_space<hbm>>) dst(%arg13 : memref<32x768xf32, #tpu.memory_space<vmem>>)
    %add3A_120 = arith.constant 128 : i32
    %add3A_121 = arith.addi %mul3A_11, %add3A_120 : i32
    %dma_start3A_122 = arith.constant 0 : i32
    %dma_start3A_123 = tpu.memref_slice %arg5[%add3A_121, %dma_start3A_122] : memref<32776x768xf32, #tpu.memory_space<hbm>> -> memref<32x768xf32, #tpu.memory_space<hbm>>
    %dma_start3A_124 = arith.constant 0 : i32
    %dma_start3A_125 = tpu.memref_slice %arg5[%add3A_121, %dma_start3A_124] : memref<32776x768xf32, #tpu.memory_space<hbm>> -> memref<32x768xf32, #tpu.memory_space<hbm>>
    tpu.enqueue_dma source(%arg13 : memref<32x768xf32, #tpu.memory_space<vmem>>) target(%dma_start3A_125 : memref<32x768xf32, #tpu.memory_space<hbm>>) target_semaphore(%arg23 : memref<!tpu.dma_semaphore, #tpu.memory_space<semaphore_mem>>)
    %dma_wait3A_126 = arith.constant 0 : i32
    %dma_wait3A_127 = tpu.memref_slice %arg5[%add3A_121, %dma_wait3A_126] : memref<32776x768xf32, #tpu.memory_space<hbm>> -> memref<32x768xf32, #tpu.memory_space<hbm>>
    %dma_wait3A_128 = arith.constant 0 : i32
    %dma_wait3A_129 = tpu.memref_slice %arg5[%add3A_121, %dma_wait3A_128] : memref<32776x768xf32, #tpu.memory_space<hbm>> -> memref<32x768xf32, #tpu.memory_space<hbm>>
    tpu.wait_dma2 semaphore(%arg23 : memref<!tpu.dma_semaphore, #tpu.memory_space<semaphore_mem>>) src(%arg13 : memref<32x768xf32, #tpu.memory_space<vmem>>) dst(%dma_wait3A_129 : memref<32x768xf32, #tpu.memory_space<hbm>>)
    %dma_start3A_130 = arith.constant 288 : i32
    %dma_start3A_131 = tpu.memref_slice %arg8[%dma_start3A_130] : memref<1024xi32, #tpu.memory_space<vmem>> -> memref<32xi32, #tpu.memory_space<vmem>>
    %dma_start3A_132 = arith.constant 0 : i32
    %dma_start3A_133 = arith.constant 0 : i32
    %dma_start3A_134 = tpu.memref_slice %arg2[%dma_start3A_132, %dma_start3A_133] : memref<32768x768xf32, #tpu.memory_space<hbm>> -> memref<32768x768xf32, #tpu.memory_space<hbm>>
    tpu.enqueue_indirect_dma source(%dma_start3A_134 : memref<32768x768xf32, #tpu.memory_space<hbm>>) target(%arg13 : memref<32x768xf32, #tpu.memory_space<vmem>>) offsets(%dma_start3A_131 : memref<32xi32, #tpu.memory_space<vmem>>) semaphore(%arg18 : memref<!tpu.dma_semaphore, #tpu.memory_space<semaphore_mem>>)
    %dma_wait3A_135 = arith.constant 160 : i32
    %dma_wait3A_136 = tpu.memref_slice %arg8[%dma_wait3A_135] : memref<1024xi32, #tpu.memory_space<vmem>> -> memref<32xi32, #tpu.memory_space<vmem>>
    %dma_wait3A_137 = arith.constant 0 : i32
    %dma_wait3A_138 = arith.constant 0 : i32
    %dma_wait3A_139 = tpu.memref_slice %arg2[%dma_wait3A_137, %dma_wait3A_138] : memref<32768x768xf32, #tpu.memory_space<hbm>> -> memref<32768x768xf32, #tpu.memory_space<hbm>>
    tpu.wait_indirect_dma semaphore(%arg14 : memref<!tpu.dma_semaphore, #tpu.memory_space<semaphore_mem>>) src(%dma_wait3A_139 : memref<32768x768xf32, #tpu.memory_space<hbm>>) dst(%arg9 : memref<32x768xf32, #tpu.memory_space<vmem>>)
    %add3A_140 = arith.constant 160 : i32
    %add3A_141 = arith.addi %mul3A_11, %add3A_140 : i32
    %dma_start3A_142 = arith.constant 0 : i32
    %dma_start3A_143 = tpu.memref_slice %arg5[%add3A_141, %dma_start3A_142] : memref<32776x768xf32, #tpu.memory_space<hbm>> -> memref<32x768xf32, #tpu.memory_space<hbm>>
    %dma_start3A_144 = arith.constant 0 : i32
    %dma_start3A_145 = tpu.memref_slice %arg5[%add3A_141, %dma_start3A_144] : memref<32776x768xf32, #tpu.memory_space<hbm>> -> memref<32x768xf32, #tpu.memory_space<hbm>>
    tpu.enqueue_dma source(%arg9 : memref<32x768xf32, #tpu.memory_space<vmem>>) target(%dma_start3A_145 : memref<32x768xf32, #tpu.memory_space<hbm>>) target_semaphore(%arg19 : memref<!tpu.dma_semaphore, #tpu.memory_space<semaphore_mem>>)
    %dma_wait3A_146 = arith.constant 0 : i32
    %dma_wait3A_147 = tpu.memref_slice %arg5[%add3A_141, %dma_wait3A_146] : memref<32776x768xf32, #tpu.memory_space<hbm>> -> memref<32x768xf32, #tpu.memory_space<hbm>>
    %dma_wait3A_148 = arith.constant 0 : i32
    %dma_wait3A_149 = tpu.memref_slice %arg5[%add3A_141, %dma_wait3A_148] : memref<32776x768xf32, #tpu.memory_space<hbm>> -> memref<32x768xf32, #tpu.memory_space<hbm>>
    tpu.wait_dma2 semaphore(%arg19 : memref<!tpu.dma_semaphore, #tpu.memory_space<semaphore_mem>>) src(%arg9 : memref<32x768xf32, #tpu.memory_space<vmem>>) dst(%dma_wait3A_149 : memref<32x768xf32, #tpu.memory_space<hbm>>)
    %dma_start3A_150 = arith.constant 320 : i32
    %dma_start3A_151 = tpu.memref_slice %arg8[%dma_start3A_150] : memref<1024xi32, #tpu.memory_space<vmem>> -> memref<32xi32, #tpu.memory_space<vmem>>
    %dma_start3A_152 = arith.constant 0 : i32
    %dma_start3A_153 = arith.constant 0 : i32
    %dma_start3A_154 = tpu.memref_slice %arg2[%dma_start3A_152, %dma_start3A_153] : memref<32768x768xf32, #tpu.memory_space<hbm>> -> memref<32768x768xf32, #tpu.memory_space<hbm>>
    tpu.enqueue_indirect_dma source(%dma_start3A_154 : memref<32768x768xf32, #tpu.memory_space<hbm>>) target(%arg9 : memref<32x768xf32, #tpu.memory_space<vmem>>) offsets(%dma_start3A_151 : memref<32xi32, #tpu.memory_space<vmem>>) semaphore(%arg14 : memref<!tpu.dma_semaphore, #tpu.memory_space<semaphore_mem>>)
    %dma_wait3A_155 = arith.constant 192 : i32
    %dma_wait3A_156 = tpu.memref_slice %arg8[%dma_wait3A_155] : memref<1024xi32, #tpu.memory_space<vmem>> -> memref<32xi32, #tpu.memory_space<vmem>>
    %dma_wait3A_157 = arith.constant 0 : i32
    %dma_wait3A_158 = arith.constant 0 : i32
    %dma_wait3A_159 = tpu.memref_slice %arg2[%dma_wait3A_157, %dma_wait3A_158] : memref<32768x768xf32, #tpu.memory_space<hbm>> -> memref<32768x768xf32, #tpu.memory_space<hbm>>
    tpu.wait_indirect_dma semaphore(%arg15 : memref<!tpu.dma_semaphore, #tpu.memory_space<semaphore_mem>>) src(%dma_wait3A_159 : memref<32768x768xf32, #tpu.memory_space<hbm>>) dst(%arg10 : memref<32x768xf32, #tpu.memory_space<vmem>>)
    %add3A_160 = arith.constant 192 : i32
    %add3A_161 = arith.addi %mul3A_11, %add3A_160 : i32
    %dma_start3A_162 = arith.constant 0 : i32
    %dma_start3A_163 = tpu.memref_slice %arg5[%add3A_161, %dma_start3A_162] : memref<32776x768xf32, #tpu.memory_space<hbm>> -> memref<32x768xf32, #tpu.memory_space<hbm>>
    %dma_start3A_164 = arith.constant 0 : i32
    %dma_start3A_165 = tpu.memref_slice %arg5[%add3A_161, %dma_start3A_164] : memref<32776x768xf32, #tpu.memory_space<hbm>> -> memref<32x768xf32, #tpu.memory_space<hbm>>
    tpu.enqueue_dma source(%arg10 : memref<32x768xf32, #tpu.memory_space<vmem>>) target(%dma_start3A_165 : memref<32x768xf32, #tpu.memory_space<hbm>>) target_semaphore(%arg20 : memref<!tpu.dma_semaphore, #tpu.memory_space<semaphore_mem>>)
    %dma_wait3A_166 = arith.constant 0 : i32
    %dma_wait3A_167 = tpu.memref_slice %arg5[%add3A_161, %dma_wait3A_166] : memref<32776x768xf32, #tpu.memory_space<hbm>> -> memref<32x768xf32, #tpu.memory_space<hbm>>
    %dma_wait3A_168 = arith.constant 0 : i32
    %dma_wait3A_169 = tpu.memref_slice %arg5[%add3A_161, %dma_wait3A_168] : memref<32776x768xf32, #tpu.memory_space<hbm>> -> memref<32x768xf32, #tpu.memory_space<hbm>>
    tpu.wait_dma2 semaphore(%arg20 : memref<!tpu.dma_semaphore, #tpu.memory_space<semaphore_mem>>) src(%arg10 : memref<32x768xf32, #tpu.memory_space<vmem>>) dst(%dma_wait3A_169 : memref<32x768xf32, #tpu.memory_space<hbm>>)
    %dma_start3A_170 = arith.constant 352 : i32
    %dma_start3A_171 = tpu.memref_slice %arg8[%dma_start3A_170] : memref<1024xi32, #tpu.memory_space<vmem>> -> memref<32xi32, #tpu.memory_space<vmem>>
    %dma_start3A_172 = arith.constant 0 : i32
    %dma_start3A_173 = arith.constant 0 : i32
    %dma_start3A_174 = tpu.memref_slice %arg2[%dma_start3A_172, %dma_start3A_173] : memref<32768x768xf32, #tpu.memory_space<hbm>> -> memref<32768x768xf32, #tpu.memory_space<hbm>>
    tpu.enqueue_indirect_dma source(%dma_start3A_174 : memref<32768x768xf32, #tpu.memory_space<hbm>>) target(%arg10 : memref<32x768xf32, #tpu.memory_space<vmem>>) offsets(%dma_start3A_171 : memref<32xi32, #tpu.memory_space<vmem>>) semaphore(%arg15 : memref<!tpu.dma_semaphore, #tpu.memory_space<semaphore_mem>>)
    %dma_wait3A_175 = arith.constant 224 : i32
    %dma_wait3A_176 = tpu.memref_slice %arg8[%dma_wait3A_175] : memref<1024xi32, #tpu.memory_space<vmem>> -> memref<32xi32, #tpu.memory_space<vmem>>
    %dma_wait3A_177 = arith.constant 0 : i32
    %dma_wait3A_178 = arith.constant 0 : i32
    %dma_wait3A_179 = tpu.memref_slice %arg2[%dma_wait3A_177, %dma_wait3A_178] : memref<32768x768xf32, #tpu.memory_space<hbm>> -> memref<32768x768xf32, #tpu.memory_space<hbm>>
    tpu.wait_indirect_dma semaphore(%arg16 : memref<!tpu.dma_semaphore, #tpu.memory_space<semaphore_mem>>) src(%dma_wait3A_179 : memref<32768x768xf32, #tpu.memory_space<hbm>>) dst(%arg11 : memref<32x768xf32, #tpu.memory_space<vmem>>)
    %add3A_180 = arith.constant 224 : i32
    %add3A_181 = arith.addi %mul3A_11, %add3A_180 : i32
    %dma_start3A_182 = arith.constant 0 : i32
    %dma_start3A_183 = tpu.memref_slice %arg5[%add3A_181, %dma_start3A_182] : memref<32776x768xf32, #tpu.memory_space<hbm>> -> memref<32x768xf32, #tpu.memory_space<hbm>>
    %dma_start3A_184 = arith.constant 0 : i32
    %dma_start3A_185 = tpu.memref_slice %arg5[%add3A_181, %dma_start3A_184] : memref<32776x768xf32, #tpu.memory_space<hbm>> -> memref<32x768xf32, #tpu.memory_space<hbm>>
    tpu.enqueue_dma source(%arg11 : memref<32x768xf32, #tpu.memory_space<vmem>>) target(%dma_start3A_185 : memref<32x768xf32, #tpu.memory_space<hbm>>) target_semaphore(%arg21 : memref<!tpu.dma_semaphore, #tpu.memory_space<semaphore_mem>>)
    %dma_wait3A_186 = arith.constant 0 : i32
    %dma_wait3A_187 = tpu.memref_slice %arg5[%add3A_181, %dma_wait3A_186] : memref<32776x768xf32, #tpu.memory_space<hbm>> -> memref<32x768xf32, #tpu.memory_space<hbm>>
    %dma_wait3A_188 = arith.constant 0 : i32
    %dma_wait3A_189 = tpu.memref_slice %arg5[%add3A_181, %dma_wait3A_188] : memref<32776x768xf32, #tpu.memory_space<hbm>> -> memref<32x768xf32, #tpu.memory_space<hbm>>
    tpu.wait_dma2 semaphore(%arg21 : memref<!tpu.dma_semaphore, #tpu.memory_space<semaphore_mem>>) src(%arg11 : memref<32x768xf32, #tpu.memory_space<vmem>>) dst(%dma_wait3A_189 : memref<32x768xf32, #tpu.memory_space<hbm>>)
    %dma_start3A_190 = arith.constant 384 : i32
    %dma_start3A_191 = tpu.memref_slice %arg8[%dma_start3A_190] : memref<1024xi32, #tpu.memory_space<vmem>> -> memref<32xi32, #tpu.memory_space<vmem>>
    %dma_start3A_192 = arith.constant 0 : i32
    %dma_start3A_193 = arith.constant 0 : i32
    %dma_start3A_194 = tpu.memref_slice %arg2[%dma_start3A_192, %dma_start3A_193] : memref<32768x768xf32, #tpu.memory_space<hbm>> -> memref<32768x768xf32, #tpu.memory_space<hbm>>
    tpu.enqueue_indirect_dma source(%dma_start3A_194 : memref<32768x768xf32, #tpu.memory_space<hbm>>) target(%arg11 : memref<32x768xf32, #tpu.memory_space<vmem>>) offsets(%dma_start3A_191 : memref<32xi32, #tpu.memory_space<vmem>>) semaphore(%arg16 : memref<!tpu.dma_semaphore, #tpu.memory_space<semaphore_mem>>)
    %dma_wait3A_195 = arith.constant 256 : i32
    %dma_wait3A_196 = tpu.memref_slice %arg8[%dma_wait3A_195] : memref<1024xi32, #tpu.memory_space<vmem>> -> memref<32xi32, #tpu.memory_space<vmem>>
    %dma_wait3A_197 = arith.constant 0 : i32
    %dma_wait3A_198 = arith.constant 0 : i32
    %dma_wait3A_199 = tpu.memref_slice %arg2[%dma_wait3A_197, %dma_wait3A_198] : memref<32768x768xf32, #tpu.memory_space<hbm>> -> memref<32768x768xf32, #tpu.memory_space<hbm>>
    tpu.wait_indirect_dma semaphore(%arg17 : memref<!tpu.dma_semaphore, #tpu.memory_space<semaphore_mem>>) src(%dma_wait3A_199 : memref<32768x768xf32, #tpu.memory_space<hbm>>) dst(%arg12 : memref<32x768xf32, #tpu.memory_space<vmem>>)
    %add3A_200 = arith.constant 256 : i32
    %add3A_201 = arith.addi %mul3A_11, %add3A_200 : i32
    %dma_start3A_202 = arith.constant 0 : i32
    %dma_start3A_203 = tpu.memref_slice %arg5[%add3A_201, %dma_start3A_202] : memref<32776x768xf32, #tpu.memory_space<hbm>> -> memref<32x768xf32, #tpu.memory_space<hbm>>
    %dma_start3A_204 = arith.constant 0 : i32
    %dma_start3A_205 = tpu.memref_slice %arg5[%add3A_201, %dma_start3A_204] : memref<32776x768xf32, #tpu.memory_space<hbm>> -> memref<32x768xf32, #tpu.memory_space<hbm>>
    tpu.enqueue_dma source(%arg12 : memref<32x768xf32, #tpu.memory_space<vmem>>) target(%dma_start3A_205 : memref<32x768xf32, #tpu.memory_space<hbm>>) target_semaphore(%arg22 : memref<!tpu.dma_semaphore, #tpu.memory_space<semaphore_mem>>)
    %dma_wait3A_206 = arith.constant 0 : i32
    %dma_wait3A_207 = tpu.memref_slice %arg5[%add3A_201, %dma_wait3A_206] : memref<32776x768xf32, #tpu.memory_space<hbm>> -> memref<32x768xf32, #tpu.memory_space<hbm>>
    %dma_wait3A_208 = arith.constant 0 : i32
    %dma_wait3A_209 = tpu.memref_slice %arg5[%add3A_201, %dma_wait3A_208] : memref<32776x768xf32, #tpu.memory_space<hbm>> -> memref<32x768xf32, #tpu.memory_space<hbm>>
    tpu.wait_dma2 semaphore(%arg22 : memref<!tpu.dma_semaphore, #tpu.memory_space<semaphore_mem>>) src(%arg12 : memref<32x768xf32, #tpu.memory_space<vmem>>) dst(%dma_wait3A_209 : memref<32x768xf32, #tpu.memory_space<hbm>>)
    %dma_start3A_210 = arith.constant 416 : i32
    %dma_start3A_211 = tpu.memref_slice %arg8[%dma_start3A_210] : memref<1024xi32, #tpu.memory_space<vmem>> -> memref<32xi32, #tpu.memory_space<vmem>>
    %dma_start3A_212 = arith.constant 0 : i32
    %dma_start3A_213 = arith.constant 0 : i32
    %dma_start3A_214 = tpu.memref_slice %arg2[%dma_start3A_212, %dma_start3A_213] : memref<32768x768xf32, #tpu.memory_space<hbm>> -> memref<32768x768xf32, #tpu.memory_space<hbm>>
    tpu.enqueue_indirect_dma source(%dma_start3A_214 : memref<32768x768xf32, #tpu.memory_space<hbm>>) target(%arg12 : memref<32x768xf32, #tpu.memory_space<vmem>>) offsets(%dma_start3A_211 : memref<32xi32, #tpu.memory_space<vmem>>) semaphore(%arg17 : memref<!tpu.dma_semaphore, #tpu.memory_space<semaphore_mem>>)
    %dma_wait3A_215 = arith.constant 288 : i32
    %dma_wait3A_216 = tpu.memref_slice %arg8[%dma_wait3A_215] : memref<1024xi32, #tpu.memory_space<vmem>> -> memref<32xi32, #tpu.memory_space<vmem>>
    %dma_wait3A_217 = arith.constant 0 : i32
    %dma_wait3A_218 = arith.constant 0 : i32
    %dma_wait3A_219 = tpu.memref_slice %arg2[%dma_wait3A_217, %dma_wait3A_218] : memref<32768x768xf32, #tpu.memory_space<hbm>> -> memref<32768x768xf32, #tpu.memory_space<hbm>>
    tpu.wait_indirect_dma semaphore(%arg18 : memref<!tpu.dma_semaphore, #tpu.memory_space<semaphore_mem>>) src(%dma_wait3A_219 : memref<32768x768xf32, #tpu.memory_space<hbm>>) dst(%arg13 : memref<32x768xf32, #tpu.memory_space<vmem>>)
    %add3A_220 = arith.constant 288 : i32
    %add3A_221 = arith.addi %mul3A_11, %add3A_220 : i32
    %dma_start3A_222 = arith.constant 0 : i32
    %dma_start3A_223 = tpu.memref_slice %arg5[%add3A_221, %dma_start3A_222] : memref<32776x768xf32, #tpu.memory_space<hbm>> -> memref<32x768xf32, #tpu.memory_space<hbm>>
    %dma_start3A_224 = arith.constant 0 : i32
    %dma_start3A_225 = tpu.memref_slice %arg5[%add3A_221, %dma_start3A_224] : memref<32776x768xf32, #tpu.memory_space<hbm>> -> memref<32x768xf32, #tpu.memory_space<hbm>>
    tpu.enqueue_dma source(%arg13 : memref<32x768xf32, #tpu.memory_space<vmem>>) target(%dma_start3A_225 : memref<32x768xf32, #tpu.memory_space<hbm>>) target_semaphore(%arg23 : memref<!tpu.dma_semaphore, #tpu.memory_space<semaphore_mem>>)
    %dma_wait3A_226 = arith.constant 0 : i32
    %dma_wait3A_227 = tpu.memref_slice %arg5[%add3A_221, %dma_wait3A_226] : memref<32776x768xf32, #tpu.memory_space<hbm>> -> memref<32x768xf32, #tpu.memory_space<hbm>>
    %dma_wait3A_228 = arith.constant 0 : i32
    %dma_wait3A_229 = tpu.memref_slice %arg5[%add3A_221, %dma_wait3A_228] : memref<32776x768xf32, #tpu.memory_space<hbm>> -> memref<32x768xf32, #tpu.memory_space<hbm>>
    tpu.wait_dma2 semaphore(%arg23 : memref<!tpu.dma_semaphore, #tpu.memory_space<semaphore_mem>>) src(%arg13 : memref<32x768xf32, #tpu.memory_space<vmem>>) dst(%dma_wait3A_229 : memref<32x768xf32, #tpu.memory_space<hbm>>)
    %dma_start3A_230 = arith.constant 448 : i32
    %dma_start3A_231 = tpu.memref_slice %arg8[%dma_start3A_230] : memref<1024xi32, #tpu.memory_space<vmem>> -> memref<32xi32, #tpu.memory_space<vmem>>
    %dma_start3A_232 = arith.constant 0 : i32
    %dma_start3A_233 = arith.constant 0 : i32
    %dma_start3A_234 = tpu.memref_slice %arg2[%dma_start3A_232, %dma_start3A_233] : memref<32768x768xf32, #tpu.memory_space<hbm>> -> memref<32768x768xf32, #tpu.memory_space<hbm>>
    tpu.enqueue_indirect_dma source(%dma_start3A_234 : memref<32768x768xf32, #tpu.memory_space<hbm>>) target(%arg13 : memref<32x768xf32, #tpu.memory_space<vmem>>) offsets(%dma_start3A_231 : memref<32xi32, #tpu.memory_space<vmem>>) semaphore(%arg18 : memref<!tpu.dma_semaphore, #tpu.memory_space<semaphore_mem>>)
    %dma_wait3A_235 = arith.constant 320 : i32
    %dma_wait3A_236 = tpu.memref_slice %arg8[%dma_wait3A_235] : memref<1024xi32, #tpu.memory_space<vmem>> -> memref<32xi32, #tpu.memory_space<vmem>>
    %dma_wait3A_237 = arith.constant 0 : i32
    %dma_wait3A_238 = arith.constant 0 : i32
    %dma_wait3A_239 = tpu.memref_slice %arg2[%dma_wait3A_237, %dma_wait3A_238] : memref<32768x768xf32, #tpu.memory_space<hbm>> -> memref<32768x768xf32, #tpu.memory_space<hbm>>
    tpu.wait_indirect_dma semaphore(%arg14 : memref<!tpu.dma_semaphore, #tpu.memory_space<semaphore_mem>>) src(%dma_wait3A_239 : memref<32768x768xf32, #tpu.memory_space<hbm>>) dst(%arg9 : memref<32x768xf32, #tpu.memory_space<vmem>>)
    %add3A_240 = arith.constant 320 : i32
    %add3A_241 = arith.addi %mul3A_11, %add3A_240 : i32
    %dma_start3A_242 = arith.constant 0 : i32
    %dma_start3A_243 = tpu.memref_slice %arg5[%add3A_241, %dma_start3A_242] : memref<32776x768xf32, #tpu.memory_space<hbm>> -> memref<32x768xf32, #tpu.memory_space<hbm>>
    %dma_start3A_244 = arith.constant 0 : i32
    %dma_start3A_245 = tpu.memref_slice %arg5[%add3A_241, %dma_start3A_244] : memref<32776x768xf32, #tpu.memory_space<hbm>> -> memref<32x768xf32, #tpu.memory_space<hbm>>
    tpu.enqueue_dma source(%arg9 : memref<32x768xf32, #tpu.memory_space<vmem>>) target(%dma_start3A_245 : memref<32x768xf32, #tpu.memory_space<hbm>>) target_semaphore(%arg19 : memref<!tpu.dma_semaphore, #tpu.memory_space<semaphore_mem>>)
    %dma_wait3A_246 = arith.constant 0 : i32
    %dma_wait3A_247 = tpu.memref_slice %arg5[%add3A_241, %dma_wait3A_246] : memref<32776x768xf32, #tpu.memory_space<hbm>> -> memref<32x768xf32, #tpu.memory_space<hbm>>
    %dma_wait3A_248 = arith.constant 0 : i32
    %dma_wait3A_249 = tpu.memref_slice %arg5[%add3A_241, %dma_wait3A_248] : memref<32776x768xf32, #tpu.memory_space<hbm>> -> memref<32x768xf32, #tpu.memory_space<hbm>>
    tpu.wait_dma2 semaphore(%arg19 : memref<!tpu.dma_semaphore, #tpu.memory_space<semaphore_mem>>) src(%arg9 : memref<32x768xf32, #tpu.memory_space<vmem>>) dst(%dma_wait3A_249 : memref<32x768xf32, #tpu.memory_space<hbm>>)
    %dma_start3A_250 = arith.constant 480 : i32
    %dma_start3A_251 = tpu.memref_slice %arg8[%dma_start3A_250] : memref<1024xi32, #tpu.memory_space<vmem>> -> memref<32xi32, #tpu.memory_space<vmem>>
    %dma_start3A_252 = arith.constant 0 : i32
    %dma_start3A_253 = arith.constant 0 : i32
    %dma_start3A_254 = tpu.memref_slice %arg2[%dma_start3A_252, %dma_start3A_253] : memref<32768x768xf32, #tpu.memory_space<hbm>> -> memref<32768x768xf32, #tpu.memory_space<hbm>>
    tpu.enqueue_indirect_dma source(%dma_start3A_254 : memref<32768x768xf32, #tpu.memory_space<hbm>>) target(%arg9 : memref<32x768xf32, #tpu.memory_space<vmem>>) offsets(%dma_start3A_251 : memref<32xi32, #tpu.memory_space<vmem>>) semaphore(%arg14 : memref<!tpu.dma_semaphore, #tpu.memory_space<semaphore_mem>>)
    %dma_wait3A_255 = arith.constant 352 : i32
    %dma_wait3A_256 = tpu.memref_slice %arg8[%dma_wait3A_255] : memref<1024xi32, #tpu.memory_space<vmem>> -> memref<32xi32, #tpu.memory_space<vmem>>
    %dma_wait3A_257 = arith.constant 0 : i32
    %dma_wait3A_258 = arith.constant 0 : i32
    %dma_wait3A_259 = tpu.memref_slice %arg2[%dma_wait3A_257, %dma_wait3A_258] : memref<32768x768xf32, #tpu.memory_space<hbm>> -> memref<32768x768xf32, #tpu.memory_space<hbm>>
    tpu.wait_indirect_dma semaphore(%arg15 : memref<!tpu.dma_semaphore, #tpu.memory_space<semaphore_mem>>) src(%dma_wait3A_259 : memref<32768x768xf32, #tpu.memory_space<hbm>>) dst(%arg10 : memref<32x768xf32, #tpu.memory_space<vmem>>)
    %add3A_260 = arith.constant 352 : i32
    %add3A_261 = arith.addi %mul3A_11, %add3A_260 : i32
    %dma_start3A_262 = arith.constant 0 : i32
    %dma_start3A_263 = tpu.memref_slice %arg5[%add3A_261, %dma_start3A_262] : memref<32776x768xf32, #tpu.memory_space<hbm>> -> memref<32x768xf32, #tpu.memory_space<hbm>>
    %dma_start3A_264 = arith.constant 0 : i32
    %dma_start3A_265 = tpu.memref_slice %arg5[%add3A_261, %dma_start3A_264] : memref<32776x768xf32, #tpu.memory_space<hbm>> -> memref<32x768xf32, #tpu.memory_space<hbm>>
    tpu.enqueue_dma source(%arg10 : memref<32x768xf32, #tpu.memory_space<vmem>>) target(%dma_start3A_265 : memref<32x768xf32, #tpu.memory_space<hbm>>) target_semaphore(%arg20 : memref<!tpu.dma_semaphore, #tpu.memory_space<semaphore_mem>>)
    %dma_wait3A_266 = arith.constant 0 : i32
    %dma_wait3A_267 = tpu.memref_slice %arg5[%add3A_261, %dma_wait3A_266] : memref<32776x768xf32, #tpu.memory_space<hbm>> -> memref<32x768xf32, #tpu.memory_space<hbm>>
    %dma_wait3A_268 = arith.constant 0 : i32
    %dma_wait3A_269 = tpu.memref_slice %arg5[%add3A_261, %dma_wait3A_268] : memref<32776x768xf32, #tpu.memory_space<hbm>> -> memref<32x768xf32, #tpu.memory_space<hbm>>
    tpu.wait_dma2 semaphore(%arg20 : memref<!tpu.dma_semaphore, #tpu.memory_space<semaphore_mem>>) src(%arg10 : memref<32x768xf32, #tpu.memory_space<vmem>>) dst(%dma_wait3A_269 : memref<32x768xf32, #tpu.memory_space<hbm>>)
    %dma_start3A_270 = arith.constant 512 : i32
    %dma_start3A_271 = tpu.memref_slice %arg8[%dma_start3A_270] : memref<1024xi32, #tpu.memory_space<vmem>> -> memref<32xi32, #tpu.memory_space<vmem>>
    %dma_start3A_272 = arith.constant 0 : i32
    %dma_start3A_273 = arith.constant 0 : i32
    %dma_start3A_274 = tpu.memref_slice %arg2[%dma_start3A_272, %dma_start3A_273] : memref<32768x768xf32, #tpu.memory_space<hbm>> -> memref<32768x768xf32, #tpu.memory_space<hbm>>
    tpu.enqueue_indirect_dma source(%dma_start3A_274 : memref<32768x768xf32, #tpu.memory_space<hbm>>) target(%arg10 : memref<32x768xf32, #tpu.memory_space<vmem>>) offsets(%dma_start3A_271 : memref<32xi32, #tpu.memory_space<vmem>>) semaphore(%arg15 : memref<!tpu.dma_semaphore, #tpu.memory_space<semaphore_mem>>)
    %dma_wait3A_275 = arith.constant 384 : i32
    %dma_wait3A_276 = tpu.memref_slice %arg8[%dma_wait3A_275] : memref<1024xi32, #tpu.memory_space<vmem>> -> memref<32xi32, #tpu.memory_space<vmem>>
    %dma_wait3A_277 = arith.constant 0 : i32
    %dma_wait3A_278 = arith.constant 0 : i32
    %dma_wait3A_279 = tpu.memref_slice %arg2[%dma_wait3A_277, %dma_wait3A_278] : memref<32768x768xf32, #tpu.memory_space<hbm>> -> memref<32768x768xf32, #tpu.memory_space<hbm>>
    tpu.wait_indirect_dma semaphore(%arg16 : memref<!tpu.dma_semaphore, #tpu.memory_space<semaphore_mem>>) src(%dma_wait3A_279 : memref<32768x768xf32, #tpu.memory_space<hbm>>) dst(%arg11 : memref<32x768xf32, #tpu.memory_space<vmem>>)
    %add3A_280 = arith.constant 384 : i32
    %add3A_281 = arith.addi %mul3A_11, %add3A_280 : i32
    %dma_start3A_282 = arith.constant 0 : i32
    %dma_start3A_283 = tpu.memref_slice %arg5[%add3A_281, %dma_start3A_282] : memref<32776x768xf32, #tpu.memory_space<hbm>> -> memref<32x768xf32, #tpu.memory_space<hbm>>
    %dma_start3A_284 = arith.constant 0 : i32
    %dma_start3A_285 = tpu.memref_slice %arg5[%add3A_281, %dma_start3A_284] : memref<32776x768xf32, #tpu.memory_space<hbm>> -> memref<32x768xf32, #tpu.memory_space<hbm>>
    tpu.enqueue_dma source(%arg11 : memref<32x768xf32, #tpu.memory_space<vmem>>) target(%dma_start3A_285 : memref<32x768xf32, #tpu.memory_space<hbm>>) target_semaphore(%arg21 : memref<!tpu.dma_semaphore, #tpu.memory_space<semaphore_mem>>)
    %dma_wait3A_286 = arith.constant 0 : i32
    %dma_wait3A_287 = tpu.memref_slice %arg5[%add3A_281, %dma_wait3A_286] : memref<32776x768xf32, #tpu.memory_space<hbm>> -> memref<32x768xf32, #tpu.memory_space<hbm>>
    %dma_wait3A_288 = arith.constant 0 : i32
    %dma_wait3A_289 = tpu.memref_slice %arg5[%add3A_281, %dma_wait3A_288] : memref<32776x768xf32, #tpu.memory_space<hbm>> -> memref<32x768xf32, #tpu.memory_space<hbm>>
    tpu.wait_dma2 semaphore(%arg21 : memref<!tpu.dma_semaphore, #tpu.memory_space<semaphore_mem>>) src(%arg11 : memref<32x768xf32, #tpu.memory_space<vmem>>) dst(%dma_wait3A_289 : memref<32x768xf32, #tpu.memory_space<hbm>>)
    %dma_start3A_290 = arith.constant 544 : i32
    %dma_start3A_291 = tpu.memref_slice %arg8[%dma_start3A_290] : memref<1024xi32, #tpu.memory_space<vmem>> -> memref<32xi32, #tpu.memory_space<vmem>>
    %dma_start3A_292 = arith.constant 0 : i32
    %dma_start3A_293 = arith.constant 0 : i32
    %dma_start3A_294 = tpu.memref_slice %arg2[%dma_start3A_292, %dma_start3A_293] : memref<32768x768xf32, #tpu.memory_space<hbm>> -> memref<32768x768xf32, #tpu.memory_space<hbm>>
    tpu.enqueue_indirect_dma source(%dma_start3A_294 : memref<32768x768xf32, #tpu.memory_space<hbm>>) target(%arg11 : memref<32x768xf32, #tpu.memory_space<vmem>>) offsets(%dma_start3A_291 : memref<32xi32, #tpu.memory_space<vmem>>) semaphore(%arg16 : memref<!tpu.dma_semaphore, #tpu.memory_space<semaphore_mem>>)
    %dma_wait3A_295 = arith.constant 416 : i32
    %dma_wait3A_296 = tpu.memref_slice %arg8[%dma_wait3A_295] : memref<1024xi32, #tpu.memory_space<vmem>> -> memref<32xi32, #tpu.memory_space<vmem>>
    %dma_wait3A_297 = arith.constant 0 : i32
    %dma_wait3A_298 = arith.constant 0 : i32
    %dma_wait3A_299 = tpu.memref_slice %arg2[%dma_wait3A_297, %dma_wait3A_298] : memref<32768x768xf32, #tpu.memory_space<hbm>> -> memref<32768x768xf32, #tpu.memory_space<hbm>>
    tpu.wait_indirect_dma semaphore(%arg17 : memref<!tpu.dma_semaphore, #tpu.memory_space<semaphore_mem>>) src(%dma_wait3A_299 : memref<32768x768xf32, #tpu.memory_space<hbm>>) dst(%arg12 : memref<32x768xf32, #tpu.memory_space<vmem>>)
    %add3A_300 = arith.constant 416 : i32
    %add3A_301 = arith.addi %mul3A_11, %add3A_300 : i32
    %dma_start3A_302 = arith.constant 0 : i32
    %dma_start3A_303 = tpu.memref_slice %arg5[%add3A_301, %dma_start3A_302] : memref<32776x768xf32, #tpu.memory_space<hbm>> -> memref<32x768xf32, #tpu.memory_space<hbm>>
    %dma_start3A_304 = arith.constant 0 : i32
    %dma_start3A_305 = tpu.memref_slice %arg5[%add3A_301, %dma_start3A_304] : memref<32776x768xf32, #tpu.memory_space<hbm>> -> memref<32x768xf32, #tpu.memory_space<hbm>>
    tpu.enqueue_dma source(%arg12 : memref<32x768xf32, #tpu.memory_space<vmem>>) target(%dma_start3A_305 : memref<32x768xf32, #tpu.memory_space<hbm>>) target_semaphore(%arg22 : memref<!tpu.dma_semaphore, #tpu.memory_space<semaphore_mem>>)
    %dma_wait3A_306 = arith.constant 0 : i32
    %dma_wait3A_307 = tpu.memref_slice %arg5[%add3A_301, %dma_wait3A_306] : memref<32776x768xf32, #tpu.memory_space<hbm>> -> memref<32x768xf32, #tpu.memory_space<hbm>>
    %dma_wait3A_308 = arith.constant 0 : i32
    %dma_wait3A_309 = tpu.memref_slice %arg5[%add3A_301, %dma_wait3A_308] : memref<32776x768xf32, #tpu.memory_space<hbm>> -> memref<32x768xf32, #tpu.memory_space<hbm>>
    tpu.wait_dma2 semaphore(%arg22 : memref<!tpu.dma_semaphore, #tpu.memory_space<semaphore_mem>>) src(%arg12 : memref<32x768xf32, #tpu.memory_space<vmem>>) dst(%dma_wait3A_309 : memref<32x768xf32, #tpu.memory_space<hbm>>)
    %dma_start3A_310 = arith.constant 576 : i32
    %dma_start3A_311 = tpu.memref_slice %arg8[%dma_start3A_310] : memref<1024xi32, #tpu.memory_space<vmem>> -> memref<32xi32, #tpu.memory_space<vmem>>
    %dma_start3A_312 = arith.constant 0 : i32
    %dma_start3A_313 = arith.constant 0 : i32
    %dma_start3A_314 = tpu.memref_slice %arg2[%dma_start3A_312, %dma_start3A_313] : memref<32768x768xf32, #tpu.memory_space<hbm>> -> memref<32768x768xf32, #tpu.memory_space<hbm>>
    tpu.enqueue_indirect_dma source(%dma_start3A_314 : memref<32768x768xf32, #tpu.memory_space<hbm>>) target(%arg12 : memref<32x768xf32, #tpu.memory_space<vmem>>) offsets(%dma_start3A_311 : memref<32xi32, #tpu.memory_space<vmem>>) semaphore(%arg17 : memref<!tpu.dma_semaphore, #tpu.memory_space<semaphore_mem>>)
    %dma_wait3A_315 = arith.constant 448 : i32
    %dma_wait3A_316 = tpu.memref_slice %arg8[%dma_wait3A_315] : memref<1024xi32, #tpu.memory_space<vmem>> -> memref<32xi32, #tpu.memory_space<vmem>>
    %dma_wait3A_317 = arith.constant 0 : i32
    %dma_wait3A_318 = arith.constant 0 : i32
    %dma_wait3A_319 = tpu.memref_slice %arg2[%dma_wait3A_317, %dma_wait3A_318] : memref<32768x768xf32, #tpu.memory_space<hbm>> -> memref<32768x768xf32, #tpu.memory_space<hbm>>
    tpu.wait_indirect_dma semaphore(%arg18 : memref<!tpu.dma_semaphore, #tpu.memory_space<semaphore_mem>>) src(%dma_wait3A_319 : memref<32768x768xf32, #tpu.memory_space<hbm>>) dst(%arg13 : memref<32x768xf32, #tpu.memory_space<vmem>>)
    %add3A_320 = arith.constant 448 : i32
    %add3A_321 = arith.addi %mul3A_11, %add3A_320 : i32
    %dma_start3A_322 = arith.constant 0 : i32
    %dma_start3A_323 = tpu.memref_slice %arg5[%add3A_321, %dma_start3A_322] : memref<32776x768xf32, #tpu.memory_space<hbm>> -> memref<32x768xf32, #tpu.memory_space<hbm>>
    %dma_start3A_324 = arith.constant 0 : i32
    %dma_start3A_325 = tpu.memref_slice %arg5[%add3A_321, %dma_start3A_324] : memref<32776x768xf32, #tpu.memory_space<hbm>> -> memref<32x768xf32, #tpu.memory_space<hbm>>
    tpu.enqueue_dma source(%arg13 : memref<32x768xf32, #tpu.memory_space<vmem>>) target(%dma_start3A_325 : memref<32x768xf32, #tpu.memory_space<hbm>>) target_semaphore(%arg23 : memref<!tpu.dma_semaphore, #tpu.memory_space<semaphore_mem>>)
    %dma_wait3A_326 = arith.constant 0 : i32
    %dma_wait3A_327 = tpu.memref_slice %arg5[%add3A_321, %dma_wait3A_326] : memref<32776x768xf32, #tpu.memory_space<hbm>> -> memref<32x768xf32, #tpu.memory_space<hbm>>
    %dma_wait3A_328 = arith.constant 0 : i32
    %dma_wait3A_329 = tpu.memref_slice %arg5[%add3A_321, %dma_wait3A_328] : memref<32776x768xf32, #tpu.memory_space<hbm>> -> memref<32x768xf32, #tpu.memory_space<hbm>>
    tpu.wait_dma2 semaphore(%arg23 : memref<!tpu.dma_semaphore, #tpu.memory_space<semaphore_mem>>) src(%arg13 : memref<32x768xf32, #tpu.memory_space<vmem>>) dst(%dma_wait3A_329 : memref<32x768xf32, #tpu.memory_space<hbm>>)
    %dma_start3A_330 = arith.constant 608 : i32
    %dma_start3A_331 = tpu.memref_slice %arg8[%dma_start3A_330] : memref<1024xi32, #tpu.memory_space<vmem>> -> memref<32xi32, #tpu.memory_space<vmem>>
    %dma_start3A_332 = arith.constant 0 : i32
    %dma_start3A_333 = arith.constant 0 : i32
    %dma_start3A_334 = tpu.memref_slice %arg2[%dma_start3A_332, %dma_start3A_333] : memref<32768x768xf32, #tpu.memory_space<hbm>> -> memref<32768x768xf32, #tpu.memory_space<hbm>>
    tpu.enqueue_indirect_dma source(%dma_start3A_334 : memref<32768x768xf32, #tpu.memory_space<hbm>>) target(%arg13 : memref<32x768xf32, #tpu.memory_space<vmem>>) offsets(%dma_start3A_331 : memref<32xi32, #tpu.memory_space<vmem>>) semaphore(%arg18 : memref<!tpu.dma_semaphore, #tpu.memory_space<semaphore_mem>>)
    %dma_wait3A_335 = arith.constant 480 : i32
    %dma_wait3A_336 = tpu.memref_slice %arg8[%dma_wait3A_335] : memref<1024xi32, #tpu.memory_space<vmem>> -> memref<32xi32, #tpu.memory_space<vmem>>
    %dma_wait3A_337 = arith.constant 0 : i32
    %dma_wait3A_338 = arith.constant 0 : i32
    %dma_wait3A_339 = tpu.memref_slice %arg2[%dma_wait3A_337, %dma_wait3A_338] : memref<32768x768xf32, #tpu.memory_space<hbm>> -> memref<32768x768xf32, #tpu.memory_space<hbm>>
    tpu.wait_indirect_dma semaphore(%arg14 : memref<!tpu.dma_semaphore, #tpu.memory_space<semaphore_mem>>) src(%dma_wait3A_339 : memref<32768x768xf32, #tpu.memory_space<hbm>>) dst(%arg9 : memref<32x768xf32, #tpu.memory_space<vmem>>)
    %add3A_340 = arith.constant 480 : i32
    %add3A_341 = arith.addi %mul3A_11, %add3A_340 : i32
    %dma_start3A_342 = arith.constant 0 : i32
    %dma_start3A_343 = tpu.memref_slice %arg5[%add3A_341, %dma_start3A_342] : memref<32776x768xf32, #tpu.memory_space<hbm>> -> memref<32x768xf32, #tpu.memory_space<hbm>>
    %dma_start3A_344 = arith.constant 0 : i32
    %dma_start3A_345 = tpu.memref_slice %arg5[%add3A_341, %dma_start3A_344] : memref<32776x768xf32, #tpu.memory_space<hbm>> -> memref<32x768xf32, #tpu.memory_space<hbm>>
    tpu.enqueue_dma source(%arg9 : memref<32x768xf32, #tpu.memory_space<vmem>>) target(%dma_start3A_345 : memref<32x768xf32, #tpu.memory_space<hbm>>) target_semaphore(%arg19 : memref<!tpu.dma_semaphore, #tpu.memory_space<semaphore_mem>>)
    %dma_wait3A_346 = arith.constant 0 : i32
    %dma_wait3A_347 = tpu.memref_slice %arg5[%add3A_341, %dma_wait3A_346] : memref<32776x768xf32, #tpu.memory_space<hbm>> -> memref<32x768xf32, #tpu.memory_space<hbm>>
    %dma_wait3A_348 = arith.constant 0 : i32
    %dma_wait3A_349 = tpu.memref_slice %arg5[%add3A_341, %dma_wait3A_348] : memref<32776x768xf32, #tpu.memory_space<hbm>> -> memref<32x768xf32, #tpu.memory_space<hbm>>
    tpu.wait_dma2 semaphore(%arg19 : memref<!tpu.dma_semaphore, #tpu.memory_space<semaphore_mem>>) src(%arg9 : memref<32x768xf32, #tpu.memory_space<vmem>>) dst(%dma_wait3A_349 : memref<32x768xf32, #tpu.memory_space<hbm>>)
    %dma_start3A_350 = arith.constant 640 : i32
    %dma_start3A_351 = tpu.memref_slice %arg8[%dma_start3A_350] : memref<1024xi32, #tpu.memory_space<vmem>> -> memref<32xi32, #tpu.memory_space<vmem>>
    %dma_start3A_352 = arith.constant 0 : i32
    %dma_start3A_353 = arith.constant 0 : i32
    %dma_start3A_354 = tpu.memref_slice %arg2[%dma_start3A_352, %dma_start3A_353] : memref<32768x768xf32, #tpu.memory_space<hbm>> -> memref<32768x768xf32, #tpu.memory_space<hbm>>
    tpu.enqueue_indirect_dma source(%dma_start3A_354 : memref<32768x768xf32, #tpu.memory_space<hbm>>) target(%arg9 : memref<32x768xf32, #tpu.memory_space<vmem>>) offsets(%dma_start3A_351 : memref<32xi32, #tpu.memory_space<vmem>>) semaphore(%arg14 : memref<!tpu.dma_semaphore, #tpu.memory_space<semaphore_mem>>)
    %dma_wait3A_355 = arith.constant 512 : i32
    %dma_wait3A_356 = tpu.memref_slice %arg8[%dma_wait3A_355] : memref<1024xi32, #tpu.memory_space<vmem>> -> memref<32xi32, #tpu.memory_space<vmem>>
    %dma_wait3A_357 = arith.constant 0 : i32
    %dma_wait3A_358 = arith.constant 0 : i32
    %dma_wait3A_359 = tpu.memref_slice %arg2[%dma_wait3A_357, %dma_wait3A_358] : memref<32768x768xf32, #tpu.memory_space<hbm>> -> memref<32768x768xf32, #tpu.memory_space<hbm>>
    tpu.wait_indirect_dma semaphore(%arg15 : memref<!tpu.dma_semaphore, #tpu.memory_space<semaphore_mem>>) src(%dma_wait3A_359 : memref<32768x768xf32, #tpu.memory_space<hbm>>) dst(%arg10 : memref<32x768xf32, #tpu.memory_space<vmem>>)
    %add3A_360 = arith.constant 512 : i32
    %add3A_361 = arith.addi %mul3A_11, %add3A_360 : i32
    %dma_start3A_362 = arith.constant 0 : i32
    %dma_start3A_363 = tpu.memref_slice %arg5[%add3A_361, %dma_start3A_362] : memref<32776x768xf32, #tpu.memory_space<hbm>> -> memref<32x768xf32, #tpu.memory_space<hbm>>
    %dma_start3A_364 = arith.constant 0 : i32
    %dma_start3A_365 = tpu.memref_slice %arg5[%add3A_361, %dma_start3A_364] : memref<32776x768xf32, #tpu.memory_space<hbm>> -> memref<32x768xf32, #tpu.memory_space<hbm>>
    tpu.enqueue_dma source(%arg10 : memref<32x768xf32, #tpu.memory_space<vmem>>) target(%dma_start3A_365 : memref<32x768xf32, #tpu.memory_space<hbm>>) target_semaphore(%arg20 : memref<!tpu.dma_semaphore, #tpu.memory_space<semaphore_mem>>)
    %dma_wait3A_366 = arith.constant 0 : i32
    %dma_wait3A_367 = tpu.memref_slice %arg5[%add3A_361, %dma_wait3A_366] : memref<32776x768xf32, #tpu.memory_space<hbm>> -> memref<32x768xf32, #tpu.memory_space<hbm>>
    %dma_wait3A_368 = arith.constant 0 : i32
    %dma_wait3A_369 = tpu.memref_slice %arg5[%add3A_361, %dma_wait3A_368] : memref<32776x768xf32, #tpu.memory_space<hbm>> -> memref<32x768xf32, #tpu.memory_space<hbm>>
    tpu.wait_dma2 semaphore(%arg20 : memref<!tpu.dma_semaphore, #tpu.memory_space<semaphore_mem>>) src(%arg10 : memref<32x768xf32, #tpu.memory_space<vmem>>) dst(%dma_wait3A_369 : memref<32x768xf32, #tpu.memory_space<hbm>>)
    %dma_start3A_370 = arith.constant 672 : i32
    %dma_start3A_371 = tpu.memref_slice %arg8[%dma_start3A_370] : memref<1024xi32, #tpu.memory_space<vmem>> -> memref<32xi32, #tpu.memory_space<vmem>>
    %dma_start3A_372 = arith.constant 0 : i32
    %dma_start3A_373 = arith.constant 0 : i32
    %dma_start3A_374 = tpu.memref_slice %arg2[%dma_start3A_372, %dma_start3A_373] : memref<32768x768xf32, #tpu.memory_space<hbm>> -> memref<32768x768xf32, #tpu.memory_space<hbm>>
    tpu.enqueue_indirect_dma source(%dma_start3A_374 : memref<32768x768xf32, #tpu.memory_space<hbm>>) target(%arg10 : memref<32x768xf32, #tpu.memory_space<vmem>>) offsets(%dma_start3A_371 : memref<32xi32, #tpu.memory_space<vmem>>) semaphore(%arg15 : memref<!tpu.dma_semaphore, #tpu.memory_space<semaphore_mem>>)
    %dma_wait3A_375 = arith.constant 544 : i32
    %dma_wait3A_376 = tpu.memref_slice %arg8[%dma_wait3A_375] : memref<1024xi32, #tpu.memory_space<vmem>> -> memref<32xi32, #tpu.memory_space<vmem>>
    %dma_wait3A_377 = arith.constant 0 : i32
    %dma_wait3A_378 = arith.constant 0 : i32
    %dma_wait3A_379 = tpu.memref_slice %arg2[%dma_wait3A_377, %dma_wait3A_378] : memref<32768x768xf32, #tpu.memory_space<hbm>> -> memref<32768x768xf32, #tpu.memory_space<hbm>>
    tpu.wait_indirect_dma semaphore(%arg16 : memref<!tpu.dma_semaphore, #tpu.memory_space<semaphore_mem>>) src(%dma_wait3A_379 : memref<32768x768xf32, #tpu.memory_space<hbm>>) dst(%arg11 : memref<32x768xf32, #tpu.memory_space<vmem>>)
    %add3A_380 = arith.constant 544 : i32
    %add3A_381 = arith.addi %mul3A_11, %add3A_380 : i32
    %dma_start3A_382 = arith.constant 0 : i32
    %dma_start3A_383 = tpu.memref_slice %arg5[%add3A_381, %dma_start3A_382] : memref<32776x768xf32, #tpu.memory_space<hbm>> -> memref<32x768xf32, #tpu.memory_space<hbm>>
    %dma_start3A_384 = arith.constant 0 : i32
    %dma_start3A_385 = tpu.memref_slice %arg5[%add3A_381, %dma_start3A_384] : memref<32776x768xf32, #tpu.memory_space<hbm>> -> memref<32x768xf32, #tpu.memory_space<hbm>>
    tpu.enqueue_dma source(%arg11 : memref<32x768xf32, #tpu.memory_space<vmem>>) target(%dma_start3A_385 : memref<32x768xf32, #tpu.memory_space<hbm>>) target_semaphore(%arg21 : memref<!tpu.dma_semaphore, #tpu.memory_space<semaphore_mem>>)
    %dma_wait3A_386 = arith.constant 0 : i32
    %dma_wait3A_387 = tpu.memref_slice %arg5[%add3A_381, %dma_wait3A_386] : memref<32776x768xf32, #tpu.memory_space<hbm>> -> memref<32x768xf32, #tpu.memory_space<hbm>>
    %dma_wait3A_388 = arith.constant 0 : i32
    %dma_wait3A_389 = tpu.memref_slice %arg5[%add3A_381, %dma_wait3A_388] : memref<32776x768xf32, #tpu.memory_space<hbm>> -> memref<32x768xf32, #tpu.memory_space<hbm>>
    tpu.wait_dma2 semaphore(%arg21 : memref<!tpu.dma_semaphore, #tpu.memory_space<semaphore_mem>>) src(%arg11 : memref<32x768xf32, #tpu.memory_space<vmem>>) dst(%dma_wait3A_389 : memref<32x768xf32, #tpu.memory_space<hbm>>)
    %dma_start3A_390 = arith.constant 704 : i32
    %dma_start3A_391 = tpu.memref_slice %arg8[%dma_start3A_390] : memref<1024xi32, #tpu.memory_space<vmem>> -> memref<32xi32, #tpu.memory_space<vmem>>
    %dma_start3A_392 = arith.constant 0 : i32
    %dma_start3A_393 = arith.constant 0 : i32
    %dma_start3A_394 = tpu.memref_slice %arg2[%dma_start3A_392, %dma_start3A_393] : memref<32768x768xf32, #tpu.memory_space<hbm>> -> memref<32768x768xf32, #tpu.memory_space<hbm>>
    tpu.enqueue_indirect_dma source(%dma_start3A_394 : memref<32768x768xf32, #tpu.memory_space<hbm>>) target(%arg11 : memref<32x768xf32, #tpu.memory_space<vmem>>) offsets(%dma_start3A_391 : memref<32xi32, #tpu.memory_space<vmem>>) semaphore(%arg16 : memref<!tpu.dma_semaphore, #tpu.memory_space<semaphore_mem>>)
    %dma_wait3A_395 = arith.constant 576 : i32
    %dma_wait3A_396 = tpu.memref_slice %arg8[%dma_wait3A_395] : memref<1024xi32, #tpu.memory_space<vmem>> -> memref<32xi32, #tpu.memory_space<vmem>>
    %dma_wait3A_397 = arith.constant 0 : i32
    %dma_wait3A_398 = arith.constant 0 : i32
    %dma_wait3A_399 = tpu.memref_slice %arg2[%dma_wait3A_397, %dma_wait3A_398] : memref<32768x768xf32, #tpu.memory_space<hbm>> -> memref<32768x768xf32, #tpu.memory_space<hbm>>
    tpu.wait_indirect_dma semaphore(%arg17 : memref<!tpu.dma_semaphore, #tpu.memory_space<semaphore_mem>>) src(%dma_wait3A_399 : memref<32768x768xf32, #tpu.memory_space<hbm>>) dst(%arg12 : memref<32x768xf32, #tpu.memory_space<vmem>>)
    %add3A_400 = arith.constant 576 : i32
    %add3A_401 = arith.addi %mul3A_11, %add3A_400 : i32
    %dma_start3A_402 = arith.constant 0 : i32
    %dma_start3A_403 = tpu.memref_slice %arg5[%add3A_401, %dma_start3A_402] : memref<32776x768xf32, #tpu.memory_space<hbm>> -> memref<32x768xf32, #tpu.memory_space<hbm>>
    %dma_start3A_404 = arith.constant 0 : i32
    %dma_start3A_405 = tpu.memref_slice %arg5[%add3A_401, %dma_start3A_404] : memref<32776x768xf32, #tpu.memory_space<hbm>> -> memref<32x768xf32, #tpu.memory_space<hbm>>
    tpu.enqueue_dma source(%arg12 : memref<32x768xf32, #tpu.memory_space<vmem>>) target(%dma_start3A_405 : memref<32x768xf32, #tpu.memory_space<hbm>>) target_semaphore(%arg22 : memref<!tpu.dma_semaphore, #tpu.memory_space<semaphore_mem>>)
    %dma_wait3A_406 = arith.constant 0 : i32
    %dma_wait3A_407 = tpu.memref_slice %arg5[%add3A_401, %dma_wait3A_406] : memref<32776x768xf32, #tpu.memory_space<hbm>> -> memref<32x768xf32, #tpu.memory_space<hbm>>
    %dma_wait3A_408 = arith.constant 0 : i32
    %dma_wait3A_409 = tpu.memref_slice %arg5[%add3A_401, %dma_wait3A_408] : memref<32776x768xf32, #tpu.memory_space<hbm>> -> memref<32x768xf32, #tpu.memory_space<hbm>>
    tpu.wait_dma2 semaphore(%arg22 : memref<!tpu.dma_semaphore, #tpu.memory_space<semaphore_mem>>) src(%arg12 : memref<32x768xf32, #tpu.memory_space<vmem>>) dst(%dma_wait3A_409 : memref<32x768xf32, #tpu.memory_space<hbm>>)
    %dma_start3A_410 = arith.constant 736 : i32
    %dma_start3A_411 = tpu.memref_slice %arg8[%dma_start3A_410] : memref<1024xi32, #tpu.memory_space<vmem>> -> memref<32xi32, #tpu.memory_space<vmem>>
    %dma_start3A_412 = arith.constant 0 : i32
    %dma_start3A_413 = arith.constant 0 : i32
    %dma_start3A_414 = tpu.memref_slice %arg2[%dma_start3A_412, %dma_start3A_413] : memref<32768x768xf32, #tpu.memory_space<hbm>> -> memref<32768x768xf32, #tpu.memory_space<hbm>>
    tpu.enqueue_indirect_dma source(%dma_start3A_414 : memref<32768x768xf32, #tpu.memory_space<hbm>>) target(%arg12 : memref<32x768xf32, #tpu.memory_space<vmem>>) offsets(%dma_start3A_411 : memref<32xi32, #tpu.memory_space<vmem>>) semaphore(%arg17 : memref<!tpu.dma_semaphore, #tpu.memory_space<semaphore_mem>>)
    %dma_wait3A_415 = arith.constant 608 : i32
    %dma_wait3A_416 = tpu.memref_slice %arg8[%dma_wait3A_415] : memref<1024xi32, #tpu.memory_space<vmem>> -> memref<32xi32, #tpu.memory_space<vmem>>
    %dma_wait3A_417 = arith.constant 0 : i32
    %dma_wait3A_418 = arith.constant 0 : i32
    %dma_wait3A_419 = tpu.memref_slice %arg2[%dma_wait3A_417, %dma_wait3A_418] : memref<32768x768xf32, #tpu.memory_space<hbm>> -> memref<32768x768xf32, #tpu.memory_space<hbm>>
    tpu.wait_indirect_dma semaphore(%arg18 : memref<!tpu.dma_semaphore, #tpu.memory_space<semaphore_mem>>) src(%dma_wait3A_419 : memref<32768x768xf32, #tpu.memory_space<hbm>>) dst(%arg13 : memref<32x768xf32, #tpu.memory_space<vmem>>)
    %add3A_420 = arith.constant 608 : i32
    %add3A_421 = arith.addi %mul3A_11, %add3A_420 : i32
    %dma_start3A_422 = arith.constant 0 : i32
    %dma_start3A_423 = tpu.memref_slice %arg5[%add3A_421, %dma_start3A_422] : memref<32776x768xf32, #tpu.memory_space<hbm>> -> memref<32x768xf32, #tpu.memory_space<hbm>>
    %dma_start3A_424 = arith.constant 0 : i32
    %dma_start3A_425 = tpu.memref_slice %arg5[%add3A_421, %dma_start3A_424] : memref<32776x768xf32, #tpu.memory_space<hbm>> -> memref<32x768xf32, #tpu.memory_space<hbm>>
    tpu.enqueue_dma source(%arg13 : memref<32x768xf32, #tpu.memory_space<vmem>>) target(%dma_start3A_425 : memref<32x768xf32, #tpu.memory_space<hbm>>) target_semaphore(%arg23 : memref<!tpu.dma_semaphore, #tpu.memory_space<semaphore_mem>>)
    %dma_wait3A_426 = arith.constant 0 : i32
    %dma_wait3A_427 = tpu.memref_slice %arg5[%add3A_421, %dma_wait3A_426] : memref<32776x768xf32, #tpu.memory_space<hbm>> -> memref<32x768xf32, #tpu.memory_space<hbm>>
    %dma_wait3A_428 = arith.constant 0 : i32
    %dma_wait3A_429 = tpu.memref_slice %arg5[%add3A_421, %dma_wait3A_428] : memref<32776x768xf32, #tpu.memory_space<hbm>> -> memref<32x768xf32, #tpu.memory_space<hbm>>
    tpu.wait_dma2 semaphore(%arg23 : memref<!tpu.dma_semaphore, #tpu.memory_space<semaphore_mem>>) src(%arg13 : memref<32x768xf32, #tpu.memory_space<vmem>>) dst(%dma_wait3A_429 : memref<32x768xf32, #tpu.memory_space<hbm>>)
    %dma_start3A_430 = arith.constant 768 : i32
    %dma_start3A_431 = tpu.memref_slice %arg8[%dma_start3A_430] : memref<1024xi32, #tpu.memory_space<vmem>> -> memref<32xi32, #tpu.memory_space<vmem>>
    %dma_start3A_432 = arith.constant 0 : i32
    %dma_start3A_433 = arith.constant 0 : i32
    %dma_start3A_434 = tpu.memref_slice %arg2[%dma_start3A_432, %dma_start3A_433] : memref<32768x768xf32, #tpu.memory_space<hbm>> -> memref<32768x768xf32, #tpu.memory_space<hbm>>
    tpu.enqueue_indirect_dma source(%dma_start3A_434 : memref<32768x768xf32, #tpu.memory_space<hbm>>) target(%arg13 : memref<32x768xf32, #tpu.memory_space<vmem>>) offsets(%dma_start3A_431 : memref<32xi32, #tpu.memory_space<vmem>>) semaphore(%arg18 : memref<!tpu.dma_semaphore, #tpu.memory_space<semaphore_mem>>)
    %dma_wait3A_435 = arith.constant 640 : i32
    %dma_wait3A_436 = tpu.memref_slice %arg8[%dma_wait3A_435] : memref<1024xi32, #tpu.memory_space<vmem>> -> memref<32xi32, #tpu.memory_space<vmem>>
    %dma_wait3A_437 = arith.constant 0 : i32
    %dma_wait3A_438 = arith.constant 0 : i32
    %dma_wait3A_439 = tpu.memref_slice %arg2[%dma_wait3A_437, %dma_wait3A_438] : memref<32768x768xf32, #tpu.memory_space<hbm>> -> memref<32768x768xf32, #tpu.memory_space<hbm>>
    tpu.wait_indirect_dma semaphore(%arg14 : memref<!tpu.dma_semaphore, #tpu.memory_space<semaphore_mem>>) src(%dma_wait3A_439 : memref<32768x768xf32, #tpu.memory_space<hbm>>) dst(%arg9 : memref<32x768xf32, #tpu.memory_space<vmem>>)
    %add3A_440 = arith.constant 640 : i32
    %add3A_441 = arith.addi %mul3A_11, %add3A_440 : i32
    %dma_start3A_442 = arith.constant 0 : i32
    %dma_start3A_443 = tpu.memref_slice %arg5[%add3A_441, %dma_start3A_442] : memref<32776x768xf32, #tpu.memory_space<hbm>> -> memref<32x768xf32, #tpu.memory_space<hbm>>
    %dma_start3A_444 = arith.constant 0 : i32
    %dma_start3A_445 = tpu.memref_slice %arg5[%add3A_441, %dma_start3A_444] : memref<32776x768xf32, #tpu.memory_space<hbm>> -> memref<32x768xf32, #tpu.memory_space<hbm>>
    tpu.enqueue_dma source(%arg9 : memref<32x768xf32, #tpu.memory_space<vmem>>) target(%dma_start3A_445 : memref<32x768xf32, #tpu.memory_space<hbm>>) target_semaphore(%arg19 : memref<!tpu.dma_semaphore, #tpu.memory_space<semaphore_mem>>)
    %dma_wait3A_446 = arith.constant 0 : i32
    %dma_wait3A_447 = tpu.memref_slice %arg5[%add3A_441, %dma_wait3A_446] : memref<32776x768xf32, #tpu.memory_space<hbm>> -> memref<32x768xf32, #tpu.memory_space<hbm>>
    %dma_wait3A_448 = arith.constant 0 : i32
    %dma_wait3A_449 = tpu.memref_slice %arg5[%add3A_441, %dma_wait3A_448] : memref<32776x768xf32, #tpu.memory_space<hbm>> -> memref<32x768xf32, #tpu.memory_space<hbm>>
    tpu.wait_dma2 semaphore(%arg19 : memref<!tpu.dma_semaphore, #tpu.memory_space<semaphore_mem>>) src(%arg9 : memref<32x768xf32, #tpu.memory_space<vmem>>) dst(%dma_wait3A_449 : memref<32x768xf32, #tpu.memory_space<hbm>>)
    %dma_start3A_450 = arith.constant 800 : i32
    %dma_start3A_451 = tpu.memref_slice %arg8[%dma_start3A_450] : memref<1024xi32, #tpu.memory_space<vmem>> -> memref<32xi32, #tpu.memory_space<vmem>>
    %dma_start3A_452 = arith.constant 0 : i32
    %dma_start3A_453 = arith.constant 0 : i32
    %dma_start3A_454 = tpu.memref_slice %arg2[%dma_start3A_452, %dma_start3A_453] : memref<32768x768xf32, #tpu.memory_space<hbm>> -> memref<32768x768xf32, #tpu.memory_space<hbm>>
    tpu.enqueue_indirect_dma source(%dma_start3A_454 : memref<32768x768xf32, #tpu.memory_space<hbm>>) target(%arg9 : memref<32x768xf32, #tpu.memory_space<vmem>>) offsets(%dma_start3A_451 : memref<32xi32, #tpu.memory_space<vmem>>) semaphore(%arg14 : memref<!tpu.dma_semaphore, #tpu.memory_space<semaphore_mem>>)
    %dma_wait3A_455 = arith.constant 672 : i32
    %dma_wait3A_456 = tpu.memref_slice %arg8[%dma_wait3A_455] : memref<1024xi32, #tpu.memory_space<vmem>> -> memref<32xi32, #tpu.memory_space<vmem>>
    %dma_wait3A_457 = arith.constant 0 : i32
    %dma_wait3A_458 = arith.constant 0 : i32
    %dma_wait3A_459 = tpu.memref_slice %arg2[%dma_wait3A_457, %dma_wait3A_458] : memref<32768x768xf32, #tpu.memory_space<hbm>> -> memref<32768x768xf32, #tpu.memory_space<hbm>>
    tpu.wait_indirect_dma semaphore(%arg15 : memref<!tpu.dma_semaphore, #tpu.memory_space<semaphore_mem>>) src(%dma_wait3A_459 : memref<32768x768xf32, #tpu.memory_space<hbm>>) dst(%arg10 : memref<32x768xf32, #tpu.memory_space<vmem>>)
    %add3A_460 = arith.constant 672 : i32
    %add3A_461 = arith.addi %mul3A_11, %add3A_460 : i32
    %dma_start3A_462 = arith.constant 0 : i32
    %dma_start3A_463 = tpu.memref_slice %arg5[%add3A_461, %dma_start3A_462] : memref<32776x768xf32, #tpu.memory_space<hbm>> -> memref<32x768xf32, #tpu.memory_space<hbm>>
    %dma_start3A_464 = arith.constant 0 : i32
    %dma_start3A_465 = tpu.memref_slice %arg5[%add3A_461, %dma_start3A_464] : memref<32776x768xf32, #tpu.memory_space<hbm>> -> memref<32x768xf32, #tpu.memory_space<hbm>>
    tpu.enqueue_dma source(%arg10 : memref<32x768xf32, #tpu.memory_space<vmem>>) target(%dma_start3A_465 : memref<32x768xf32, #tpu.memory_space<hbm>>) target_semaphore(%arg20 : memref<!tpu.dma_semaphore, #tpu.memory_space<semaphore_mem>>)
    %dma_wait3A_466 = arith.constant 0 : i32
    %dma_wait3A_467 = tpu.memref_slice %arg5[%add3A_461, %dma_wait3A_466] : memref<32776x768xf32, #tpu.memory_space<hbm>> -> memref<32x768xf32, #tpu.memory_space<hbm>>
    %dma_wait3A_468 = arith.constant 0 : i32
    %dma_wait3A_469 = tpu.memref_slice %arg5[%add3A_461, %dma_wait3A_468] : memref<32776x768xf32, #tpu.memory_space<hbm>> -> memref<32x768xf32, #tpu.memory_space<hbm>>
    tpu.wait_dma2 semaphore(%arg20 : memref<!tpu.dma_semaphore, #tpu.memory_space<semaphore_mem>>) src(%arg10 : memref<32x768xf32, #tpu.memory_space<vmem>>) dst(%dma_wait3A_469 : memref<32x768xf32, #tpu.memory_space<hbm>>)
    %dma_start3A_470 = arith.constant 832 : i32
    %dma_start3A_471 = tpu.memref_slice %arg8[%dma_start3A_470] : memref<1024xi32, #tpu.memory_space<vmem>> -> memref<32xi32, #tpu.memory_space<vmem>>
    %dma_start3A_472 = arith.constant 0 : i32
    %dma_start3A_473 = arith.constant 0 : i32
    %dma_start3A_474 = tpu.memref_slice %arg2[%dma_start3A_472, %dma_start3A_473] : memref<32768x768xf32, #tpu.memory_space<hbm>> -> memref<32768x768xf32, #tpu.memory_space<hbm>>
    tpu.enqueue_indirect_dma source(%dma_start3A_474 : memref<32768x768xf32, #tpu.memory_space<hbm>>) target(%arg10 : memref<32x768xf32, #tpu.memory_space<vmem>>) offsets(%dma_start3A_471 : memref<32xi32, #tpu.memory_space<vmem>>) semaphore(%arg15 : memref<!tpu.dma_semaphore, #tpu.memory_space<semaphore_mem>>)
    %dma_wait3A_475 = arith.constant 704 : i32
    %dma_wait3A_476 = tpu.memref_slice %arg8[%dma_wait3A_475] : memref<1024xi32, #tpu.memory_space<vmem>> -> memref<32xi32, #tpu.memory_space<vmem>>
    %dma_wait3A_477 = arith.constant 0 : i32
    %dma_wait3A_478 = arith.constant 0 : i32
    %dma_wait3A_479 = tpu.memref_slice %arg2[%dma_wait3A_477, %dma_wait3A_478] : memref<32768x768xf32, #tpu.memory_space<hbm>> -> memref<32768x768xf32, #tpu.memory_space<hbm>>
    tpu.wait_indirect_dma semaphore(%arg16 : memref<!tpu.dma_semaphore, #tpu.memory_space<semaphore_mem>>) src(%dma_wait3A_479 : memref<32768x768xf32, #tpu.memory_space<hbm>>) dst(%arg11 : memref<32x768xf32, #tpu.memory_space<vmem>>)
    %add3A_480 = arith.constant 704 : i32
    %add3A_481 = arith.addi %mul3A_11, %add3A_480 : i32
    %dma_start3A_482 = arith.constant 0 : i32
    %dma_start3A_483 = tpu.memref_slice %arg5[%add3A_481, %dma_start3A_482] : memref<32776x768xf32, #tpu.memory_space<hbm>> -> memref<32x768xf32, #tpu.memory_space<hbm>>
    %dma_start3A_484 = arith.constant 0 : i32
    %dma_start3A_485 = tpu.memref_slice %arg5[%add3A_481, %dma_start3A_484] : memref<32776x768xf32, #tpu.memory_space<hbm>> -> memref<32x768xf32, #tpu.memory_space<hbm>>
    tpu.enqueue_dma source(%arg11 : memref<32x768xf32, #tpu.memory_space<vmem>>) target(%dma_start3A_485 : memref<32x768xf32, #tpu.memory_space<hbm>>) target_semaphore(%arg21 : memref<!tpu.dma_semaphore, #tpu.memory_space<semaphore_mem>>)
    %dma_wait3A_486 = arith.constant 0 : i32
    %dma_wait3A_487 = tpu.memref_slice %arg5[%add3A_481, %dma_wait3A_486] : memref<32776x768xf32, #tpu.memory_space<hbm>> -> memref<32x768xf32, #tpu.memory_space<hbm>>
    %dma_wait3A_488 = arith.constant 0 : i32
    %dma_wait3A_489 = tpu.memref_slice %arg5[%add3A_481, %dma_wait3A_488] : memref<32776x768xf32, #tpu.memory_space<hbm>> -> memref<32x768xf32, #tpu.memory_space<hbm>>
    tpu.wait_dma2 semaphore(%arg21 : memref<!tpu.dma_semaphore, #tpu.memory_space<semaphore_mem>>) src(%arg11 : memref<32x768xf32, #tpu.memory_space<vmem>>) dst(%dma_wait3A_489 : memref<32x768xf32, #tpu.memory_space<hbm>>)
    %dma_start3A_490 = arith.constant 864 : i32
    %dma_start3A_491 = tpu.memref_slice %arg8[%dma_start3A_490] : memref<1024xi32, #tpu.memory_space<vmem>> -> memref<32xi32, #tpu.memory_space<vmem>>
    %dma_start3A_492 = arith.constant 0 : i32
    %dma_start3A_493 = arith.constant 0 : i32
    %dma_start3A_494 = tpu.memref_slice %arg2[%dma_start3A_492, %dma_start3A_493] : memref<32768x768xf32, #tpu.memory_space<hbm>> -> memref<32768x768xf32, #tpu.memory_space<hbm>>
    tpu.enqueue_indirect_dma source(%dma_start3A_494 : memref<32768x768xf32, #tpu.memory_space<hbm>>) target(%arg11 : memref<32x768xf32, #tpu.memory_space<vmem>>) offsets(%dma_start3A_491 : memref<32xi32, #tpu.memory_space<vmem>>) semaphore(%arg16 : memref<!tpu.dma_semaphore, #tpu.memory_space<semaphore_mem>>)
    %dma_wait3A_495 = arith.constant 736 : i32
    %dma_wait3A_496 = tpu.memref_slice %arg8[%dma_wait3A_495] : memref<1024xi32, #tpu.memory_space<vmem>> -> memref<32xi32, #tpu.memory_space<vmem>>
    %dma_wait3A_497 = arith.constant 0 : i32
    %dma_wait3A_498 = arith.constant 0 : i32
    %dma_wait3A_499 = tpu.memref_slice %arg2[%dma_wait3A_497, %dma_wait3A_498] : memref<32768x768xf32, #tpu.memory_space<hbm>> -> memref<32768x768xf32, #tpu.memory_space<hbm>>
    tpu.wait_indirect_dma semaphore(%arg17 : memref<!tpu.dma_semaphore, #tpu.memory_space<semaphore_mem>>) src(%dma_wait3A_499 : memref<32768x768xf32, #tpu.memory_space<hbm>>) dst(%arg12 : memref<32x768xf32, #tpu.memory_space<vmem>>)
    %add3A_500 = arith.constant 736 : i32
    %add3A_501 = arith.addi %mul3A_11, %add3A_500 : i32
    %dma_start3A_502 = arith.constant 0 : i32
    %dma_start3A_503 = tpu.memref_slice %arg5[%add3A_501, %dma_start3A_502] : memref<32776x768xf32, #tpu.memory_space<hbm>> -> memref<32x768xf32, #tpu.memory_space<hbm>>
    %dma_start3A_504 = arith.constant 0 : i32
    %dma_start3A_505 = tpu.memref_slice %arg5[%add3A_501, %dma_start3A_504] : memref<32776x768xf32, #tpu.memory_space<hbm>> -> memref<32x768xf32, #tpu.memory_space<hbm>>
    tpu.enqueue_dma source(%arg12 : memref<32x768xf32, #tpu.memory_space<vmem>>) target(%dma_start3A_505 : memref<32x768xf32, #tpu.memory_space<hbm>>) target_semaphore(%arg22 : memref<!tpu.dma_semaphore, #tpu.memory_space<semaphore_mem>>)
    %dma_wait3A_506 = arith.constant 0 : i32
    %dma_wait3A_507 = tpu.memref_slice %arg5[%add3A_501, %dma_wait3A_506] : memref<32776x768xf32, #tpu.memory_space<hbm>> -> memref<32x768xf32, #tpu.memory_space<hbm>>
    %dma_wait3A_508 = arith.constant 0 : i32
    %dma_wait3A_509 = tpu.memref_slice %arg5[%add3A_501, %dma_wait3A_508] : memref<32776x768xf32, #tpu.memory_space<hbm>> -> memref<32x768xf32, #tpu.memory_space<hbm>>
    tpu.wait_dma2 semaphore(%arg22 : memref<!tpu.dma_semaphore, #tpu.memory_space<semaphore_mem>>) src(%arg12 : memref<32x768xf32, #tpu.memory_space<vmem>>) dst(%dma_wait3A_509 : memref<32x768xf32, #tpu.memory_space<hbm>>)
    %dma_start3A_510 = arith.constant 896 : i32
    %dma_start3A_511 = tpu.memref_slice %arg8[%dma_start3A_510] : memref<1024xi32, #tpu.memory_space<vmem>> -> memref<32xi32, #tpu.memory_space<vmem>>
    %dma_start3A_512 = arith.constant 0 : i32
    %dma_start3A_513 = arith.constant 0 : i32
    %dma_start3A_514 = tpu.memref_slice %arg2[%dma_start3A_512, %dma_start3A_513] : memref<32768x768xf32, #tpu.memory_space<hbm>> -> memref<32768x768xf32, #tpu.memory_space<hbm>>
    tpu.enqueue_indirect_dma source(%dma_start3A_514 : memref<32768x768xf32, #tpu.memory_space<hbm>>) target(%arg12 : memref<32x768xf32, #tpu.memory_space<vmem>>) offsets(%dma_start3A_511 : memref<32xi32, #tpu.memory_space<vmem>>) semaphore(%arg17 : memref<!tpu.dma_semaphore, #tpu.memory_space<semaphore_mem>>)
    %dma_wait3A_515 = arith.constant 768 : i32
    %dma_wait3A_516 = tpu.memref_slice %arg8[%dma_wait3A_515] : memref<1024xi32, #tpu.memory_space<vmem>> -> memref<32xi32, #tpu.memory_space<vmem>>
    %dma_wait3A_517 = arith.constant 0 : i32
    %dma_wait3A_518 = arith.constant 0 : i32
    %dma_wait3A_519 = tpu.memref_slice %arg2[%dma_wait3A_517, %dma_wait3A_518] : memref<32768x768xf32, #tpu.memory_space<hbm>> -> memref<32768x768xf32, #tpu.memory_space<hbm>>
    tpu.wait_indirect_dma semaphore(%arg18 : memref<!tpu.dma_semaphore, #tpu.memory_space<semaphore_mem>>) src(%dma_wait3A_519 : memref<32768x768xf32, #tpu.memory_space<hbm>>) dst(%arg13 : memref<32x768xf32, #tpu.memory_space<vmem>>)
    %add3A_520 = arith.constant 768 : i32
    %add3A_521 = arith.addi %mul3A_11, %add3A_520 : i32
    %dma_start3A_522 = arith.constant 0 : i32
    %dma_start3A_523 = tpu.memref_slice %arg5[%add3A_521, %dma_start3A_522] : memref<32776x768xf32, #tpu.memory_space<hbm>> -> memref<32x768xf32, #tpu.memory_space<hbm>>
    %dma_start3A_524 = arith.constant 0 : i32
    %dma_start3A_525 = tpu.memref_slice %arg5[%add3A_521, %dma_start3A_524] : memref<32776x768xf32, #tpu.memory_space<hbm>> -> memref<32x768xf32, #tpu.memory_space<hbm>>
    tpu.enqueue_dma source(%arg13 : memref<32x768xf32, #tpu.memory_space<vmem>>) target(%dma_start3A_525 : memref<32x768xf32, #tpu.memory_space<hbm>>) target_semaphore(%arg23 : memref<!tpu.dma_semaphore, #tpu.memory_space<semaphore_mem>>)
    %dma_wait3A_526 = arith.constant 0 : i32
    %dma_wait3A_527 = tpu.memref_slice %arg5[%add3A_521, %dma_wait3A_526] : memref<32776x768xf32, #tpu.memory_space<hbm>> -> memref<32x768xf32, #tpu.memory_space<hbm>>
    %dma_wait3A_528 = arith.constant 0 : i32
    %dma_wait3A_529 = tpu.memref_slice %arg5[%add3A_521, %dma_wait3A_528] : memref<32776x768xf32, #tpu.memory_space<hbm>> -> memref<32x768xf32, #tpu.memory_space<hbm>>
    tpu.wait_dma2 semaphore(%arg23 : memref<!tpu.dma_semaphore, #tpu.memory_space<semaphore_mem>>) src(%arg13 : memref<32x768xf32, #tpu.memory_space<vmem>>) dst(%dma_wait3A_529 : memref<32x768xf32, #tpu.memory_space<hbm>>)
    %dma_start3A_530 = arith.constant 928 : i32
    %dma_start3A_531 = tpu.memref_slice %arg8[%dma_start3A_530] : memref<1024xi32, #tpu.memory_space<vmem>> -> memref<32xi32, #tpu.memory_space<vmem>>
    %dma_start3A_532 = arith.constant 0 : i32
    %dma_start3A_533 = arith.constant 0 : i32
    %dma_start3A_534 = tpu.memref_slice %arg2[%dma_start3A_532, %dma_start3A_533] : memref<32768x768xf32, #tpu.memory_space<hbm>> -> memref<32768x768xf32, #tpu.memory_space<hbm>>
    tpu.enqueue_indirect_dma source(%dma_start3A_534 : memref<32768x768xf32, #tpu.memory_space<hbm>>) target(%arg13 : memref<32x768xf32, #tpu.memory_space<vmem>>) offsets(%dma_start3A_531 : memref<32xi32, #tpu.memory_space<vmem>>) semaphore(%arg18 : memref<!tpu.dma_semaphore, #tpu.memory_space<semaphore_mem>>)
    %dma_wait3A_535 = arith.constant 800 : i32
    %dma_wait3A_536 = tpu.memref_slice %arg8[%dma_wait3A_535] : memref<1024xi32, #tpu.memory_space<vmem>> -> memref<32xi32, #tpu.memory_space<vmem>>
    %dma_wait3A_537 = arith.constant 0 : i32
    %dma_wait3A_538 = arith.constant 0 : i32
    %dma_wait3A_539 = tpu.memref_slice %arg2[%dma_wait3A_537, %dma_wait3A_538] : memref<32768x768xf32, #tpu.memory_space<hbm>> -> memref<32768x768xf32, #tpu.memory_space<hbm>>
    tpu.wait_indirect_dma semaphore(%arg14 : memref<!tpu.dma_semaphore, #tpu.memory_space<semaphore_mem>>) src(%dma_wait3A_539 : memref<32768x768xf32, #tpu.memory_space<hbm>>) dst(%arg9 : memref<32x768xf32, #tpu.memory_space<vmem>>)
    %add3A_540 = arith.constant 800 : i32
    %add3A_541 = arith.addi %mul3A_11, %add3A_540 : i32
    %dma_start3A_542 = arith.constant 0 : i32
    %dma_start3A_543 = tpu.memref_slice %arg5[%add3A_541, %dma_start3A_542] : memref<32776x768xf32, #tpu.memory_space<hbm>> -> memref<32x768xf32, #tpu.memory_space<hbm>>
    %dma_start3A_544 = arith.constant 0 : i32
    %dma_start3A_545 = tpu.memref_slice %arg5[%add3A_541, %dma_start3A_544] : memref<32776x768xf32, #tpu.memory_space<hbm>> -> memref<32x768xf32, #tpu.memory_space<hbm>>
    tpu.enqueue_dma source(%arg9 : memref<32x768xf32, #tpu.memory_space<vmem>>) target(%dma_start3A_545 : memref<32x768xf32, #tpu.memory_space<hbm>>) target_semaphore(%arg19 : memref<!tpu.dma_semaphore, #tpu.memory_space<semaphore_mem>>)
    %dma_wait3A_546 = arith.constant 0 : i32
    %dma_wait3A_547 = tpu.memref_slice %arg5[%add3A_541, %dma_wait3A_546] : memref<32776x768xf32, #tpu.memory_space<hbm>> -> memref<32x768xf32, #tpu.memory_space<hbm>>
    %dma_wait3A_548 = arith.constant 0 : i32
    %dma_wait3A_549 = tpu.memref_slice %arg5[%add3A_541, %dma_wait3A_548] : memref<32776x768xf32, #tpu.memory_space<hbm>> -> memref<32x768xf32, #tpu.memory_space<hbm>>
    tpu.wait_dma2 semaphore(%arg19 : memref<!tpu.dma_semaphore, #tpu.memory_space<semaphore_mem>>) src(%arg9 : memref<32x768xf32, #tpu.memory_space<vmem>>) dst(%dma_wait3A_549 : memref<32x768xf32, #tpu.memory_space<hbm>>)
    %dma_start3A_550 = arith.constant 960 : i32
    %dma_start3A_551 = tpu.memref_slice %arg8[%dma_start3A_550] : memref<1024xi32, #tpu.memory_space<vmem>> -> memref<32xi32, #tpu.memory_space<vmem>>
    %dma_start3A_552 = arith.constant 0 : i32
    %dma_start3A_553 = arith.constant 0 : i32
    %dma_start3A_554 = tpu.memref_slice %arg2[%dma_start3A_552, %dma_start3A_553] : memref<32768x768xf32, #tpu.memory_space<hbm>> -> memref<32768x768xf32, #tpu.memory_space<hbm>>
    tpu.enqueue_indirect_dma source(%dma_start3A_554 : memref<32768x768xf32, #tpu.memory_space<hbm>>) target(%arg9 : memref<32x768xf32, #tpu.memory_space<vmem>>) offsets(%dma_start3A_551 : memref<32xi32, #tpu.memory_space<vmem>>) semaphore(%arg14 : memref<!tpu.dma_semaphore, #tpu.memory_space<semaphore_mem>>)
    %dma_wait3A_555 = arith.constant 832 : i32
    %dma_wait3A_556 = tpu.memref_slice %arg8[%dma_wait3A_555] : memref<1024xi32, #tpu.memory_space<vmem>> -> memref<32xi32, #tpu.memory_space<vmem>>
    %dma_wait3A_557 = arith.constant 0 : i32
    %dma_wait3A_558 = arith.constant 0 : i32
    %dma_wait3A_559 = tpu.memref_slice %arg2[%dma_wait3A_557, %dma_wait3A_558] : memref<32768x768xf32, #tpu.memory_space<hbm>> -> memref<32768x768xf32, #tpu.memory_space<hbm>>
    tpu.wait_indirect_dma semaphore(%arg15 : memref<!tpu.dma_semaphore, #tpu.memory_space<semaphore_mem>>) src(%dma_wait3A_559 : memref<32768x768xf32, #tpu.memory_space<hbm>>) dst(%arg10 : memref<32x768xf32, #tpu.memory_space<vmem>>)
    %add3A_560 = arith.constant 832 : i32
    %add3A_561 = arith.addi %mul3A_11, %add3A_560 : i32
    %dma_start3A_562 = arith.constant 0 : i32
    %dma_start3A_563 = tpu.memref_slice %arg5[%add3A_561, %dma_start3A_562] : memref<32776x768xf32, #tpu.memory_space<hbm>> -> memref<32x768xf32, #tpu.memory_space<hbm>>
    %dma_start3A_564 = arith.constant 0 : i32
    %dma_start3A_565 = tpu.memref_slice %arg5[%add3A_561, %dma_start3A_564] : memref<32776x768xf32, #tpu.memory_space<hbm>> -> memref<32x768xf32, #tpu.memory_space<hbm>>
    tpu.enqueue_dma source(%arg10 : memref<32x768xf32, #tpu.memory_space<vmem>>) target(%dma_start3A_565 : memref<32x768xf32, #tpu.memory_space<hbm>>) target_semaphore(%arg20 : memref<!tpu.dma_semaphore, #tpu.memory_space<semaphore_mem>>)
    %dma_wait3A_566 = arith.constant 0 : i32
    %dma_wait3A_567 = tpu.memref_slice %arg5[%add3A_561, %dma_wait3A_566] : memref<32776x768xf32, #tpu.memory_space<hbm>> -> memref<32x768xf32, #tpu.memory_space<hbm>>
    %dma_wait3A_568 = arith.constant 0 : i32
    %dma_wait3A_569 = tpu.memref_slice %arg5[%add3A_561, %dma_wait3A_568] : memref<32776x768xf32, #tpu.memory_space<hbm>> -> memref<32x768xf32, #tpu.memory_space<hbm>>
    tpu.wait_dma2 semaphore(%arg20 : memref<!tpu.dma_semaphore, #tpu.memory_space<semaphore_mem>>) src(%arg10 : memref<32x768xf32, #tpu.memory_space<vmem>>) dst(%dma_wait3A_569 : memref<32x768xf32, #tpu.memory_space<hbm>>)
    %dma_start3A_570 = arith.constant 992 : i32
    %dma_start3A_571 = tpu.memref_slice %arg8[%dma_start3A_570] : memref<1024xi32, #tpu.memory_space<vmem>> -> memref<32xi32, #tpu.memory_space<vmem>>
    %dma_start3A_572 = arith.constant 0 : i32
    %dma_start3A_573 = arith.constant 0 : i32
    %dma_start3A_574 = tpu.memref_slice %arg2[%dma_start3A_572, %dma_start3A_573] : memref<32768x768xf32, #tpu.memory_space<hbm>> -> memref<32768x768xf32, #tpu.memory_space<hbm>>
    tpu.enqueue_indirect_dma source(%dma_start3A_574 : memref<32768x768xf32, #tpu.memory_space<hbm>>) target(%arg10 : memref<32x768xf32, #tpu.memory_space<vmem>>) offsets(%dma_start3A_571 : memref<32xi32, #tpu.memory_space<vmem>>) semaphore(%arg15 : memref<!tpu.dma_semaphore, #tpu.memory_space<semaphore_mem>>)
    %dma_wait3A_575 = arith.constant 864 : i32
    %dma_wait3A_576 = tpu.memref_slice %arg8[%dma_wait3A_575] : memref<1024xi32, #tpu.memory_space<vmem>> -> memref<32xi32, #tpu.memory_space<vmem>>
    %dma_wait3A_577 = arith.constant 0 : i32
    %dma_wait3A_578 = arith.constant 0 : i32
    %dma_wait3A_579 = tpu.memref_slice %arg2[%dma_wait3A_577, %dma_wait3A_578] : memref<32768x768xf32, #tpu.memory_space<hbm>> -> memref<32768x768xf32, #tpu.memory_space<hbm>>
    tpu.wait_indirect_dma semaphore(%arg16 : memref<!tpu.dma_semaphore, #tpu.memory_space<semaphore_mem>>) src(%dma_wait3A_579 : memref<32768x768xf32, #tpu.memory_space<hbm>>) dst(%arg11 : memref<32x768xf32, #tpu.memory_space<vmem>>)
    %add3A_580 = arith.constant 864 : i32
    %add3A_581 = arith.addi %mul3A_11, %add3A_580 : i32
    %dma_start3A_582 = arith.constant 0 : i32
    %dma_start3A_583 = tpu.memref_slice %arg5[%add3A_581, %dma_start3A_582] : memref<32776x768xf32, #tpu.memory_space<hbm>> -> memref<32x768xf32, #tpu.memory_space<hbm>>
    %dma_start3A_584 = arith.constant 0 : i32
    %dma_start3A_585 = tpu.memref_slice %arg5[%add3A_581, %dma_start3A_584] : memref<32776x768xf32, #tpu.memory_space<hbm>> -> memref<32x768xf32, #tpu.memory_space<hbm>>
    tpu.enqueue_dma source(%arg11 : memref<32x768xf32, #tpu.memory_space<vmem>>) target(%dma_start3A_585 : memref<32x768xf32, #tpu.memory_space<hbm>>) target_semaphore(%arg21 : memref<!tpu.dma_semaphore, #tpu.memory_space<semaphore_mem>>)
    %dma_wait3A_586 = arith.constant 896 : i32
    %dma_wait3A_587 = tpu.memref_slice %arg8[%dma_wait3A_586] : memref<1024xi32, #tpu.memory_space<vmem>> -> memref<32xi32, #tpu.memory_space<vmem>>
    %dma_wait3A_588 = arith.constant 0 : i32
    %dma_wait3A_589 = arith.constant 0 : i32
    %dma_wait3A_590 = tpu.memref_slice %arg2[%dma_wait3A_588, %dma_wait3A_589] : memref<32768x768xf32, #tpu.memory_space<hbm>> -> memref<32768x768xf32, #tpu.memory_space<hbm>>
    tpu.wait_indirect_dma semaphore(%arg17 : memref<!tpu.dma_semaphore, #tpu.memory_space<semaphore_mem>>) src(%dma_wait3A_590 : memref<32768x768xf32, #tpu.memory_space<hbm>>) dst(%arg12 : memref<32x768xf32, #tpu.memory_space<vmem>>)
    %add3A_591 = arith.constant 896 : i32
    %add3A_592 = arith.addi %mul3A_11, %add3A_591 : i32
    %dma_start3A_593 = arith.constant 0 : i32
    %dma_start3A_594 = tpu.memref_slice %arg5[%add3A_592, %dma_start3A_593] : memref<32776x768xf32, #tpu.memory_space<hbm>> -> memref<32x768xf32, #tpu.memory_space<hbm>>
    %dma_start3A_595 = arith.constant 0 : i32
    %dma_start3A_596 = tpu.memref_slice %arg5[%add3A_592, %dma_start3A_595] : memref<32776x768xf32, #tpu.memory_space<hbm>> -> memref<32x768xf32, #tpu.memory_space<hbm>>
    tpu.enqueue_dma source(%arg12 : memref<32x768xf32, #tpu.memory_space<vmem>>) target(%dma_start3A_596 : memref<32x768xf32, #tpu.memory_space<hbm>>) target_semaphore(%arg22 : memref<!tpu.dma_semaphore, #tpu.memory_space<semaphore_mem>>)
    %dma_wait3A_597 = arith.constant 928 : i32
    %dma_wait3A_598 = tpu.memref_slice %arg8[%dma_wait3A_597] : memref<1024xi32, #tpu.memory_space<vmem>> -> memref<32xi32, #tpu.memory_space<vmem>>
    %dma_wait3A_599 = arith.constant 0 : i32
    %dma_wait3A_600 = arith.constant 0 : i32
    %dma_wait3A_601 = tpu.memref_slice %arg2[%dma_wait3A_599, %dma_wait3A_600] : memref<32768x768xf32, #tpu.memory_space<hbm>> -> memref<32768x768xf32, #tpu.memory_space<hbm>>
    tpu.wait_indirect_dma semaphore(%arg18 : memref<!tpu.dma_semaphore, #tpu.memory_space<semaphore_mem>>) src(%dma_wait3A_601 : memref<32768x768xf32, #tpu.memory_space<hbm>>) dst(%arg13 : memref<32x768xf32, #tpu.memory_space<vmem>>)
    %add3A_602 = arith.constant 928 : i32
    %add3A_603 = arith.addi %mul3A_11, %add3A_602 : i32
    %dma_start3A_604 = arith.constant 0 : i32
    %dma_start3A_605 = tpu.memref_slice %arg5[%add3A_603, %dma_start3A_604] : memref<32776x768xf32, #tpu.memory_space<hbm>> -> memref<32x768xf32, #tpu.memory_space<hbm>>
    %dma_start3A_606 = arith.constant 0 : i32
    %dma_start3A_607 = tpu.memref_slice %arg5[%add3A_603, %dma_start3A_606] : memref<32776x768xf32, #tpu.memory_space<hbm>> -> memref<32x768xf32, #tpu.memory_space<hbm>>
    tpu.enqueue_dma source(%arg13 : memref<32x768xf32, #tpu.memory_space<vmem>>) target(%dma_start3A_607 : memref<32x768xf32, #tpu.memory_space<hbm>>) target_semaphore(%arg23 : memref<!tpu.dma_semaphore, #tpu.memory_space<semaphore_mem>>)
    %dma_wait3A_608 = arith.constant 960 : i32
    %dma_wait3A_609 = tpu.memref_slice %arg8[%dma_wait3A_608] : memref<1024xi32, #tpu.memory_space<vmem>> -> memref<32xi32, #tpu.memory_space<vmem>>
    %dma_wait3A_610 = arith.constant 0 : i32
    %dma_wait3A_611 = arith.constant 0 : i32
    %dma_wait3A_612 = tpu.memref_slice %arg2[%dma_wait3A_610, %dma_wait3A_611] : memref<32768x768xf32, #tpu.memory_space<hbm>> -> memref<32768x768xf32, #tpu.memory_space<hbm>>
    tpu.wait_indirect_dma semaphore(%arg14 : memref<!tpu.dma_semaphore, #tpu.memory_space<semaphore_mem>>) src(%dma_wait3A_612 : memref<32768x768xf32, #tpu.memory_space<hbm>>) dst(%arg9 : memref<32x768xf32, #tpu.memory_space<vmem>>)
    %add3A_613 = arith.constant 960 : i32
    %add3A_614 = arith.addi %mul3A_11, %add3A_613 : i32
    %dma_start3A_615 = arith.constant 0 : i32
    %dma_start3A_616 = tpu.memref_slice %arg5[%add3A_614, %dma_start3A_615] : memref<32776x768xf32, #tpu.memory_space<hbm>> -> memref<32x768xf32, #tpu.memory_space<hbm>>
    %dma_start3A_617 = arith.constant 0 : i32
    %dma_start3A_618 = tpu.memref_slice %arg5[%add3A_614, %dma_start3A_617] : memref<32776x768xf32, #tpu.memory_space<hbm>> -> memref<32x768xf32, #tpu.memory_space<hbm>>
    tpu.enqueue_dma source(%arg9 : memref<32x768xf32, #tpu.memory_space<vmem>>) target(%dma_start3A_618 : memref<32x768xf32, #tpu.memory_space<hbm>>) target_semaphore(%arg19 : memref<!tpu.dma_semaphore, #tpu.memory_space<semaphore_mem>>)
    %dma_wait3A_619 = arith.constant 992 : i32
    %dma_wait3A_620 = tpu.memref_slice %arg8[%dma_wait3A_619] : memref<1024xi32, #tpu.memory_space<vmem>> -> memref<32xi32, #tpu.memory_space<vmem>>
    %dma_wait3A_621 = arith.constant 0 : i32
    %dma_wait3A_622 = arith.constant 0 : i32
    %dma_wait3A_623 = tpu.memref_slice %arg2[%dma_wait3A_621, %dma_wait3A_622] : memref<32768x768xf32, #tpu.memory_space<hbm>> -> memref<32768x768xf32, #tpu.memory_space<hbm>>
    tpu.wait_indirect_dma semaphore(%arg15 : memref<!tpu.dma_semaphore, #tpu.memory_space<semaphore_mem>>) src(%dma_wait3A_623 : memref<32768x768xf32, #tpu.memory_space<hbm>>) dst(%arg10 : memref<32x768xf32, #tpu.memory_space<vmem>>)
    %add3A_624 = arith.constant 992 : i32
    %add3A_625 = arith.addi %mul3A_11, %add3A_624 : i32
    %dma_start3A_626 = arith.constant 0 : i32
    %dma_start3A_627 = tpu.memref_slice %arg5[%add3A_625, %dma_start3A_626] : memref<32776x768xf32, #tpu.memory_space<hbm>> -> memref<32x768xf32, #tpu.memory_space<hbm>>
    %dma_start3A_628 = arith.constant 0 : i32
    %dma_start3A_629 = tpu.memref_slice %arg5[%add3A_625, %dma_start3A_628] : memref<32776x768xf32, #tpu.memory_space<hbm>> -> memref<32x768xf32, #tpu.memory_space<hbm>>
    tpu.enqueue_dma source(%arg10 : memref<32x768xf32, #tpu.memory_space<vmem>>) target(%dma_start3A_629 : memref<32x768xf32, #tpu.memory_space<hbm>>) target_semaphore(%arg20 : memref<!tpu.dma_semaphore, #tpu.memory_space<semaphore_mem>>)
    %dma_wait3A_630 = arith.constant 0 : i32
    %dma_wait3A_631 = tpu.memref_slice %arg5[%add3A_581, %dma_wait3A_630] : memref<32776x768xf32, #tpu.memory_space<hbm>> -> memref<32x768xf32, #tpu.memory_space<hbm>>
    %dma_wait3A_632 = arith.constant 0 : i32
    %dma_wait3A_633 = tpu.memref_slice %arg5[%add3A_581, %dma_wait3A_632] : memref<32776x768xf32, #tpu.memory_space<hbm>> -> memref<32x768xf32, #tpu.memory_space<hbm>>
    tpu.wait_dma2 semaphore(%arg21 : memref<!tpu.dma_semaphore, #tpu.memory_space<semaphore_mem>>) src(%arg11 : memref<32x768xf32, #tpu.memory_space<vmem>>) dst(%dma_wait3A_633 : memref<32x768xf32, #tpu.memory_space<hbm>>)
    %dma_wait3A_634 = arith.constant 0 : i32
    %dma_wait3A_635 = tpu.memref_slice %arg5[%add3A_592, %dma_wait3A_634] : memref<32776x768xf32, #tpu.memory_space<hbm>> -> memref<32x768xf32, #tpu.memory_space<hbm>>
    %dma_wait3A_636 = arith.constant 0 : i32
    %dma_wait3A_637 = tpu.memref_slice %arg5[%add3A_592, %dma_wait3A_636] : memref<32776x768xf32, #tpu.memory_space<hbm>> -> memref<32x768xf32, #tpu.memory_space<hbm>>
    tpu.wait_dma2 semaphore(%arg22 : memref<!tpu.dma_semaphore, #tpu.memory_space<semaphore_mem>>) src(%arg12 : memref<32x768xf32, #tpu.memory_space<vmem>>) dst(%dma_wait3A_637 : memref<32x768xf32, #tpu.memory_space<hbm>>)
    %dma_wait3A_638 = arith.constant 0 : i32
    %dma_wait3A_639 = tpu.memref_slice %arg5[%add3A_603, %dma_wait3A_638] : memref<32776x768xf32, #tpu.memory_space<hbm>> -> memref<32x768xf32, #tpu.memory_space<hbm>>
    %dma_wait3A_640 = arith.constant 0 : i32
    %dma_wait3A_641 = tpu.memref_slice %arg5[%add3A_603, %dma_wait3A_640] : memref<32776x768xf32, #tpu.memory_space<hbm>> -> memref<32x768xf32, #tpu.memory_space<hbm>>
    tpu.wait_dma2 semaphore(%arg23 : memref<!tpu.dma_semaphore, #tpu.memory_space<semaphore_mem>>) src(%arg13 : memref<32x768xf32, #tpu.memory_space<vmem>>) dst(%dma_wait3A_641 : memref<32x768xf32, #tpu.memory_space<hbm>>)
    %dma_wait3A_642 = arith.constant 0 : i32
    %dma_wait3A_643 = tpu.memref_slice %arg5[%add3A_614, %dma_wait3A_642] : memref<32776x768xf32, #tpu.memory_space<hbm>> -> memref<32x768xf32, #tpu.memory_space<hbm>>
    %dma_wait3A_644 = arith.constant 0 : i32
    %dma_wait3A_645 = tpu.memref_slice %arg5[%add3A_614, %dma_wait3A_644] : memref<32776x768xf32, #tpu.memory_space<hbm>> -> memref<32x768xf32, #tpu.memory_space<hbm>>
    tpu.wait_dma2 semaphore(%arg19 : memref<!tpu.dma_semaphore, #tpu.memory_space<semaphore_mem>>) src(%arg9 : memref<32x768xf32, #tpu.memory_space<vmem>>) dst(%dma_wait3A_645 : memref<32x768xf32, #tpu.memory_space<hbm>>)
    %dma_wait3A_646 = arith.constant 0 : i32
    %dma_wait3A_647 = tpu.memref_slice %arg5[%add3A_625, %dma_wait3A_646] : memref<32776x768xf32, #tpu.memory_space<hbm>> -> memref<32x768xf32, #tpu.memory_space<hbm>>
    %dma_wait3A_648 = arith.constant 0 : i32
    %dma_wait3A_649 = tpu.memref_slice %arg5[%add3A_625, %dma_wait3A_648] : memref<32776x768xf32, #tpu.memory_space<hbm>> -> memref<32x768xf32, #tpu.memory_space<hbm>>
    tpu.wait_dma2 semaphore(%arg20 : memref<!tpu.dma_semaphore, #tpu.memory_space<semaphore_mem>>) src(%arg10 : memref<32x768xf32, #tpu.memory_space<vmem>>) dst(%dma_wait3A_649 : memref<32x768xf32, #tpu.memory_space<hbm>>)
    return
  }
}

module attributes {stable_mosaic.version = 14 : i64} {
  func.func @_patch_body(%arg0: memref<32776x768xf32, #tpu.memory_space<any>>, %arg1: memref<8x768xf32, #tpu.memory_space<any>>, %arg2: memref<32776x768xf32, #tpu.memory_space<any>>, %arg3: memref<!tpu.dma_semaphore, #tpu.memory_space<semaphore_mem>>) attributes {dimension_semantics = [], scalar_prefetch = 0 : i64, scratch_operands = 1 : i64, tpu.core_type = #tpu.core_type<tc>} {
    %dma_start3A = arith.constant 0 : i32
    %dma_start3A_0 = arith.constant 0 : i32
    %dma_start3A_1 = tpu.memref_slice %arg2[%dma_start3A, %dma_start3A_0] : memref<32776x768xf32, #tpu.memory_space<any>> -> memref<8x768xf32, #tpu.memory_space<any>>
    tpu.enqueue_dma source(%arg1 : memref<8x768xf32, #tpu.memory_space<any>>) target(%dma_start3A_1 : memref<8x768xf32, #tpu.memory_space<any>>) target_semaphore(%arg3 : memref<!tpu.dma_semaphore, #tpu.memory_space<semaphore_mem>>)
    %dma_wait3A = arith.constant 0 : i32
    %dma_wait3A_2 = arith.constant 0 : i32
    %dma_wait3A_3 = tpu.memref_slice %arg2[%dma_wait3A, %dma_wait3A_2] : memref<32776x768xf32, #tpu.memory_space<any>> -> memref<8x768xf32, #tpu.memory_space<any>>
    tpu.wait_dma2 semaphore(%arg3 : memref<!tpu.dma_semaphore, #tpu.memory_space<semaphore_mem>>) src(%arg1 : memref<8x768xf32, #tpu.memory_space<any>>) dst(%dma_wait3A_3 : memref<8x768xf32, #tpu.memory_space<any>>)
    return
  }
}

module attributes {stable_mosaic.version = 14 : i64} {
  func.func @_cls_body(%arg0: memref<8x3072xf32, #tpu.memory_space<vmem>>, %arg1: memref<768x3072xf32, #tpu.memory_space<vmem>>, %arg2: memref<1x768xf32, #tpu.memory_space<vmem>>, %arg3: memref<8x768xf32, #tpu.memory_space<vmem>>) attributes {dimension_semantics = [], scalar_prefetch = 0 : i64, scratch_operands = 0 : i64, tpu.core_type = #tpu.core_type<tc>} {
    %get3A = arith.constant 0 : index
    %get3A_0 = arith.constant 0 : index
    %get3A_1 = vector.load %arg0[%get3A, %get3A_0] : memref<8x3072xf32, #tpu.memory_space<vmem>>, vector<8x3072xf32>
    %get3A_2 = arith.constant 0 : index
    %get3A_3 = arith.constant 0 : index
    %get3A_4 = vector.load %arg1[%get3A_2, %get3A_3] : memref<768x3072xf32, #tpu.memory_space<vmem>>, vector<768x3072xf32>
    %dot_general3A = arith.constant dense<0.000000e+00> : vector<8x768xf32>
    %dot_general3A_5 = tpu.matmul %get3A_1, %get3A_4, %dot_general3A {dimension_numbers = #tpu.dot_dimension_numbers<[1], [1], [0], [0], [0, 0, 1, 0], [], []>, transpose_lhs_hint = false} : vector<8x3072xf32>, vector<768x3072xf32>, vector<8x768xf32> -> vector<8x768xf32>
    %get3A_6 = arith.constant 0 : index
    %get3A_7 = arith.constant 0 : index
    %get3A_8 = vector.load %arg2[%get3A_6, %get3A_7] : memref<1x768xf32, #tpu.memory_space<vmem>>, vector<1x768xf32>
    %add3A = vector.broadcast %get3A_8 : vector<1x768xf32> to vector<8x768xf32>
    %add3A_9 = arith.addf %dot_general3A_5, %add3A : vector<8x768xf32>
    %swap3A = arith.constant 0 : index
    %swap3A_10 = arith.constant 0 : index
    %swap3A_11 = vector.load %arg3[%swap3A, %swap3A_10] : memref<8x768xf32, #tpu.memory_space<vmem>>, vector<8x768xf32>
    tpu.vector_store %arg3[%swap3A, %swap3A_10], %add3A_9 {strides = array<i32>} : memref<8x768xf32, #tpu.memory_space<vmem>>, vector<8x768xf32>,
    return
  }
}

</mosaic_0001>

<sc_bundles>
// kernel: kernel.5.cloned.1.call-start
scs
__scs_entry_jumppad:
0x0: {  	(pc) =	sbr.rel $0x88, $3  }
0x1: {  	(tag) =	ssettag $0x0;
	lr =	simm.s32 $0x1  }
0x2: {  	[smem:$0x3F9B] =	sst lr;
	_ =	strace $0xD0000000  }
0x3: {  	_ = 	snop  }
0x4: {  	_ = 	snop  }
0x5: {  	_ = 	snop  }
0x6: {  	_ = 	snop  }
0x7: {  	_ = 	snop  }
__scs_overlays_trampoline_lowered:
0x8: {  	[smem:$0x3FAA] =	sst s0  }
0x9: {  	[smem:$0x3FAB] =	sst s1  }
0xa: {  	[smem:$0x3FAC] =	sst s2  }
0xb: {  	[smem:$0x3FAD] =	sst s3  }
0xc: {  	[smem:$0x3FAE] =	sst s4  }
0xd: {  	[smem:$0x3FAF] =	sst s5  }
0xe: {  	[smem:$0x3FB0] =	sst s6  }
0xf: {  	[smem:$0x3FB1] =	sst s7  }
0x10: {  	[smem:$0x3FB2] =	sst s8  }
0x11: {  	[smem:$0x3FB3] =	sst s9;
	s0 =	simm.s32 @!p0 $0x0  }
0x12: {  	s1 =	sld [smem:$0x3F99];
	s0 =	simm.s32 @p0 $0x1  }
0x13: {  	[smem:$0x3FB4] =	sst s0;
	s0 =	simm.s32 @!p1 $0x0  }
0x14: {  	s2 =	sld [smem:$0x3F98];
	s0 =	simm.s32 @p1 $0x1  }
0x15: {  	[smem:$0x3FB5] =	sst s0;
	s0 =	simm.s32 @!p2 $0x0  }
0x16: {  	s3 =	sld [smem:$0x3FDB];
	s0 =	simm.s32 @p2 $0x1  }
0x17: {  	s4 =	simm.s32 $0x1BF5;
	[smem:$0x3FB7] =	sst s0  }
0x18: {  	s0 =	sld [smem:$0x3F9A];
	_ =	swait.ge [sflag:s4], $0x0  }
0x19: {  	s7 =	sld [smem:$0x3F9B]  }
0x1a: {  	s8 =	sadd.s32 $0xFFFFE003, lr  }
0x1b: {  	s9 =	sadd.s32 $0xFFFFFEF7, lr;
	s5 =	simm.s32 $0xFFFFFFFF;
	p2 =	slt.u32 s8, $0xFFFFF086  }
0x1c: {  	p1 =	slt.u32 s9, $0xF7A;
	s5 =	simm.s32 @!p2 $0x0  }
0x1d: {  	s5 =	simm.s32 @p1 $0x1;
	p0 =	seq.s32 s7, s2  }
0x1e: {  	s7 =	smul.u32 @!p0 $0xF7A, s2;
	p2 =	seq.s32 @!p0 s5, $0x0  }
0x1f: {  	s9 =	smul.u32 $0xF7A, s1;
	s8 =	simm.s32 @!p0 $0x1BF5;
	p2 =	por !p2, p0  }
0x20: {  	[sflag:s8] =	ssyncset.s32 @!p0 $0xFFFFF086;
	s6 =	sadd.s32 @!p0 s3, s7;
	s7 =	simm.s32 @!p0 $0x108  }
0x21: {  	s3 =	sadd.s32 s3, s9;
	s6 =	sadd.s32 @!p0 $0x88, s6;
	s7 =	simm.s32 @p2 $0x1082  }
0x22: {  	[simem:s7], [sflag:s8] =	dma.local @!p0 [hbm:s6], $0xF7A  }
0x23: {  	s9 =	sor.u32 $0xD0000000, s2;
	s6 =	simm.s32 $0x108;
	_ =	swait.ge @!p0 [sflag:s8], $0x0  }
0x24: {  	s3 =	sadd.s32 $0x88, s3;
	s6 =	simm.s32 @!p1 $0x1082;
	[sflag:s4] =	ssyncset.s32 $0xFFFFF086  }
0x25: {  	[simem:s6], [sflag:s4] =	dma.local [hbm:s3], $0xF7A  }
0x26: {  	[smem:$0x3F9B] =	sst s1;
	(tag) =	ssettag s2;
	_ =	strace s9  }
0x27: {  	s1 =	sld [smem:$0x3FAB]  }
0x28: {  	s2 =	sld [smem:$0x3FAC]  }
0x29: {  	s4 =	sld [smem:$0x3FAE]  }
0x2a: {  	p0 =	seq.s32 s5, $0x0;
	s5 =	sld [smem:$0x3FAF]  }
0x2b: {  	s6 =	sld [smem:$0x3FB0]  }
0x2c: {  	s7 =	sld [smem:$0x3FB1]  }
0x2d: {  	s3 =	simm.s32 $0x108;
	s8 =	sld [smem:$0x3FB2]  }
0x2e: {  	s3 =	simm.s32 @!p0 $0x1082;
	s9 =	sld [smem:$0x3FB3]  }
0x2f: {  	lr =	sadd.s32 s0, s3;
	s0 =	sld [smem:$0x3FAA]  }
0x30: {  	s3 =	sld [smem:$0x3FAD]  }
0x31: {  	[smem:$0x3FB6] =	sst s10  }
0x32: {  	s10 =	sld [smem:$0x3FB4];
	_ =	sdelay $0x3  }
0x33: {  	p0 =	seq.s32 s10, $0x1;
	s10 =	sld [smem:$0x3FB6];
	_ =	sdelay $0x3  }
0x34: {  	[smem:$0x3FB6] =	sst s10  }
0x35: {  	s10 =	sld [smem:$0x3FB5];
	_ =	sdelay $0x3  }
0x36: {  	p1 =	seq.s32 s10, $0x1;
	s10 =	sld [smem:$0x3FB6];
	_ =	sdelay $0x3  }
0x37: {  	[smem:$0x3FB6] =	sst s10  }
0x38: {  	s10 =	sld [smem:$0x3FB7]  }
0x39: {  	_ = 	snop;
	(pc) =	sbr.ind lr, $3  }
0x3a: {  	_ = 	snop  }
0x3b: {  	_ = 	snop  }
0x3c: {  	p2 =	seq.s32 s10, $0x1;
	s10 =	sld [smem:$0x3FB6]  }
0x3d: {  	_ =	shalt  }
0x3e: {  	_ =	shalt  }
0x3f: {  	_ =	shalt  }
0x40: {  	_ =	shalt  }
0x41: {  	_ =	shalt  }
0x42: {  	_ =	shalt  }
0x43: {  	_ =	shalt  }
0x44: {  	_ =	shalt  }
0x45: {  	_ =	shalt  }
0x46: {  	_ =	shalt  }
0x47: {  	_ =	shalt  }
0x48: {  	_ =	shalt  }
0x49: {  	_ =	shalt  }
0x4a: {  	_ =	shalt  }
0x4b: {  	_ =	shalt  }
0x4c: {  	_ =	shalt  }
0x4d: {  	_ =	shalt  }
0x4e: {  	_ =	shalt  }
0x4f: {  	_ =	shalt  }
0x50: {  	_ =	shalt  }
0x51: {  	_ =	shalt  }
0x52: {  	_ =	shalt  }
0x53: {  	_ =	shalt  }
0x54: {  	_ =	shalt  }
0x55: {  	_ =	shalt  }
0x56: {  	_ =	shalt  }
0x57: {  	_ =	shalt  }
0x58: {  	_ =	shalt  }
0x59: {  	_ =	shalt  }
0x5a: {  	_ =	shalt  }
0x5b: {  	_ =	shalt  }
0x5c: {  	_ =	shalt  }
0x5d: {  	_ =	shalt  }
0x5e: {  	_ =	shalt  }
0x5f: {  	_ =	shalt  }
0x60: {  	_ =	shalt  }
0x61: {  	_ =	shalt  }
0x62: {  	_ =	shalt  }
0x63: {  	_ =	shalt  }
0x64: {  	_ =	shalt  }
0x65: {  	_ =	shalt  }
0x66: {  	_ =	shalt  }
0x67: {  	_ =	shalt  }
0x68: {  	_ =	shalt  }
0x69: {  	_ =	shalt  }
0x6a: {  	_ =	shalt  }
0x6b: {  	_ =	shalt  }
0x6c: {  	_ =	shalt  }
0x6d: {  	_ =	shalt  }
0x6e: {  	_ =	shalt  }
0x6f: {  	_ =	shalt  }
0x70: {  	_ =	shalt  }
0x71: {  	_ =	shalt  }
0x72: {  	_ =	shalt  }
0x73: {  	_ =	shalt  }
0x74: {  	_ =	shalt  }
0x75: {  	_ =	shalt  }
0x76: {  	_ =	shalt  }
0x77: {  	_ =	shalt  }
0x78: {  	_ =	shalt  }
0x79: {  	_ =	shalt  }
0x7a: {  	_ =	shalt  }
0x7b: {  	_ =	shalt  }
0x7c: {  	_ =	shalt  }
0x7d: {  	_ =	shalt  }
0x7e: {  	_ =	shalt  }
0x7f: {  	_ =	shalt  }
0x80: {  	_ =	shalt  }
0x81: {  	_ =	shalt  }
0x82: {  	_ =	shalt  }
0x83: {  	_ =	shalt  }
0x84: {  	_ =	shalt  }
0x85: {  	_ =	shalt  }
0x86: {  	_ =	shalt  }
0x87: {  	_ =	shalt  }
.Lfunc_end0:
.L_simem_size_0:
called_computation_lowered:
.L_overlay_start_0:
0x88: {  	s2 =	sld [smem:$0x3FD9]  }
0x89: {  	s3 =	sld [smem:$0x3FFE];
	_ =	sdelay $0x1  }
0x8a: {  	s1 =	srdreg.scid  }
0x8b: {  	s0 =	sand.u32 $0x1, s1  }
0x8c: {  	s18 =	sshll.u32 s0, $0xA;
	s2 =	sadd.s32 s3, s2  }
0x8d: {  	s2 =	sadd.s32 s2, s18  }
0x8e: {  	[smem:$0x3FC2] =	sst s2  }
0x8f: {  	_ = 	snop  }
0x90: {  	s2 =	sld [smem:$0x3FC8]  }
0x91: {  	s19 =	sld [smem:$0x3FC7]  }
0x92: {  	s4 =	sld [smem:$0x3FC6]  }
0x93: {  	s5 =	sld [smem:$0x3FD0];
	(tm) =	ssettm $0x1  }
0x94: {  	s6 =	sld [smem:$0x3FFB];
	_ =	sdelay $0x3  }
0x95: {  	_ =	strace s6  }
0x96: {  	s6 =	sld [smem:$0x3FFC];
	_ =	sdelay $0x3  }
0x97: {  	_ =	strace s6  }
0x98: {  	s6 =	sld [smem:$0x3FFD];
	_ =	sdelay $0x3  }
0x99: {  	_ =	strace s6  }
0x9a: {  	_ =	strace $0x8FFFFFFF  }
0x9b: {  	s20 =	sld [smem:$0x3FDB];
	_ =	sdelay $0x1  }
0x9c: {  	s7 =	simm.s32 $_scs_section_size  }
0x9d: {  	s8 =	simm.s32 $_size__tile_overlayer_lowered;
	s9 =	simm.s32 $_tile_overlayer_lowered  }
0x9e: {  	s23 =	simm.s32 $0x1BFF;
	s22 =	sshll.u32 s9, $0x1;
	s6 =	sadd.s32 s7, s20  }
0x9f: {  	s10 =	simm.s32 $0x0;
	s21 =	sshll.u32 s8, $0x1;
	s8 =	sadd.s32 s22, s6  }
0xa0: {  	[timem:s10], [sflag:s23] =	dma.local [hbm:s8], s21  }
0xa1: {  	_ =	swait.ge [sflag:s23], s21  }
0xa2: {  	s7 =	ssub.s32 $0x0, s21;
	[sflag:s23] =	ssyncset.done $0x0  }
0xa3: {  	[sflag:s23] =	ssyncadd.s32 s7;
	_ =	sdelay $0x1  }
0xa4: {  	s24 =	simm.s32 $0x1B8B  }
0xa5: {  	_ =	swait.ge [sflag:s24], $0x1  }
0xa6: {  	[sflag:s24] =	ssyncset.done $0x0  }
0xa7: {  	s25 =	simm.s32 $0x1B8E;
	[sflag:s24] =	ssyncadd.s32 $0xFFFFFFFF  }
0xa8: {  	s26 =	simm.s32 $execute0_lowered;
	[smem:$0x3FD2] =	sst s25  }
0xa9: {  	s7 =	sshll.u32 s26, $0x1;
	_ =	strace $0x80000046;
	[dreg:$0x1] =	wrdreg $0xFFFFFFFF  }
0xaa: {  	s28 =	simm.s32 $_size_execute0_lowered;
	s6 =	sadd.s32 s6, s7;
	[dreg:$0x0] =	wrdreg $0x0  }
0xab: {  	s7 =	sshll.u32 s28, $0x1;
	[dreg:$0x2] =	wrdreg s6  }
0xac: {  	[dreg:$0x3] =	wrdreg s7  }
0xad: {  	[dreg:$0x4] =	wrdreg $0xC0  }
0xae: {  	_ =	task [dreg:s10], $0x5FFFF  }
0xaf: {  	[dreg:$0x1] =	wrdreg $0xFFFFFFFF  }
0xb0: {  	[dreg:$0x0] =	wrdreg $0x60  }
0xb1: {  	[dreg:$0x2] =	wrdreg s2  }
0xb2: {  	[dreg:$0x3] =	wrdreg s19  }
0xb3: {  	[dreg:$0x4] =	wrdreg s4  }
0xb4: {  	[dreg:$0x5] =	wrdreg s5  }
0xb5: {  	[dreg:$0x6] =	wrdreg $0x9  }
0xb6: {  	_ =	task.clear_ibuf [dreg:s10], $0x7FFFF;
	_ =	strace $0x90000046  }
0xb7: {  	s29 =	simm.s32 $0x9;
	_ =	strace $0x80000048  }
0xb8: {  	_ =	swait.ge [sflag:s29], $0x1  }
0xb9: {  	[sflag:s29] =	ssyncadd.s32 $0xFFFFFFFF  }
0xba: {  	_ =	strace $0x90000048  }
0xbb: {  	_ =	sfence  }
0xbc: {  	s30 =	sld [smem:$0x0];
	_ =	sdelay $0x2  }
0xbd: {  	s31 =	sshll.u32 s1, $0xD;
	s1 =	sshrl.u32 s1, $0x2  }
0xbe: {  	s3 =	sand.u32 $0x4000, s31;
	s1 =	sadd.s32 s1, s30  }
0xbf: {  	s0 =	sor.u32 s3, s0;
	s1 =	sshll.u32 s1, $0x11  }
0xc0: {  	s0 =	sor.u32 s1, s0  }
0xc1: {  	s0 =	sadd.s32 $0x8F2B, s0  }
0xc2: {  	[sflag:s0] =	ssyncadd.remote.s32 $0x1  }
0xc3: {  	_ =	sfence.sel $0xFFFF  }
0xc4: {  	[dreg:$0x0] =	wrdreg $0xFFFFFFFF;
	(pc) =	sbr.abs _section_cstart, $3  }
0xc5: {  	[dreg:$0x1] =	wrdreg $0xFFFFFFFF  }
0xc6: {  	_ =	task.clear_ibuf [dreg:s10], $0x2FFFF;
	_ =	strace $0x9FFFFFFF  }
0xc7: {  	(tm) =	ssettm $0x7FFFFFFF  }
tec
execute0_lowered:
.L_overlay_start_1:
0x0: {  	(tag) =	ssettag $0x1  }
0x1: {  	s3 =	srdreg.scid  }
0x2: {  	s0 =	rddreg [dreg:$0x0];
	s6 =	stileid.u32;
	s5 =	sand.u32 $0x1, s3  }
0x3: {  	s1 =	rddreg [dreg:$0x1];
	s6 =	sshll.u32 s6, $0x8;
	s7 =	sshll.u32 s5, $0x7  }
0x4: {  	s2 =	rddreg [dreg:$0x2];
	s3 =	simm.s32 $0x0;
	s6 =	sor.u32 s7, s6  }
0x5: {  	[smem:$0x7FF] =	sst s3;
	s8 =	smul.u32 $0x300, s6  }
0x6: {  	s4 =	rddreg [dreg:$0x3];
	_ =	strace $0x80000047;
	s1 =	sadd.s32 s1, s6  }
0x7: {  	s20 =	sadd.s32 s2, s6;
	[dreg:$0x5] =	wrdreg s1;
	s21 =	sadd.s32 s8, s4  }
0x8: {  	[dreg:$0x6] =	wrdreg s20;
	s22 =	sadd.s32 $0x300, s21  }
0x9: {  	s23 =	sadd.s32 $0xF00, s21;
	[dreg:$0x7] =	wrdreg s22  }
0xa: {  	s25 =	sadd.s32 $0x1B00, s21;
	[dreg:$0x8] =	wrdreg s23  }
0xb: {  	s26 =	sadd.s32 $0x2700, s21;
	[dreg:$0x9] =	wrdreg s25  }
0xc: {  	s28 =	sadd.s32 $0x3300, s21;
	[dreg:$0xa] =	wrdreg s26  }
0xd: {  	s29 =	sadd.s32 $0x3F00, s21;
	[dreg:$0xb] =	wrdreg s28  }
0xe: {  	s30 =	sadd.s32 $0x4B00, s21;
	[dreg:$0xc] =	wrdreg s29  }
0xf: {  	s24 =	smul.u32 $0x1800, s6;
	s31 =	sadd.s32 $0x5700, s21;
	[dreg:$0xd] =	wrdreg s30  }
0x10: {  	s7 =	sadd.s32 $0x6300, s21;
	[dreg:$0xe] =	wrdreg s31  }
0x11: {  	s2 =	sshrl.u32 s24, $0x3;
	s8 =	sadd.s32 $0x6F00, s21;
	[dreg:$0xf] =	wrdreg s7  }
0x12: {  	s2 =	sadd.s32 s4, s2;
	s1 =	sadd.s32 $0x7B00, s21;
	[dreg:$0x10] =	wrdreg s8  }
0x13: {  	[dreg:$0x11] =	wrdreg s1;
	s9 =	sadd.s32 $0x8700, s2  }
0x14: {  	s10 =	sadd.s32 $0x9300, s2;
	[dreg:$0x12] =	wrdreg s9  }
0x15: {  	s11 =	sadd.s32 $0x9F00, s2;
	[dreg:$0x13] =	wrdreg s10  }
0x16: {  	s12 =	sadd.s32 $0xAB00, s2;
	[dreg:$0x14] =	wrdreg s11  }
0x17: {  	s13 =	sadd.s32 $0xB700, s2;
	[dreg:$0x15] =	wrdreg s12  }
0x18: {  	s14 =	sadd.s32 $0xC300, s2;
	[dreg:$0x16] =	wrdreg s13  }
0x19: {  	s15 =	sadd.s32 $0xCF00, s2;
	[dreg:$0x17] =	wrdreg s14  }
0x1a: {  	s16 =	sadd.s32 $0xDB00, s2;
	[dreg:$0x18] =	wrdreg s15  }
0x1b: {  	s5 =	ssub.s32 $0x2, s5;
	s17 =	sadd.s32 $0xE700, s2;
	[dreg:$0x19] =	wrdreg s16  }
0x1c: {  	s19 =	sshrl.u32 s5, $0x1;
	s18 =	sadd.s32 $0xF300, s2;
	[dreg:$0x1a] =	wrdreg s17  }
0x1d: {  	s5 =	ssub.s32 s5, s19;
	s19 =	sadd.s32 $0xFF00, s2;
	[dreg:$0x1b] =	wrdreg s18  }
0x1e: {  	s20 =	sadd.s32 $0x10B00, s2;
	[dreg:$0x1c] =	wrdreg s19  }
0x1f: {  	s21 =	sadd.s32 $0x11700, s2;
	[dreg:$0x1d] =	wrdreg s20  }
0x20: {  	s22 =	sadd.s32 $0x12300, s2;
	[dreg:$0x1e] =	wrdreg s21  }
0x21: {  	s23 =	sadd.s32 $0x12F00, s2;
	[dreg:$0x1f] =	wrdreg s22  }
0x22: {  	s24 =	sadd.s32 $0x13B00, s2;
	[smem:$0x7F6] =	sst s23  }
0x23: {  	s25 =	sadd.s32 $0x14700, s2;
	[smem:$0x7F7] =	sst s24  }
0x24: {  	s26 =	sadd.s32 $0x15300, s2;
	[smem:$0x7F8] =	sst s25  }
0x25: {  	s28 =	sadd.s32 $0x15F00, s2;
	[smem:$0x7F9] =	sst s26  }
0x26: {  	s29 =	sadd.s32 $0x16B00, s2;
	[smem:$0x7FA] =	sst s28  }
0x27: {  	s30 =	sadd.s32 $0x17700, s2;
	[smem:$0x7FB] =	sst s29  }
0x28: {  	s31 =	smax.u32 s5, $0x1;
	[smem:$0x7FC] =	sst s30  }
0x29: {  	v0 =	vlaneseq.u32;
	vm0 =	vmmov $0xffff;
	s1 =	simm.s32 $0x0;
	[smem:$0x7FD] =	sst s31;
	s10 =	sadd.s32 $0x100, s0  }
0x2a: {  	v1 =	vand.u32 $0x7, v0;
	v4 =	vshrl.u32 v0, $0x3;
	v5 =	vor.u32 $0x8, v0;
	s11 =	sadd.s32 $0x200, s0;
	s13 =	simm.s32 $0x400;
	s16 =	simm.s32 $0x1  }
0x2b: {  	v2 =	vmul.u32 $0x80, v1;
	v3 =	vmul.u32 $0x400, v1;
	v4 =	vmul.u32 $0x8, v4;
	s17 =	simm.s32 $0x6;
	s18 =	simm.s32 $0x2;
	s19 =	simm.s32 $0x7  }
.LBB2_1:
0x2c: {  	[smem:$0x7F5] =	sst s1  }
0x2d: {  	s29 =	rddreg [dreg:$0x5];
	s30 =	simm.s32 $0xB  }
0x2e: {  	[tilespmem:s3], [sflag:$0xB] =	stream.linear.gather [hbm4b:s29+s3], $0x400, $0x38;
	[tilespmem:$0x1EC00] =	vst v63  }
0x2f: {  	v6 =	vor.u32 s3, v0;
	_ =	swait.ge [sflag:s30], $0x400  }
0x30: {  	v6 =	vshrl.u32 v6, $0x3;
	[sflag:s30] =	ssyncset.done $0x0  }
0x31: {  	v6 =	vor.u32 v2, v6;
	s29 =	rddreg [dreg:$0x6];
	[sflag:s30] =	ssyncadd.s32 $0xFFFFFC00  }
0x32: {  	[tilespmem:s13], [sflag:$0xB] =	stream.linear.gather [hbm4b:s29+s3], $0x400, $0x38;
	[tilespmem:$0x1EC00] =	vst v63  }
0x33: {  	_ =	swait.ge [sflag:s30], $0x400  }
0x34: {  	[sflag:s30] =	ssyncset.done $0x0  }
0x35: {  	[sflag:s30] =	ssyncadd.s32 $0xFFFFFC00  }
0x36: {  	v7 =	vld.idx.msk [tilespmem:v6+s3+$0x0], $0xffff  }
0x37: {  	s29 =	simm.s32 $0x10;
	v6 =	vld.idx.msk [tilespmem:v6+s13+$0x0], $0xffff  }
0x38: {  	v8 =	vor.u32 s29, v0  }
0x39: {  	v8 =	vshrl.u32 v8, $0x3  }
0x3a: {  	v8 =	vor.u32 v2, v8  }
0x3b: {  	v7 =	vshll.u32 v7, $0xD  }
0x3c: {  	v6 =	vadd.s32 v7, v6  }
0x3d: {  	s29 =	simm.s32 $0x800;
	v6 =	vadd.s32 v3, v6  }
0x3e: {  	[tilespmem:s29+$0x0] =	vst v6  }
0x3f: {  	v6 =	vld.idx.msk [tilespmem:v8+s3+$0x0], $0xffff  }
0x40: {  	s30 =	simm.s32 $0x20;
	v7 =	vld.idx.msk [tilespmem:v8+s13+$0x0], $0xffff  }
0x41: {  	v8 =	vor.u32 s30, v0;
	s30 =	simm.s32 $0x30  }
.LBB2_2:
0x42: {  	p0 =	sne.s32 s30, $0x3F0;
	v8 =	vshrl.u32 v8, $0x3  }
0x43: {  	v8 =	vor.u32 v2, v8  }
0x44: {  	v6 =	vshll.u32 v6, $0xD  }
0x45: {  	v6 =	vadd.s32 v6, v7  }
0x46: {  	s29 =	sadd.s32 $0x10, s29;
	v6 =	vadd.s32 v3, v6  }
.Ltmp0:
0x47: {  	[tilespmem:s29+$0x0] =	vst v6;
	(pc) =	sbr.rel @p0 .LBB2_2-.Ltmp0, $3  }
0x48: {  	v6 =	vld.idx.msk [tilespmem:v8+s3+$0x0], $0xffff  }
0x49: {  	v7 =	vld.idx.msk [tilespmem:v8+s13+$0x0], $0xffff;
	_ =	sdelay $0x1  }
0x4a: {  	v8 =	vor.u32 s30, v0;
	s30 =	sadd.s32 $0x10, s30  }
0x4b: {  	v8 =	vshrl.u32 v8, $0x3  }
0x4c: {  	v8 =	vor.u32 v2, v8  }
0x4d: {  	v6 =	vshll.u32 v6, $0xD  }
0x4e: {  	v6 =	vadd.s32 v6, v7  }
0x4f: {  	s29 =	sadd.s32 $0x10, s29;
	v6 =	vadd.s32 v3, v6  }
0x50: {  	[tilespmem:s29+$0x0] =	vst v6  }
0x51: {  	v6 =	vld.idx.msk [tilespmem:v8+s3+$0x0], $0xffff  }
0x52: {  	v7 =	vld.idx.msk [tilespmem:v8+s13+$0x0], $0xffff;
	_ =	sdelay $0x3  }
0x53: {  	v6 =	vshll.u32 v6, $0xD  }
0x54: {  	v6 =	vadd.s32 v6, v7  }
0x55: {  	s29 =	sadd.s32 $0x10, s29;
	v6 =	vadd.s32 v3, v6  }
0x56: {  	[tilespmem:s29+$0x0] =	vst v6  }
0x57: {  	v6 =	vld [tilespmem:$0x800];
	_ =	sdelay $0x4  }
0x58: {  	v7 =	vshrl.u32 v6, $0x3  }
0x59: {  	v7 =	vmul.u32 $0x30, v7  }
0x5a: {  	v6 =	vand.u32 $0x7, v6  }
0x5b: {  	v6 =	vor.u32 v6, v7  }
0x5c: {  	v7 =	vperm.xlane v6, v1;
	_ =	sdelay $0x1  }
0x5d: {  	v7 =	vadd.s32 v4, v7;
	_ =	sdelay $0x3  }
0x5e: {  	s1 =	simm.s32 $0xC00;
	v6 =	vperm.xlane v6, v5  }
0x5f: {  	[tilespmem:s1], [sflag:$0x1] =	stream.indirect_vreg.gather [hbm4b:s0+s3], $0x80, v7, vm0, $0xb8;
	[tilespmem:$0x1EC00] =	vst v63  }
0x60: {  	s20 =	simm.s32 $0x1400;
	v6 =	vadd.s32 v4, v6  }
0x61: {  	[tilespmem:s20], [sflag:$0x1] =	stream.indirect_vreg.gather [hbm4b:s10+s3], $0x80, v7, vm0, $0xb8;
	[tilespmem:$0x1EC00] =	vst v63  }
0x62: {  	s21 =	simm.s32 $0x1C00  }
0x63: {  	[tilespmem:s21], [sflag:$0x1] =	stream.indirect_vreg.gather [hbm4b:s11+s3], $0x80, v7, vm0, $0xb8;
	[tilespmem:$0x1EC00] =	vst v63  }
0x64: {  	s22 =	simm.s32 $0x2400  }
0x65: {  	[tilespmem:s22], [sflag:$0x1] =	stream.indirect_vreg.gather [hbm4b:s0+s3], $0x80, v6, vm0, $0xb8;
	[tilespmem:$0x1EC00] =	vst v63  }
0x66: {  	s23 =	simm.s32 $0x2C00  }
0x67: {  	[tilespmem:s23], [sflag:$0x1] =	stream.indirect_vreg.gather [hbm4b:s10+s3], $0x80, v6, vm0, $0xb8;
	[tilespmem:$0x1EC00] =	vst v63  }
0x68: {  	s24 =	simm.s32 $0x3400  }
0x69: {  	[tilespmem:s24], [sflag:$0x1] =	stream.indirect_vreg.gather [hbm4b:s11+s3], $0x80, v6, vm0, $0xb8;
	[tilespmem:$0x1EC00] =	vst v63  }
0x6a: {  	v6 =	vld [tilespmem:$0x810];
	_ =	sdelay $0x4  }
0x6b: {  	v7 =	vshrl.u32 v6, $0x3  }
0x6c: {  	v7 =	vmul.u32 $0x30, v7  }
0x6d: {  	v6 =	vand.u32 $0x7, v6  }
0x6e: {  	v6 =	vor.u32 v6, v7  }
0x6f: {  	v7 =	vperm.xlane v6, v1;
	_ =	sdelay $0x1  }
0x70: {  	v7 =	vadd.s32 v4, v7;
	_ =	sdelay $0x3  }
0x71: {  	s25 =	simm.s32 $0x3C00;
	v6 =	vperm.xlane v6, v5  }
0x72: {  	[tilespmem:s25], [sflag:$0x1] =	stream.indirect_vreg.gather [hbm4b:s0+s3], $0x80, v7, vm0, $0xb8;
	[tilespmem:$0x1EC00] =	vst v63  }
0x73: {  	s26 =	simm.s32 $0x4400;
	v6 =	vadd.s32 v4, v6  }
0x74: {  	[tilespmem:s26], [sflag:$0x1] =	stream.indirect_vreg.gather [hbm4b:s10+s3], $0x80, v7, vm0, $0xb8;
	[tilespmem:$0x1EC00] =	vst v63  }
0x75: {  	s28 =	simm.s32 $0x4C00  }
0x76: {  	[tilespmem:s28], [sflag:$0x1] =	stream.indirect_vreg.gather [hbm4b:s11+s3], $0x80, v7, vm0, $0xb8;
	[tilespmem:$0x1EC00] =	vst v63  }
0x77: {  	s29 =	simm.s32 $0x5400  }
0x78: {  	[tilespmem:s29], [sflag:$0x1] =	stream.indirect_vreg.gather [hbm4b:s0+s3], $0x80, v6, vm0, $0xb8;
	[tilespmem:$0x1EC00] =	vst v63  }
0x79: {  	s30 =	simm.s32 $0x5C00  }
0x7a: {  	[tilespmem:s30], [sflag:$0x1] =	stream.indirect_vreg.gather [hbm4b:s10+s3], $0x80, v6, vm0, $0xb8;
	[tilespmem:$0x1EC00] =	vst v63  }
0x7b: {  	s31 =	simm.s32 $0x6400  }
0x7c: {  	[tilespmem:s31], [sflag:$0x1] =	stream.indirect_vreg.gather [hbm4b:s11+s3], $0x80, v6, vm0, $0xb8;
	[tilespmem:$0x1EC00] =	vst v63  }
0x7d: {  	v6 =	vld [tilespmem:$0x820];
	_ =	sdelay $0x4  }
0x7e: {  	v7 =	vshrl.u32 v6, $0x3  }
0x7f: {  	v7 =	vmul.u32 $0x30, v7  }
0x80: {  	v6 =	vand.u32 $0x7, v6  }
0x81: {  	v6 =	vor.u32 v6, v7  }
0x82: {  	v7 =	vperm.xlane v6, v1;
	_ =	sdelay $0x1  }
0x83: {  	v7 =	vadd.s32 v4, v7;
	_ =	sdelay $0x3  }
0x84: {  	s2 =	simm.s32 $0x6C00;
	v6 =	vperm.xlane v6, v5  }
0x85: {  	[tilespmem:s2], [sflag:$0x2] =	stream.indirect_vreg.gather [hbm4b:s0+s3], $0x80, v7, vm0, $0xb8;
	[tilespmem:$0x1EC00] =	vst v63  }
0x86: {  	s5 =	simm.s32 $0x7400;
	v6 =	vadd.s32 v4, v6  }
0x87: {  	[tilespmem:s5], [sflag:$0x2] =	stream.indirect_vreg.gather [hbm4b:s10+s3], $0x80, v7, vm0, $0xb8;
	[tilespmem:$0x1EC00] =	vst v63  }
0x88: {  	s6 =	simm.s32 $0x7C00  }
0x89: {  	[tilespmem:s6], [sflag:$0x2] =	stream.indirect_vreg.gather [hbm4b:s11+s3], $0x80, v7, vm0, $0xb8;
	[tilespmem:$0x1EC00] =	vst v63  }
0x8a: {  	s7 =	simm.s32 $0x8400  }
0x8b: {  	[tilespmem:s7], [sflag:$0x2] =	stream.indirect_vreg.gather [hbm4b:s0+s3], $0x80, v6, vm0, $0xb8;
	[tilespmem:$0x1EC00] =	vst v63  }
0x8c: {  	s9 =	simm.s32 $0x8C00  }
0x8d: {  	[tilespmem:s9], [sflag:$0x2] =	stream.indirect_vreg.gather [hbm4b:s10+s3], $0x80, v6, vm0, $0xb8;
	[tilespmem:$0x1EC00] =	vst v63  }
0x8e: {  	s12 =	simm.s32 $0x9400  }
0x8f: {  	[tilespmem:s12], [sflag:$0x2] =	stream.indirect_vreg.gather [hbm4b:s11+s3], $0x80, v6, vm0, $0xb8;
	[tilespmem:$0x1EC00] =	vst v63  }
0x90: {  	v6 =	vld [tilespmem:$0x830];
	_ =	sdelay $0x4  }
0x91: {  	v7 =	vshrl.u32 v6, $0x3  }
0x92: {  	v7 =	vmul.u32 $0x30, v7  }
0x93: {  	v6 =	vand.u32 $0x7, v6  }
0x94: {  	v6 =	vor.u32 v6, v7  }
0x95: {  	v7 =	vperm.xlane v6, v1;
	_ =	sdelay $0x1  }
0x96: {  	v7 =	vadd.s32 v4, v7;
	_ =	sdelay $0x3  }
0x97: {  	s14 =	simm.s32 $0x9C00;
	v6 =	vperm.xlane v6, v5  }
0x98: {  	[tilespmem:s14], [sflag:$0x2] =	stream.indirect_vreg.gather [hbm4b:s0+s3], $0x80, v7, vm0, $0xb8;
	[tilespmem:$0x1EC00] =	vst v63  }
0x99: {  	s15 =	simm.s32 $0xA400;
	v6 =	vadd.s32 v4, v6  }
0x9a: {  	[tilespmem:s15], [sflag:$0x2] =	stream.indirect_vreg.gather [hbm4b:s10+s3], $0x80, v7, vm0, $0xb8;
	[tilespmem:$0x1EC00] =	vst v63  }
0x9b: {  	s20 =	simm.s32 $0xAC00  }
0x9c: {  	[tilespmem:s20], [sflag:$0x2] =	stream.indirect_vreg.gather [hbm4b:s11+s3], $0x80, v7, vm0, $0xb8;
	[tilespmem:$0x1EC00] =	vst v63  }
0x9d: {  	s23 =	simm.s32 $0xB400  }
0x9e: {  	[tilespmem:s23], [sflag:$0x2] =	stream.indirect_vreg.gather [hbm4b:s0+s3], $0x80, v6, vm0, $0xb8;
	[tilespmem:$0x1EC00] =	vst v63  }
0x9f: {  	s24 =	simm.s32 $0xBC00  }
0xa0: {  	[tilespmem:s24], [sflag:$0x2] =	stream.indirect_vreg.gather [hbm4b:s10+s3], $0x80, v6, vm0, $0xb8;
	[tilespmem:$0x1EC00] =	vst v63  }
0xa1: {  	s25 =	simm.s32 $0xC400  }
0xa2: {  	[tilespmem:s25], [sflag:$0x2] =	stream.indirect_vreg.gather [hbm4b:s11+s3], $0x80, v6, vm0, $0xb8;
	[tilespmem:$0x1EC00] =	vst v63  }
0xa3: {  	v6 =	vld [tilespmem:$0x840];
	_ =	sdelay $0x4  }
0xa4: {  	v7 =	vshrl.u32 v6, $0x3  }
0xa5: {  	v7 =	vmul.u32 $0x30, v7  }
0xa6: {  	v6 =	vand.u32 $0x7, v6  }
0xa7: {  	v6 =	vor.u32 v6, v7  }
0xa8: {  	v7 =	vperm.xlane v6, v1;
	_ =	sdelay $0x1  }
0xa9: {  	v7 =	vadd.s32 v4, v7;
	_ =	sdelay $0x3  }
0xaa: {  	s26 =	simm.s32 $0xCC00;
	v6 =	vperm.xlane v6, v5  }
0xab: {  	[tilespmem:s26], [sflag:$0x3] =	stream.indirect_vreg.gather [hbm4b:s0+s3], $0x80, v7, vm0, $0xb8;
	[tilespmem:$0x1EC00] =	vst v63  }
0xac: {  	s28 =	simm.s32 $0xD400;
	v6 =	vadd.s32 v4, v6  }
0xad: {  	[tilespmem:s28], [sflag:$0x3] =	stream.indirect_vreg.gather [hbm4b:s10+s3], $0x80, v7, vm0, $0xb8;
	[tilespmem:$0x1EC00] =	vst v63  }
0xae: {  	s29 =	simm.s32 $0xDC00  }
0xaf: {  	[tilespmem:s29], [sflag:$0x3] =	stream.indirect_vreg.gather [hbm4b:s11+s3], $0x80, v7, vm0, $0xb8;
	[tilespmem:$0x1EC00] =	vst v63  }
0xb0: {  	s31 =	simm.s32 $0xE400  }
0xb1: {  	[tilespmem:s31], [sflag:$0x3] =	stream.indirect_vreg.gather [hbm4b:s0+s3], $0x80, v6, vm0, $0xb8;
	[tilespmem:$0x1EC00] =	vst v63  }
0xb2: {  	s2 =	simm.s32 $0xEC00  }
0xb3: {  	[tilespmem:s2], [sflag:$0x3] =	stream.indirect_vreg.gather [hbm4b:s10+s3], $0x80, v6, vm0, $0xb8;
	[tilespmem:$0x1EC00] =	vst v63  }
0xb4: {  	s5 =	simm.s32 $0xF400  }
0xb5: {  	[tilespmem:s5], [sflag:$0x3] =	stream.indirect_vreg.gather [hbm4b:s11+s3], $0x80, v6, vm0, $0xb8;
	[tilespmem:$0x1EC00] =	vst v63  }
0xb6: {  	v6 =	vld [tilespmem:$0x850];
	_ =	sdelay $0x4  }
0xb7: {  	v7 =	vshrl.u32 v6, $0x3  }
0xb8: {  	v7 =	vmul.u32 $0x30, v7  }
0xb9: {  	v6 =	vand.u32 $0x7, v6  }
0xba: {  	v6 =	vor.u32 v6, v7  }
0xbb: {  	v7 =	vperm.xlane v6, v1;
	_ =	sdelay $0x1  }
0xbc: {  	v7 =	vadd.s32 v4, v7;
	_ =	sdelay $0x3  }
0xbd: {  	s9 =	simm.s32 $0xFC00;
	v6 =	vperm.xlane v6, v5  }
0xbe: {  	[tilespmem:s9], [sflag:$0x3] =	stream.indirect_vreg.gather [hbm4b:s0+s3], $0x80, v7, vm0, $0xb8;
	[tilespmem:$0x1EC00] =	vst v63  }
0xbf: {  	s12 =	simm.s32 $0x10400;
	v6 =	vadd.s32 v4, v6  }
0xc0: {  	[tilespmem:s12], [sflag:$0x3] =	stream.indirect_vreg.gather [hbm4b:s10+s3], $0x80, v7, vm0, $0xb8;
	[tilespmem:$0x1EC00] =	vst v63  }
0xc1: {  	s14 =	simm.s32 $0x10C00  }
0xc2: {  	[tilespmem:s14], [sflag:$0x3] =	stream.indirect_vreg.gather [hbm4b:s11+s3], $0x80, v7, vm0, $0xb8;
	[tilespmem:$0x1EC00] =	vst v63  }
0xc3: {  	s15 =	simm.s32 $0x11400  }
0xc4: {  	[tilespmem:s15], [sflag:$0x3] =	stream.indirect_vreg.gather [hbm4b:s0+s3], $0x80, v6, vm0, $0xb8;
	[tilespmem:$0x1EC00] =	vst v63  }
0xc5: {  	s20 =	simm.s32 $0x11C00  }
0xc6: {  	[tilespmem:s20], [sflag:$0x3] =	stream.indirect_vreg.gather [hbm4b:s10+s3], $0x80, v6, vm0, $0xb8;
	[tilespmem:$0x1EC00] =	vst v63  }
0xc7: {  	s25 =	simm.s32 $0x12400  }
0xc8: {  	[tilespmem:s25], [sflag:$0x3] =	stream.indirect_vreg.gather [hbm4b:s11+s3], $0x80, v6, vm0, $0xb8;
	[tilespmem:$0x1EC00] =	vst v63  }
0xc9: {  	v6 =	vld [tilespmem:$0x860];
	_ =	sdelay $0x4  }
0xca: {  	v7 =	vshrl.u32 v6, $0x3  }
0xcb: {  	v7 =	vmul.u32 $0x30, v7  }
0xcc: {  	v6 =	vand.u32 $0x7, v6  }
0xcd: {  	v6 =	vor.u32 v6, v7  }
0xce: {  	v7 =	vperm.xlane v6, v1;
	_ =	sdelay $0x1  }
0xcf: {  	v7 =	vadd.s32 v4, v7;
	_ =	sdelay $0x3  }
0xd0: {  	s26 =	simm.s32 $0x12C00;
	v6 =	vperm.xlane v6, v5  }
0xd1: {  	[tilespmem:s26], [sflag:$0x4] =	stream.indirect_vreg.gather [hbm4b:s0+s3], $0x80, v7, vm0, $0xb8;
	[tilespmem:$0x1EC00] =	vst v63  }
0xd2: {  	s28 =	simm.s32 $0x13400;
	v6 =	vadd.s32 v4, v6  }
0xd3: {  	[tilespmem:s28], [sflag:$0x4] =	stream.indirect_vreg.gather [hbm4b:s10+s3], $0x80, v7, vm0, $0xb8;
	[tilespmem:$0x1EC00] =	vst v63  }
0xd4: {  	s29 =	simm.s32 $0x13C00  }
0xd5: {  	[tilespmem:s29], [sflag:$0x4] =	stream.indirect_vreg.gather [hbm4b:s11+s3], $0x80, v7, vm0, $0xb8;
	[tilespmem:$0x1EC00] =	vst v63  }
0xd6: {  	s31 =	simm.s32 $0x14400  }
0xd7: {  	[tilespmem:s31], [sflag:$0x4] =	stream.indirect_vreg.gather [hbm4b:s0+s3], $0x80, v6, vm0, $0xb8;
	[tilespmem:$0x1EC00] =	vst v63  }
0xd8: {  	s2 =	simm.s32 $0x14C00  }
0xd9: {  	[tilespmem:s2], [sflag:$0x4] =	stream.indirect_vreg.gather [hbm4b:s10+s3], $0x80, v6, vm0, $0xb8;
	[tilespmem:$0x1EC00] =	vst v63  }
0xda: {  	s9 =	simm.s32 $0x15400  }
0xdb: {  	[tilespmem:s9], [sflag:$0x4] =	stream.indirect_vreg.gather [hbm4b:s11+s3], $0x80, v6, vm0, $0xb8;
	[tilespmem:$0x1EC00] =	vst v63  }
0xdc: {  	v6 =	vld [tilespmem:$0x870];
	_ =	sdelay $0x4  }
0xdd: {  	v7 =	vshrl.u32 v6, $0x3  }
0xde: {  	v7 =	vmul.u32 $0x30, v7  }
0xdf: {  	v6 =	vand.u32 $0x7, v6  }
0xe0: {  	v6 =	vor.u32 v6, v7  }
0xe1: {  	v7 =	vperm.xlane v6, v1;
	_ =	sdelay $0x1  }
0xe2: {  	v7 =	vadd.s32 v4, v7;
	_ =	sdelay $0x3  }
0xe3: {  	s20 =	simm.s32 $0x15C00;
	v6 =	vperm.xlane v6, v5  }
0xe4: {  	[tilespmem:s20], [sflag:$0x4] =	stream.indirect_vreg.gather [hbm4b:s0+s3], $0x80, v7, vm0, $0xb8;
	[tilespmem:$0x1EC00] =	vst v63  }
0xe5: {  	s25 =	simm.s32 $0x16400;
	v6 =	vadd.s32 v4, v6  }
0xe6: {  	[tilespmem:s25], [sflag:$0x4] =	stream.indirect_vreg.gather [hbm4b:s10+s3], $0x80, v7, vm0, $0xb8;
	[tilespmem:$0x1EC00] =	vst v63  }
0xe7: {  	s26 =	simm.s32 $0x16C00  }
0xe8: {  	[tilespmem:s26], [sflag:$0x4] =	stream.indirect_vreg.gather [hbm4b:s11+s3], $0x80, v7, vm0, $0xb8;
	[tilespmem:$0x1EC00] =	vst v63  }
0xe9: {  	s28 =	simm.s32 $0x17400  }
0xea: {  	[tilespmem:s28], [sflag:$0x4] =	stream.indirect_vreg.gather [hbm4b:s0+s3], $0x80, v6, vm0, $0xb8;
	[tilespmem:$0x1EC00] =	vst v63  }
0xeb: {  	s29 =	simm.s32 $0x17C00  }
0xec: {  	[tilespmem:s29], [sflag:$0x4] =	stream.indirect_vreg.gather [hbm4b:s10+s3], $0x80, v6, vm0, $0xb8;
	[tilespmem:$0x1EC00] =	vst v63  }
0xed: {  	s31 =	simm.s32 $0x18400  }
0xee: {  	[tilespmem:s31], [sflag:$0x4] =	stream.indirect_vreg.gather [hbm4b:s11+s3], $0x80, v6, vm0, $0xb8;
	[tilespmem:$0x1EC00] =	vst v63  }
0xef: {  	v6 =	vld [tilespmem:$0x880];
	_ =	sdelay $0x4  }
0xf0: {  	v7 =	vshrl.u32 v6, $0x3  }
0xf1: {  	v7 =	vmul.u32 $0x30, v7  }
0xf2: {  	v6 =	vand.u32 $0x7, v6  }
0xf3: {  	v6 =	vor.u32 v6, v7  }
0xf4: {  	v7 =	vperm.xlane v6, v1;
	_ =	sdelay $0x1  }
0xf5: {  	v7 =	vadd.s32 v4, v7;
	_ =	sdelay $0x3  }
0xf6: {  	s2 =	simm.s32 $0x18C00;
	v6 =	vperm.xlane v6, v5  }
0xf7: {  	[tilespmem:s2], [sflag:$0x5] =	stream.indirect_vreg.gather [hbm4b:s0+s3], $0x80, v7, vm0, $0xb8;
	[tilespmem:$0x1EC00] =	vst v63  }
0xf8: {  	s9 =	simm.s32 $0x19400;
	v6 =	vadd.s32 v4, v6  }
0xf9: {  	[tilespmem:s9], [sflag:$0x5] =	stream.indirect_vreg.gather [hbm4b:s10+s3], $0x80, v7, vm0, $0xb8;
	[tilespmem:$0x1EC00] =	vst v63  }
0xfa: {  	s26 =	simm.s32 $0x19C00  }
0xfb: {  	[tilespmem:s26], [sflag:$0x5] =	stream.indirect_vreg.gather [hbm4b:s11+s3], $0x80, v7, vm0, $0xb8;
	[tilespmem:$0x1EC00] =	vst v63  }
0xfc: {  	s28 =	simm.s32 $0x1A400  }
0xfd: {  	[tilespmem:s28], [sflag:$0x5] =	stream.indirect_vreg.gather [hbm4b:s0+s3], $0x80, v6, vm0, $0xb8;
	[tilespmem:$0x1EC00] =	vst v63  }
0xfe: {  	s29 =	simm.s32 $0x1AC00  }
0xff: {  	[tilespmem:s29], [sflag:$0x5] =	stream.indirect_vreg.gather [hbm4b:s10+s3], $0x80, v6, vm0, $0xb8;
	[tilespmem:$0x1EC00] =	vst v63  }
0x100: {  	s31 =	simm.s32 $0x1B400  }
0x101: {  	[tilespmem:s31], [sflag:$0x5] =	stream.indirect_vreg.gather [hbm4b:s11+s3], $0x80, v6, vm0, $0xb8;
	[tilespmem:$0x1EC00] =	vst v63  }
0x102: {  	v6 =	vld [tilespmem:$0x890];
	_ =	sdelay $0x4  }
0x103: {  	v7 =	vshrl.u32 v6, $0x3  }
0x104: {  	v7 =	vmul.u32 $0x30, v7  }
0x105: {  	v6 =	vand.u32 $0x7, v6  }
0x106: {  	v6 =	vor.u32 v6, v7  }
0x107: {  	v7 =	vperm.xlane v6, v1;
	_ =	sdelay $0x1  }
0x108: {  	v7 =	vadd.s32 v4, v7;
	_ =	sdelay $0x3  }
0x109: {  	s2 =	simm.s32 $0x1BC00;
	v6 =	vperm.xlane v6, v5  }
0x10a: {  	[tilespmem:s2], [sflag:$0x5] =	stream.indirect_vreg.gather [hbm4b:s0+s3], $0x80, v7, vm0, $0xb8;
	[tilespmem:$0x1EC00] =	vst v63  }
0x10b: {  	s9 =	simm.s32 $0x1C400;
	v6 =	vadd.s32 v4, v6  }
0x10c: {  	[tilespmem:s9], [sflag:$0x5] =	stream.indirect_vreg.gather [hbm4b:s10+s3], $0x80, v7, vm0, $0xb8;
	[tilespmem:$0x1EC00] =	vst v63  }
0x10d: {  	s28 =	simm.s32 $0x1CC00  }
0x10e: {  	[tilespmem:s28], [sflag:$0x5] =	stream.indirect_vreg.gather [hbm4b:s11+s3], $0x80, v7, vm0, $0xb8;
	[tilespmem:$0x1EC00] =	vst v63  }
0x10f: {  	s29 =	simm.s32 $0x1D400  }
0x110: {  	[tilespmem:s29], [sflag:$0x5] =	stream.indirect_vreg.gather [hbm4b:s0+s3], $0x80, v6, vm0, $0xb8;
	[tilespmem:$0x1EC00] =	vst v63  }
0x111: {  	s31 =	simm.s32 $0x1DC00  }
0x112: {  	[tilespmem:s31], [sflag:$0x5] =	stream.indirect_vreg.gather [hbm4b:s10+s3], $0x80, v6, vm0, $0xb8;
	[tilespmem:$0x1EC00] =	vst v63  }
0x113: {  	s2 =	simm.s32 $0x1E400  }
0x114: {  	[tilespmem:s2], [sflag:$0x5] =	stream.indirect_vreg.gather [hbm4b:s11+s3], $0x80, v6, vm0, $0xb8;
	[tilespmem:$0x1EC00] =	vst v63  }
0x115: {  	_ =	swait.ge [sflag:s16], $0x6000  }
0x116: {  	[sflag:s16] =	ssyncset.done $0x0  }
0x117: {  	s28 =	simm.s32 $0xC00;
	s9 =	rddreg [dreg:$0x7];
	[sflag:s16] =	ssyncadd.s32 $0xFFFFA000  }
0x118: {  	[hbm4b:s9+s3] =	stream.linear.scatter [tilespmem:s28], [sflag:$0x6], $0x6000, $0x38;
	[tilespmem:$0x1EC00] =	vst v63  }
0x119: {  	_ =	swait.ge [sflag:s17], $0x6000  }
0x11a: {  	[sflag:s17] =	ssyncset.done $0x0  }
0x11b: {  	[sflag:s17] =	ssyncadd.s32 $0xFFFFA000  }
0x11c: {  	v6 =	vld [tilespmem:$0x8A0];
	_ =	sdelay $0x4  }
0x11d: {  	v7 =	vshrl.u32 v6, $0x3  }
0x11e: {  	v7 =	vmul.u32 $0x30, v7  }
0x11f: {  	v6 =	vand.u32 $0x7, v6  }
0x120: {  	v6 =	vor.u32 v6, v7  }
0x121: {  	v7 =	vperm.xlane v6, v1;
	_ =	sdelay $0x1  }
0x122: {  	v7 =	vadd.s32 v4, v7;
	_ =	sdelay $0x3  }
0x123: {  	v6 =	vperm.xlane v6, v5  }
0x124: {  	[tilespmem:s28], [sflag:$0x1] =	stream.indirect_vreg.gather [hbm4b:s0+s3], $0x80, v7, vm0, $0xb8;
	[tilespmem:$0x1EC00] =	vst v63  }
0x125: {  	v6 =	vadd.s32 v4, v6;
	s28 =	simm.s32 $0x1400  }
0x126: {  	[tilespmem:s28], [sflag:$0x1] =	stream.indirect_vreg.gather [hbm4b:s10+s3], $0x80, v7, vm0, $0xb8;
	[tilespmem:$0x1EC00] =	vst v63  }
0x127: {  	s9 =	simm.s32 $0x1C00  }
0x128: {  	[tilespmem:s9], [sflag:$0x1] =	stream.indirect_vreg.gather [hbm4b:s11+s3], $0x80, v7, vm0, $0xb8;
	[tilespmem:$0x1EC00] =	vst v63  }
0x129: {  	s31 =	simm.s32 $0x2400  }
0x12a: {  	[tilespmem:s31], [sflag:$0x1] =	stream.indirect_vreg.gather [hbm4b:s0+s3], $0x80, v6, vm0, $0xb8;
	[tilespmem:$0x1EC00] =	vst v63  }
0x12b: {  	s2 =	simm.s32 $0x2C00  }
0x12c: {  	[tilespmem:s2], [sflag:$0x1] =	stream.indirect_vreg.gather [hbm4b:s10+s3], $0x80, v6, vm0, $0xb8;
	[tilespmem:$0x1EC00] =	vst v63  }
0x12d: {  	s4 =	simm.s32 $0x3400  }
0x12e: {  	[tilespmem:s4], [sflag:$0x1] =	stream.indirect_vreg.gather [hbm4b:s11+s3], $0x80, v6, vm0, $0xb8;
	[tilespmem:$0x1EC00] =	vst v63  }
0x12f: {  	v6 =	vld [tilespmem:$0x8B0];
	_ =	sdelay $0x4  }
0x130: {  	v7 =	vshrl.u32 v6, $0x3  }
0x131: {  	v7 =	vmul.u32 $0x30, v7  }
0x132: {  	v6 =	vand.u32 $0x7, v6  }
0x133: {  	v6 =	vor.u32 v6, v7  }
0x134: {  	v7 =	vperm.xlane v6, v1;
	_ =	sdelay $0x1  }
0x135: {  	v7 =	vadd.s32 v4, v7;
	_ =	sdelay $0x3  }
0x136: {  	s8 =	simm.s32 $0x3C00;
	v6 =	vperm.xlane v6, v5  }
0x137: {  	[tilespmem:s8], [sflag:$0x1] =	stream.indirect_vreg.gather [hbm4b:s0+s3], $0x80, v7, vm0, $0xb8;
	[tilespmem:$0x1EC00] =	vst v63  }
0x138: {  	s29 =	simm.s32 $0x4400;
	v6 =	vadd.s32 v4, v6  }
0x139: {  	[tilespmem:s29], [sflag:$0x1] =	stream.indirect_vreg.gather [hbm4b:s10+s3], $0x80, v7, vm0, $0xb8;
	[tilespmem:$0x1EC00] =	vst v63  }
0x13a: {  	s31 =	simm.s32 $0x4C00  }
0x13b: {  	[tilespmem:s31], [sflag:$0x1] =	stream.indirect_vreg.gather [hbm4b:s11+s3], $0x80, v7, vm0, $0xb8;
	[tilespmem:$0x1EC00] =	vst v63  }
0x13c: {  	s2 =	simm.s32 $0x5400  }
0x13d: {  	[tilespmem:s2], [sflag:$0x1] =	stream.indirect_vreg.gather [hbm4b:s0+s3], $0x80, v6, vm0, $0xb8;
	[tilespmem:$0x1EC00] =	vst v63  }
0x13e: {  	s31 =	simm.s32 $0x5C00  }
0x13f: {  	[tilespmem:s31], [sflag:$0x1] =	stream.indirect_vreg.gather [hbm4b:s10+s3], $0x80, v6, vm0, $0xb8;
	[tilespmem:$0x1EC00] =	vst v63  }
0x140: {  	s2 =	simm.s32 $0x6400  }
0x141: {  	[tilespmem:s2], [sflag:$0x1] =	stream.indirect_vreg.gather [hbm4b:s11+s3], $0x80, v6, vm0, $0xb8;
	[tilespmem:$0x1EC00] =	vst v63  }
0x142: {  	_ =	swait.ge [sflag:s18], $0x6000  }
0x143: {  	[sflag:s18] =	ssyncset.done $0x0  }
0x144: {  	s8 =	simm.s32 $0x6C00;
	s4 =	rddreg [dreg:$0x8];
	[sflag:s18] =	ssyncadd.s32 $0xFFFFA000  }
0x145: {  	[hbm4b:s4+s3] =	stream.linear.scatter [tilespmem:s8], [sflag:$0x7], $0x6000, $0x38;
	[tilespmem:$0x1EC00] =	vst v63  }
0x146: {  	_ =	swait.ge [sflag:s19], $0x6000  }
0x147: {  	[sflag:s19] =	ssyncset.done $0x0  }
0x148: {  	[sflag:s19] =	ssyncadd.s32 $0xFFFFA000  }
0x149: {  	v6 =	vld [tilespmem:$0x8C0];
	_ =	sdelay $0x4  }
0x14a: {  	v7 =	vshrl.u32 v6, $0x3  }
0x14b: {  	v7 =	vmul.u32 $0x30, v7  }
0x14c: {  	v6 =	vand.u32 $0x7, v6  }
0x14d: {  	v6 =	vor.u32 v6, v7  }
0x14e: {  	v7 =	vperm.xlane v6, v1;
	_ =	sdelay $0x1  }
0x14f: {  	v7 =	vadd.s32 v4, v7;
	_ =	sdelay $0x3  }
0x150: {  	v6 =	vperm.xlane v6, v5  }
0x151: {  	[tilespmem:s8], [sflag:$0x2] =	stream.indirect_vreg.gather [hbm4b:s0+s3], $0x80, v7, vm0, $0xb8;
	[tilespmem:$0x1EC00] =	vst v63  }
0x152: {  	s4 =	simm.s32 $0x7400;
	v6 =	vadd.s32 v4, v6  }
0x153: {  	[tilespmem:s4], [sflag:$0x2] =	stream.indirect_vreg.gather [hbm4b:s10+s3], $0x80, v7, vm0, $0xb8;
	[tilespmem:$0x1EC00] =	vst v63  }
0x154: {  	s6 =	simm.s32 $0x7C00  }
0x155: {  	[tilespmem:s6], [sflag:$0x2] =	stream.indirect_vreg.gather [hbm4b:s11+s3], $0x80, v7, vm0, $0xb8;
	[tilespmem:$0x1EC00] =	vst v63  }
0x156: {  	s21 =	simm.s32 $0x8400  }
0x157: {  	[tilespmem:s21], [sflag:$0x2] =	stream.indirect_vreg.gather [hbm4b:s0+s3], $0x80, v6, vm0, $0xb8;
	[tilespmem:$0x1EC00] =	vst v63  }
0x158: {  	s22 =	simm.s32 $0x8C00  }
0x159: {  	[tilespmem:s22], [sflag:$0x2] =	stream.indirect_vreg.gather [hbm4b:s10+s3], $0x80, v6, vm0, $0xb8;
	[tilespmem:$0x1EC00] =	vst v63  }
0x15a: {  	s30 =	simm.s32 $0x9400  }
0x15b: {  	[tilespmem:s30], [sflag:$0x2] =	stream.indirect_vreg.gather [hbm4b:s11+s3], $0x80, v6, vm0, $0xb8;
	[tilespmem:$0x1EC00] =	vst v63  }
0x15c: {  	v6 =	vld [tilespmem:$0x8D0];
	_ =	sdelay $0x4  }
0x15d: {  	v7 =	vshrl.u32 v6, $0x3  }
0x15e: {  	v7 =	vmul.u32 $0x30, v7  }
0x15f: {  	v6 =	vand.u32 $0x7, v6  }
0x160: {  	v6 =	vor.u32 v6, v7  }
0x161: {  	v7 =	vperm.xlane v6, v1;
	_ =	sdelay $0x1  }
0x162: {  	v7 =	vadd.s32 v4, v7;
	_ =	sdelay $0x3  }
0x163: {  	s30 =	simm.s32 $0x9C00;
	v6 =	vperm.xlane v6, v5  }
0x164: {  	[tilespmem:s30], [sflag:$0x2] =	stream.indirect_vreg.gather [hbm4b:s0+s3], $0x80, v7, vm0, $0xb8;
	[tilespmem:$0x1EC00] =	vst v63  }
0x165: {  	s8 =	simm.s32 $0xA400;
	v6 =	vadd.s32 v4, v6  }
0x166: {  	[tilespmem:s8], [sflag:$0x2] =	stream.indirect_vreg.gather [hbm4b:s10+s3], $0x80, v7, vm0, $0xb8;
	[tilespmem:$0x1EC00] =	vst v63  }
0x167: {  	s21 =	simm.s32 $0xAC00  }
0x168: {  	[tilespmem:s21], [sflag:$0x2] =	stream.indirect_vreg.gather [hbm4b:s11+s3], $0x80, v7, vm0, $0xb8;
	[tilespmem:$0x1EC00] =	vst v63  }
0x169: {  	s22 =	simm.s32 $0xB400  }
0x16a: {  	[tilespmem:s22], [sflag:$0x2] =	stream.indirect_vreg.gather [hbm4b:s0+s3], $0x80, v6, vm0, $0xb8;
	[tilespmem:$0x1EC00] =	vst v63  }
0x16b: {  	s29 =	simm.s32 $0xBC00  }
0x16c: {  	[tilespmem:s29], [sflag:$0x2] =	stream.indirect_vreg.gather [hbm4b:s10+s3], $0x80, v6, vm0, $0xb8;
	[tilespmem:$0x1EC00] =	vst v63  }
0x16d: {  	s4 =	simm.s32 $0xC400;
	s21 =	simm.s32 $0x3  }
0x16e: {  	[tilespmem:s4], [sflag:$0x2] =	stream.indirect_vreg.gather [hbm4b:s11+s3], $0x80, v6, vm0, $0xb8;
	[tilespmem:$0x1EC00] =	vst v63  }
0x16f: {  	_ =	swait.ge [sflag:s21], $0x6000  }
0x170: {  	s8 =	simm.s32 $0xCC00;
	[sflag:s21] =	ssyncset.done $0x0  }
0x171: {  	s22 =	simm.s32 $0x8;
	s6 =	rddreg [dreg:$0x9];
	[sflag:s21] =	ssyncadd.s32 $0xFFFFA000  }
0x172: {  	[hbm4b:s6+s3] =	stream.linear.scatter [tilespmem:s8], [sflag:$0x8], $0x6000, $0x38;
	[tilespmem:$0x1EC00] =	vst v63  }
0x173: {  	_ =	swait.ge [sflag:s22], $0x6000  }
0x174: {  	[sflag:s22] =	ssyncset.done $0x0  }
0x175: {  	[sflag:s22] =	ssyncadd.s32 $0xFFFFA000  }
0x176: {  	v6 =	vld [tilespmem:$0x8E0];
	_ =	sdelay $0x4  }
0x177: {  	v7 =	vshrl.u32 v6, $0x3  }
0x178: {  	v7 =	vmul.u32 $0x30, v7  }
0x179: {  	v6 =	vand.u32 $0x7, v6  }
0x17a: {  	v6 =	vor.u32 v6, v7  }
0x17b: {  	v7 =	vperm.xlane v6, v1;
	_ =	sdelay $0x1  }
0x17c: {  	v7 =	vadd.s32 v4, v7;
	_ =	sdelay $0x3  }
0x17d: {  	v6 =	vperm.xlane v6, v5  }
0x17e: {  	[tilespmem:s8], [sflag:$0x3] =	stream.indirect_vreg.gather [hbm4b:s0+s3], $0x80, v7, vm0, $0xb8;
	[tilespmem:$0x1EC00] =	vst v63  }
0x17f: {  	s7 =	simm.s32 $0xD400;
	v6 =	vadd.s32 v4, v6  }
0x180: {  	[tilespmem:s7], [sflag:$0x3] =	stream.indirect_vreg.gather [hbm4b:s10+s3], $0x80, v7, vm0, $0xb8;
	[tilespmem:$0x1EC00] =	vst v63  }
0x181: {  	s23 =	simm.s32 $0xDC00  }
0x182: {  	[tilespmem:s23], [sflag:$0x3] =	stream.indirect_vreg.gather [hbm4b:s11+s3], $0x80, v7, vm0, $0xb8;
	[tilespmem:$0x1EC00] =	vst v63  }
0x183: {  	s24 =	simm.s32 $0xE400  }
0x184: {  	[tilespmem:s24], [sflag:$0x3] =	stream.indirect_vreg.gather [hbm4b:s0+s3], $0x80, v6, vm0, $0xb8;
	[tilespmem:$0x1EC00] =	vst v63  }
0x185: {  	s7 =	simm.s32 $0xEC00  }
0x186: {  	[tilespmem:s7], [sflag:$0x3] =	stream.indirect_vreg.gather [hbm4b:s10+s3], $0x80, v6, vm0, $0xb8;
	[tilespmem:$0x1EC00] =	vst v63  }
0x187: {  	s24 =	simm.s32 $0xF400  }
0x188: {  	[tilespmem:s24], [sflag:$0x3] =	stream.indirect_vreg.gather [hbm4b:s11+s3], $0x80, v6, vm0, $0xb8;
	[tilespmem:$0x1EC00] =	vst v63  }
0x189: {  	v6 =	vld [tilespmem:$0x8F0];
	_ =	sdelay $0x4  }
0x18a: {  	v7 =	vshrl.u32 v6, $0x3  }
0x18b: {  	v7 =	vmul.u32 $0x30, v7  }
0x18c: {  	v6 =	vand.u32 $0x7, v6  }
0x18d: {  	v6 =	vor.u32 v6, v7  }
0x18e: {  	v7 =	vperm.xlane v6, v1;
	_ =	sdelay $0x1  }
0x18f: {  	v7 =	vadd.s32 v4, v7;
	_ =	sdelay $0x3  }
0x190: {  	s29 =	simm.s32 $0xFC00;
	v6 =	vperm.xlane v6, v5  }
0x191: {  	[tilespmem:s29], [sflag:$0x3] =	stream.indirect_vreg.gather [hbm4b:s0+s3], $0x80, v7, vm0, $0xb8;
	[tilespmem:$0x1EC00] =	vst v63  }
0x192: {  	s4 =	simm.s32 $0x10400;
	v6 =	vadd.s32 v4, v6  }
0x193: {  	[tilespmem:s4], [sflag:$0x3] =	stream.indirect_vreg.gather [hbm4b:s10+s3], $0x80, v7, vm0, $0xb8;
	[tilespmem:$0x1EC00] =	vst v63  }
0x194: {  	s8 =	simm.s32 $0x10C00  }
0x195: {  	[tilespmem:s8], [sflag:$0x3] =	stream.indirect_vreg.gather [hbm4b:s11+s3], $0x80, v7, vm0, $0xb8;
	[tilespmem:$0x1EC00] =	vst v63  }
0x196: {  	s23 =	simm.s32 $0x11400  }
0x197: {  	[tilespmem:s23], [sflag:$0x3] =	stream.indirect_vreg.gather [hbm4b:s0+s3], $0x80, v6, vm0, $0xb8;
	[tilespmem:$0x1EC00] =	vst v63  }
0x198: {  	s24 =	simm.s32 $0x11C00  }
0x199: {  	[tilespmem:s24], [sflag:$0x3] =	stream.indirect_vreg.gather [hbm4b:s10+s3], $0x80, v6, vm0, $0xb8;
	[tilespmem:$0x1EC00] =	vst v63  }
0x19a: {  	s29 =	simm.s32 $0x12400;
	s23 =	simm.s32 $0x4  }
0x19b: {  	[tilespmem:s29], [sflag:$0x3] =	stream.indirect_vreg.gather [hbm4b:s11+s3], $0x80, v6, vm0, $0xb8;
	[tilespmem:$0x1EC00] =	vst v63  }
0x19c: {  	_ =	swait.ge [sflag:s23], $0x6000  }
0x19d: {  	s8 =	simm.s32 $0x12C00;
	[sflag:s23] =	ssyncset.done $0x0  }
0x19e: {  	s24 =	simm.s32 $0x9;
	s4 =	rddreg [dreg:$0xa];
	[sflag:s23] =	ssyncadd.s32 $0xFFFFA000  }
0x19f: {  	[hbm4b:s4+s3] =	stream.linear.scatter [tilespmem:s8], [sflag:$0x9], $0x6000, $0x38;
	[tilespmem:$0x1EC00] =	vst v63  }
0x1a0: {  	_ =	swait.ge [sflag:s24], $0x6000  }
0x1a1: {  	[sflag:s24] =	ssyncset.done $0x0  }
0x1a2: {  	[sflag:s24] =	ssyncadd.s32 $0xFFFFA000  }
0x1a3: {  	v6 =	vld [tilespmem:$0x900];
	_ =	sdelay $0x4  }
0x1a4: {  	v7 =	vshrl.u32 v6, $0x3  }
0x1a5: {  	v7 =	vmul.u32 $0x30, v7  }
0x1a6: {  	v6 =	vand.u32 $0x7, v6  }
0x1a7: {  	v6 =	vor.u32 v6, v7  }
0x1a8: {  	v7 =	vperm.xlane v6, v1;
	_ =	sdelay $0x1  }
0x1a9: {  	v7 =	vadd.s32 v4, v7;
	_ =	sdelay $0x3  }
0x1aa: {  	v6 =	vperm.xlane v6, v5  }
0x1ab: {  	[tilespmem:s8], [sflag:$0x4] =	stream.indirect_vreg.gather [hbm4b:s0+s3], $0x80, v7, vm0, $0xb8;
	[tilespmem:$0x1EC00] =	vst v63  }
0x1ac: {  	s5 =	simm.s32 $0x13400;
	v6 =	vadd.s32 v4, v6  }
0x1ad: {  	[tilespmem:s5], [sflag:$0x4] =	stream.indirect_vreg.gather [hbm4b:s10+s3], $0x80, v7, vm0, $0xb8;
	[tilespmem:$0x1EC00] =	vst v63  }
0x1ae: {  	s12 =	simm.s32 $0x13C00  }
0x1af: {  	[tilespmem:s12], [sflag:$0x4] =	stream.indirect_vreg.gather [hbm4b:s11+s3], $0x80, v7, vm0, $0xb8;
	[tilespmem:$0x1EC00] =	vst v63  }
0x1b0: {  	s14 =	simm.s32 $0x14400  }
0x1b1: {  	[tilespmem:s14], [sflag:$0x4] =	stream.indirect_vreg.gather [hbm4b:s0+s3], $0x80, v6, vm0, $0xb8;
	[tilespmem:$0x1EC00] =	vst v63  }
0x1b2: {  	s15 =	simm.s32 $0x14C00  }
0x1b3: {  	[tilespmem:s15], [sflag:$0x4] =	stream.indirect_vreg.gather [hbm4b:s10+s3], $0x80, v6, vm0, $0xb8;
	[tilespmem:$0x1EC00] =	vst v63  }
0x1b4: {  	s14 =	simm.s32 $0x15400  }
0x1b5: {  	[tilespmem:s14], [sflag:$0x4] =	stream.indirect_vreg.gather [hbm4b:s11+s3], $0x80, v6, vm0, $0xb8;
	[tilespmem:$0x1EC00] =	vst v63  }
0x1b6: {  	v6 =	vld [tilespmem:$0x910];
	_ =	sdelay $0x4  }
0x1b7: {  	v7 =	vshrl.u32 v6, $0x3  }
0x1b8: {  	v7 =	vmul.u32 $0x30, v7  }
0x1b9: {  	v6 =	vand.u32 $0x7, v6  }
0x1ba: {  	v6 =	vor.u32 v6, v7  }
0x1bb: {  	v7 =	vperm.xlane v6, v1;
	_ =	sdelay $0x1  }
0x1bc: {  	v7 =	vadd.s32 v4, v7;
	_ =	sdelay $0x3  }
0x1bd: {  	s15 =	simm.s32 $0x15C00;
	v6 =	vperm.xlane v6, v5  }
0x1be: {  	[tilespmem:s15], [sflag:$0x4] =	stream.indirect_vreg.gather [hbm4b:s0+s3], $0x80, v7, vm0, $0xb8;
	[tilespmem:$0x1EC00] =	vst v63  }
0x1bf: {  	s20 =	simm.s32 $0x16400;
	v6 =	vadd.s32 v4, v6  }
0x1c0: {  	[tilespmem:s20], [sflag:$0x4] =	stream.indirect_vreg.gather [hbm4b:s10+s3], $0x80, v7, vm0, $0xb8;
	[tilespmem:$0x1EC00] =	vst v63  }
0x1c1: {  	s25 =	simm.s32 $0x16C00  }
0x1c2: {  	[tilespmem:s25], [sflag:$0x4] =	stream.indirect_vreg.gather [hbm4b:s11+s3], $0x80, v7, vm0, $0xb8;
	[tilespmem:$0x1EC00] =	vst v63  }
0x1c3: {  	s8 =	simm.s32 $0x17400  }
0x1c4: {  	[tilespmem:s8], [sflag:$0x4] =	stream.indirect_vreg.gather [hbm4b:s0+s3], $0x80, v6, vm0, $0xb8;
	[tilespmem:$0x1EC00] =	vst v63  }
0x1c5: {  	s29 =	simm.s32 $0x17C00  }
0x1c6: {  	[tilespmem:s29], [sflag:$0x4] =	stream.indirect_vreg.gather [hbm4b:s10+s3], $0x80, v6, vm0, $0xb8;
	[tilespmem:$0x1EC00] =	vst v63  }
0x1c7: {  	s4 =	simm.s32 $0x18400;
	s25 =	simm.s32 $0x5  }
0x1c8: {  	[tilespmem:s4], [sflag:$0x4] =	stream.indirect_vreg.gather [hbm4b:s11+s3], $0x80, v6, vm0, $0xb8;
	[tilespmem:$0x1EC00] =	vst v63  }
0x1c9: {  	_ =	swait.ge [sflag:s25], $0x6000  }
0x1ca: {  	[sflag:s25] =	ssyncset.done $0x0  }
0x1cb: {  	s12 =	simm.s32 $0x18C00;
	s5 =	rddreg [dreg:$0xb];
	[sflag:s25] =	ssyncadd.s32 $0xFFFFA000  }
0x1cc: {  	[hbm4b:s5+s3] =	stream.linear.scatter [tilespmem:s12], [sflag:$0xA], $0x6000, $0x38;
	[tilespmem:$0x1EC00] =	vst v63  }
0x1cd: {  	s5 =	simm.s32 $0xA  }
0x1ce: {  	_ =	swait.ge [sflag:s5], $0x6000  }
0x1cf: {  	[sflag:s5] =	ssyncset.done $0x0  }
0x1d0: {  	[sflag:s5] =	ssyncadd.s32 $0xFFFFA000  }
0x1d1: {  	v6 =	vld [tilespmem:$0x920];
	_ =	sdelay $0x4  }
0x1d2: {  	v7 =	vshrl.u32 v6, $0x3  }
0x1d3: {  	v7 =	vmul.u32 $0x30, v7  }
0x1d4: {  	v6 =	vand.u32 $0x7, v6  }
0x1d5: {  	v6 =	vor.u32 v6, v7  }
0x1d6: {  	v7 =	vperm.xlane v6, v1;
	_ =	sdelay $0x1  }
0x1d7: {  	v7 =	vadd.s32 v4, v7;
	_ =	sdelay $0x3  }
0x1d8: {  	v6 =	vperm.xlane v6, v5  }
0x1d9: {  	[tilespmem:s12], [sflag:$0x5] =	stream.indirect_vreg.gather [hbm4b:s0+s3], $0x80, v7, vm0, $0xb8;
	[tilespmem:$0x1EC00] =	vst v63  }
0x1da: {  	s15 =	simm.s32 $0x19400;
	v6 =	vadd.s32 v4, v6  }
0x1db: {  	[tilespmem:s15], [sflag:$0x5] =	stream.indirect_vreg.gather [hbm4b:s10+s3], $0x80, v7, vm0, $0xb8;
	[tilespmem:$0x1EC00] =	vst v63  }
0x1dc: {  	s20 =	simm.s32 $0x19C00  }
0x1dd: {  	[tilespmem:s20], [sflag:$0x5] =	stream.indirect_vreg.gather [hbm4b:s11+s3], $0x80, v7, vm0, $0xb8;
	[tilespmem:$0x1EC00] =	vst v63  }
0x1de: {  	s15 =	simm.s32 $0x1A400  }
0x1df: {  	[tilespmem:s15], [sflag:$0x5] =	stream.indirect_vreg.gather [hbm4b:s0+s3], $0x80, v6, vm0, $0xb8;
	[tilespmem:$0x1EC00] =	vst v63  }
0x1e0: {  	s20 =	simm.s32 $0x1AC00  }
0x1e1: {  	[tilespmem:s20], [sflag:$0x5] =	stream.indirect_vreg.gather [hbm4b:s10+s3], $0x80, v6, vm0, $0xb8;
	[tilespmem:$0x1EC00] =	vst v63  }
0x1e2: {  	s26 =	simm.s32 $0x1B400  }
0x1e3: {  	[tilespmem:s26], [sflag:$0x5] =	stream.indirect_vreg.gather [hbm4b:s11+s3], $0x80, v6, vm0, $0xb8;
	[tilespmem:$0x1EC00] =	vst v63  }
0x1e4: {  	v6 =	vld [tilespmem:$0x930];
	_ =	sdelay $0x4  }
0x1e5: {  	v7 =	vshrl.u32 v6, $0x3  }
0x1e6: {  	v7 =	vmul.u32 $0x30, v7  }
0x1e7: {  	v6 =	vand.u32 $0x7, v6  }
0x1e8: {  	v6 =	vor.u32 v6, v7  }
0x1e9: {  	v7 =	vperm.xlane v6, v1;
	_ =	sdelay $0x1  }
0x1ea: {  	v7 =	vadd.s32 v4, v7;
	_ =	sdelay $0x3  }
0x1eb: {  	s29 =	simm.s32 $0x1BC00;
	v6 =	vperm.xlane v6, v5  }
0x1ec: {  	[tilespmem:s29], [sflag:$0x5] =	stream.indirect_vreg.gather [hbm4b:s0+s3], $0x80, v7, vm0, $0xb8;
	[tilespmem:$0x1EC00] =	vst v63  }
0x1ed: {  	s26 =	simm.s32 $0x1C400;
	v6 =	vadd.s32 v4, v6  }
0x1ee: {  	[tilespmem:s26], [sflag:$0x5] =	stream.indirect_vreg.gather [hbm4b:s10+s3], $0x80, v7, vm0, $0xb8;
	[tilespmem:$0x1EC00] =	vst v63  }
0x1ef: {  	s12 =	simm.s32 $0x1CC00  }
0x1f0: {  	[tilespmem:s12], [sflag:$0x5] =	stream.indirect_vreg.gather [hbm4b:s11+s3], $0x80, v7, vm0, $0xb8;
	[tilespmem:$0x1EC00] =	vst v63  }
0x1f1: {  	s29 =	simm.s32 $0x1D400  }
0x1f2: {  	[tilespmem:s29], [sflag:$0x5] =	stream.indirect_vreg.gather [hbm4b:s0+s3], $0x80, v6, vm0, $0xb8;
	[tilespmem:$0x1EC00] =	vst v63  }
0x1f3: {  	s12 =	simm.s32 $0x1DC00  }
0x1f4: {  	[tilespmem:s12], [sflag:$0x5] =	stream.indirect_vreg.gather [hbm4b:s10+s3], $0x80, v6, vm0, $0xb8;
	[tilespmem:$0x1EC00] =	vst v63  }
0x1f5: {  	s29 =	simm.s32 $0x1E400  }
0x1f6: {  	[tilespmem:s29], [sflag:$0x5] =	stream.indirect_vreg.gather [hbm4b:s11+s3], $0x80, v6, vm0, $0xb8;
	[tilespmem:$0x1EC00] =	vst v63  }
0x1f7: {  	_ =	swait.ge [sflag:s16], $0x6000  }
0x1f8: {  	[sflag:s16] =	ssyncset.done $0x0  }
0x1f9: {  	s12 =	simm.s32 $0xC00;
	s1 =	rddreg [dreg:$0xc];
	[sflag:s16] =	ssyncadd.s32 $0xFFFFA000  }
0x1fa: {  	[hbm4b:s1+s3] =	stream.linear.scatter [tilespmem:s12], [sflag:$0x6], $0x6000, $0x38;
	[tilespmem:$0x1EC00] =	vst v63  }
0x1fb: {  	_ =	swait.ge [sflag:s17], $0x6000  }
0x1fc: {  	[sflag:s17] =	ssyncset.done $0x0  }
0x1fd: {  	[sflag:s17] =	ssyncadd.s32 $0xFFFFA000  }
0x1fe: {  	v6 =	vld [tilespmem:$0x940];
	_ =	sdelay $0x4  }
0x1ff: {  	v7 =	vshrl.u32 v6, $0x3  }
0x200: {  	v7 =	vmul.u32 $0x30, v7  }
0x201: {  	v6 =	vand.u32 $0x7, v6  }
0x202: {  	v6 =	vor.u32 v6, v7  }
0x203: {  	v7 =	vperm.xlane v6, v1;
	_ =	sdelay $0x1  }
0x204: {  	v7 =	vadd.s32 v4, v7;
	_ =	sdelay $0x3  }
0x205: {  	v6 =	vperm.xlane v6, v5  }
0x206: {  	[tilespmem:s12], [sflag:$0x1] =	stream.indirect_vreg.gather [hbm4b:s0+s3], $0x80, v7, vm0, $0xb8;
	[tilespmem:$0x1EC00] =	vst v63  }
0x207: {  	v6 =	vadd.s32 v4, v6  }
0x208: {  	[tilespmem:s28], [sflag:$0x1] =	stream.indirect_vreg.gather [hbm4b:s10+s3], $0x80, v7, vm0, $0xb8;
	[tilespmem:$0x1EC00] =	vst v63  }
0x209: {  	_ = 	snop  }
0x20a: {  	[tilespmem:s9], [sflag:$0x1] =	stream.indirect_vreg.gather [hbm4b:s11+s3], $0x80, v7, vm0, $0xb8;
	[tilespmem:$0x1EC00] =	vst v63  }
0x20b: {  	s29 =	simm.s32 $0x2400  }
0x20c: {  	[tilespmem:s29], [sflag:$0x1] =	stream.indirect_vreg.gather [hbm4b:s0+s3], $0x80, v6, vm0, $0xb8;
	[tilespmem:$0x1EC00] =	vst v63  }
0x20d: {  	s12 =	simm.s32 $0x2C00  }
0x20e: {  	[tilespmem:s12], [sflag:$0x1] =	stream.indirect_vreg.gather [hbm4b:s10+s3], $0x80, v6, vm0, $0xb8;
	[tilespmem:$0x1EC00] =	vst v63  }
0x20f: {  	s9 =	simm.s32 $0x3400  }
0x210: {  	[tilespmem:s9], [sflag:$0x1] =	stream.indirect_vreg.gather [hbm4b:s11+s3], $0x80, v6, vm0, $0xb8;
	[tilespmem:$0x1EC00] =	vst v63  }
0x211: {  	v6 =	vld [tilespmem:$0x950];
	_ =	sdelay $0x4  }
0x212: {  	v7 =	vshrl.u32 v6, $0x3  }
0x213: {  	v7 =	vmul.u32 $0x30, v7  }
0x214: {  	v6 =	vand.u32 $0x7, v6  }
0x215: {  	v6 =	vor.u32 v6, v7  }
0x216: {  	v7 =	vperm.xlane v6, v1;
	_ =	sdelay $0x1  }
0x217: {  	v7 =	vadd.s32 v4, v7;
	_ =	sdelay $0x3  }
0x218: {  	s28 =	simm.s32 $0x3C00;
	v6 =	vperm.xlane v6, v5  }
0x219: {  	[tilespmem:s28], [sflag:$0x1] =	stream.indirect_vreg.gather [hbm4b:s0+s3], $0x80, v7, vm0, $0xb8;
	[tilespmem:$0x1EC00] =	vst v63  }
0x21a: {  	s29 =	simm.s32 $0x4400;
	v6 =	vadd.s32 v4, v6  }
0x21b: {  	[tilespmem:s29], [sflag:$0x1] =	stream.indirect_vreg.gather [hbm4b:s10+s3], $0x80, v7, vm0, $0xb8;
	[tilespmem:$0x1EC00] =	vst v63  }
0x21c: {  	s28 =	simm.s32 $0x4C00  }
0x21d: {  	[tilespmem:s28], [sflag:$0x1] =	stream.indirect_vreg.gather [hbm4b:s11+s3], $0x80, v7, vm0, $0xb8;
	[tilespmem:$0x1EC00] =	vst v63  }
0x21e: {  	s29 =	simm.s32 $0x5400  }
0x21f: {  	[tilespmem:s29], [sflag:$0x1] =	stream.indirect_vreg.gather [hbm4b:s0+s3], $0x80, v6, vm0, $0xb8;
	[tilespmem:$0x1EC00] =	vst v63  }
0x220: {  	_ = 	snop  }
0x221: {  	[tilespmem:s31], [sflag:$0x1] =	stream.indirect_vreg.gather [hbm4b:s10+s3], $0x80, v6, vm0, $0xb8;
	[tilespmem:$0x1EC00] =	vst v63  }
0x222: {  	_ = 	snop  }
0x223: {  	[tilespmem:s2], [sflag:$0x1] =	stream.indirect_vreg.gather [hbm4b:s11+s3], $0x80, v6, vm0, $0xb8;
	[tilespmem:$0x1EC00] =	vst v63  }
0x224: {  	_ =	swait.ge [sflag:s18], $0x6000  }
0x225: {  	[sflag:s18] =	ssyncset.done $0x0  }
0x226: {  	s12 =	simm.s32 $0x6C00;
	s2 =	rddreg [dreg:$0xd];
	[sflag:s18] =	ssyncadd.s32 $0xFFFFA000  }
0x227: {  	[hbm4b:s2+s3] =	stream.linear.scatter [tilespmem:s12], [sflag:$0x7], $0x6000, $0x38;
	[tilespmem:$0x1EC00] =	vst v63  }
0x228: {  	_ =	swait.ge [sflag:s19], $0x6000  }
0x229: {  	[sflag:s19] =	ssyncset.done $0x0  }
0x22a: {  	[sflag:s19] =	ssyncadd.s32 $0xFFFFA000  }
0x22b: {  	v6 =	vld [tilespmem:$0x960];
	_ =	sdelay $0x4  }
0x22c: {  	v7 =	vshrl.u32 v6, $0x3  }
0x22d: {  	v7 =	vmul.u32 $0x30, v7  }
0x22e: {  	v6 =	vand.u32 $0x7, v6  }
0x22f: {  	v6 =	vor.u32 v6, v7  }
0x230: {  	v7 =	vperm.xlane v6, v1;
	_ =	sdelay $0x1  }
0x231: {  	v7 =	vadd.s32 v4, v7;
	_ =	sdelay $0x3  }
0x232: {  	v6 =	vperm.xlane v6, v5  }
0x233: {  	[tilespmem:s12], [sflag:$0x2] =	stream.indirect_vreg.gather [hbm4b:s0+s3], $0x80, v7, vm0, $0xb8;
	[tilespmem:$0x1EC00] =	vst v63  }
0x234: {  	s28 =	simm.s32 $0x7400;
	v6 =	vadd.s32 v4, v6  }
0x235: {  	[tilespmem:s28], [sflag:$0x2] =	stream.indirect_vreg.gather [hbm4b:s10+s3], $0x80, v7, vm0, $0xb8;
	[tilespmem:$0x1EC00] =	vst v63  }
0x236: {  	s12 =	simm.s32 $0x7C00  }
0x237: {  	[tilespmem:s12], [sflag:$0x2] =	stream.indirect_vreg.gather [hbm4b:s11+s3], $0x80, v7, vm0, $0xb8;
	[tilespmem:$0x1EC00] =	vst v63  }
0x238: {  	s29 =	simm.s32 $0x8400  }
0x239: {  	[tilespmem:s29], [sflag:$0x2] =	stream.indirect_vreg.gather [hbm4b:s0+s3], $0x80, v6, vm0, $0xb8;
	[tilespmem:$0x1EC00] =	vst v63  }
0x23a: {  	s28 =	simm.s32 $0x8C00  }
0x23b: {  	[tilespmem:s28], [sflag:$0x2] =	stream.indirect_vreg.gather [hbm4b:s10+s3], $0x80, v6, vm0, $0xb8;
	[tilespmem:$0x1EC00] =	vst v63  }
0x23c: {  	s31 =	simm.s32 $0x9400  }
0x23d: {  	[tilespmem:s31], [sflag:$0x2] =	stream.indirect_vreg.gather [hbm4b:s11+s3], $0x80, v6, vm0, $0xb8;
	[tilespmem:$0x1EC00] =	vst v63  }
0x23e: {  	v6 =	vld [tilespmem:$0x970];
	_ =	sdelay $0x4  }
0x23f: {  	v7 =	vshrl.u32 v6, $0x3  }
0x240: {  	v7 =	vmul.u32 $0x30, v7  }
0x241: {  	v6 =	vand.u32 $0x7, v6  }
0x242: {  	v6 =	vor.u32 v6, v7  }
0x243: {  	v7 =	vperm.xlane v6, v1;
	_ =	sdelay $0x1  }
0x244: {  	v7 =	vadd.s32 v4, v7;
	_ =	sdelay $0x3  }
0x245: {  	v6 =	vperm.xlane v6, v5  }
0x246: {  	[tilespmem:s30], [sflag:$0x2] =	stream.indirect_vreg.gather [hbm4b:s0+s3], $0x80, v7, vm0, $0xb8;
	[tilespmem:$0x1EC00] =	vst v63  }
0x247: {  	s31 =	simm.s32 $0xA400;
	v6 =	vadd.s32 v4, v6  }
0x248: {  	[tilespmem:s31], [sflag:$0x2] =	stream.indirect_vreg.gather [hbm4b:s10+s3], $0x80, v7, vm0, $0xb8;
	[tilespmem:$0x1EC00] =	vst v63  }
0x249: {  	s30 =	simm.s32 $0xAC00  }
0x24a: {  	[tilespmem:s30], [sflag:$0x2] =	stream.indirect_vreg.gather [hbm4b:s11+s3], $0x80, v7, vm0, $0xb8;
	[tilespmem:$0x1EC00] =	vst v63  }
0x24b: {  	s29 =	simm.s32 $0xB400  }
0x24c: {  	[tilespmem:s29], [sflag:$0x2] =	stream.indirect_vreg.gather [hbm4b:s0+s3], $0x80, v6, vm0, $0xb8;
	[tilespmem:$0x1EC00] =	vst v63  }
0x24d: {  	s29 =	simm.s32 $0xBC00  }
0x24e: {  	[tilespmem:s29], [sflag:$0x2] =	stream.indirect_vreg.gather [hbm4b:s10+s3], $0x80, v6, vm0, $0xb8;
	[tilespmem:$0x1EC00] =	vst v63  }
0x24f: {  	s29 =	simm.s32 $0xC400  }
0x250: {  	[tilespmem:s29], [sflag:$0x2] =	stream.indirect_vreg.gather [hbm4b:s11+s3], $0x80, v6, vm0, $0xb8;
	[tilespmem:$0x1EC00] =	vst v63  }
0x251: {  	_ =	swait.ge [sflag:s21], $0x6000  }
0x252: {  	[sflag:s21] =	ssyncset.done $0x0  }
0x253: {  	s6 =	simm.s32 $0xCC00;
	s29 =	rddreg [dreg:$0xe];
	[sflag:s21] =	ssyncadd.s32 $0xFFFFA000  }
0x254: {  	[hbm4b:s29+s3] =	stream.linear.scatter [tilespmem:s6], [sflag:$0x8], $0x6000, $0x38;
	[tilespmem:$0x1EC00] =	vst v63  }
0x255: {  	_ =	swait.ge [sflag:s22], $0x6000  }
0x256: {  	[sflag:s22] =	ssyncset.done $0x0  }
0x257: {  	[sflag:s22] =	ssyncadd.s32 $0xFFFFA000  }
0x258: {  	v6 =	vld [tilespmem:$0x980];
	_ =	sdelay $0x4  }
0x259: {  	v7 =	vshrl.u32 v6, $0x3  }
0x25a: {  	v7 =	vmul.u32 $0x30, v7  }
0x25b: {  	v6 =	vand.u32 $0x7, v6  }
0x25c: {  	v6 =	vor.u32 v6, v7  }
0x25d: {  	v7 =	vperm.xlane v6, v1;
	_ =	sdelay $0x1  }
0x25e: {  	v7 =	vadd.s32 v4, v7;
	_ =	sdelay $0x3  }
0x25f: {  	v6 =	vperm.xlane v6, v5  }
0x260: {  	[tilespmem:s6], [sflag:$0x3] =	stream.indirect_vreg.gather [hbm4b:s0+s3], $0x80, v7, vm0, $0xb8;
	[tilespmem:$0x1EC00] =	vst v63  }
0x261: {  	s29 =	simm.s32 $0xD400;
	v6 =	vadd.s32 v4, v6  }
0x262: {  	[tilespmem:s29], [sflag:$0x3] =	stream.indirect_vreg.gather [hbm4b:s10+s3], $0x80, v7, vm0, $0xb8;
	[tilespmem:$0x1EC00] =	vst v63  }
0x263: {  	s29 =	simm.s32 $0xDC00  }
0x264: {  	[tilespmem:s29], [sflag:$0x3] =	stream.indirect_vreg.gather [hbm4b:s11+s3], $0x80, v7, vm0, $0xb8;
	[tilespmem:$0x1EC00] =	vst v63  }
0x265: {  	s29 =	simm.s32 $0xE400  }
0x266: {  	[tilespmem:s29], [sflag:$0x3] =	stream.indirect_vreg.gather [hbm4b:s0+s3], $0x80, v6, vm0, $0xb8;
	[tilespmem:$0x1EC00] =	vst v63  }
0x267: {  	_ = 	snop  }
0x268: {  	[tilespmem:s7], [sflag:$0x3] =	stream.indirect_vreg.gather [hbm4b:s10+s3], $0x80, v6, vm0, $0xb8;
	[tilespmem:$0x1EC00] =	vst v63  }
0x269: {  	s29 =	simm.s32 $0xF400  }
0x26a: {  	[tilespmem:s29], [sflag:$0x3] =	stream.indirect_vreg.gather [hbm4b:s11+s3], $0x80, v6, vm0, $0xb8;
	[tilespmem:$0x1EC00] =	vst v63  }
0x26b: {  	v6 =	vld [tilespmem:$0x990];
	_ =	sdelay $0x4  }
0x26c: {  	v7 =	vshrl.u32 v6, $0x3  }
0x26d: {  	v7 =	vmul.u32 $0x30, v7  }
0x26e: {  	v6 =	vand.u32 $0x7, v6  }
0x26f: {  	v6 =	vor.u32 v6, v7  }
0x270: {  	v7 =	vperm.xlane v6, v1;
	_ =	sdelay $0x1  }
0x271: {  	v7 =	vadd.s32 v4, v7;
	_ =	sdelay $0x3  }
0x272: {  	s7 =	simm.s32 $0xFC00;
	v6 =	vperm.xlane v6, v5  }
0x273: {  	[tilespmem:s7], [sflag:$0x3] =	stream.indirect_vreg.gather [hbm4b:s0+s3], $0x80, v7, vm0, $0xb8;
	[tilespmem:$0x1EC00] =	vst v63  }
0x274: {  	s29 =	simm.s32 $0x10400;
	v6 =	vadd.s32 v4, v6  }
0x275: {  	[tilespmem:s29], [sflag:$0x3] =	stream.indirect_vreg.gather [hbm4b:s10+s3], $0x80, v7, vm0, $0xb8;
	[tilespmem:$0x1EC00] =	vst v63  }
0x276: {  	s7 =	simm.s32 $0x10C00  }
0x277: {  	[tilespmem:s7], [sflag:$0x3] =	stream.indirect_vreg.gather [hbm4b:s11+s3], $0x80, v7, vm0, $0xb8;
	[tilespmem:$0x1EC00] =	vst v63  }
0x278: {  	s29 =	simm.s32 $0x11400  }
0x279: {  	[tilespmem:s29], [sflag:$0x3] =	stream.indirect_vreg.gather [hbm4b:s0+s3], $0x80, v6, vm0, $0xb8;
	[tilespmem:$0x1EC00] =	vst v63  }
0x27a: {  	s7 =	simm.s32 $0x11C00  }
0x27b: {  	[tilespmem:s7], [sflag:$0x3] =	stream.indirect_vreg.gather [hbm4b:s10+s3], $0x80, v6, vm0, $0xb8;
	[tilespmem:$0x1EC00] =	vst v63  }
0x27c: {  	s29 =	simm.s32 $0x12400  }
0x27d: {  	[tilespmem:s29], [sflag:$0x3] =	stream.indirect_vreg.gather [hbm4b:s11+s3], $0x80, v6, vm0, $0xb8;
	[tilespmem:$0x1EC00] =	vst v63  }
0x27e: {  	_ =	swait.ge [sflag:s23], $0x6000  }
0x27f: {  	[sflag:s23] =	ssyncset.done $0x0  }
0x280: {  	s6 =	simm.s32 $0x12C00;
	s7 =	rddreg [dreg:$0xf];
	[sflag:s23] =	ssyncadd.s32 $0xFFFFA000  }
0x281: {  	[hbm4b:s7+s3] =	stream.linear.scatter [tilespmem:s6], [sflag:$0x9], $0x6000, $0x38;
	[tilespmem:$0x1EC00] =	vst v63  }
0x282: {  	_ =	swait.ge [sflag:s24], $0x6000  }
0x283: {  	[sflag:s24] =	ssyncset.done $0x0  }
0x284: {  	[sflag:s24] =	ssyncadd.s32 $0xFFFFA000  }
0x285: {  	v6 =	vld [tilespmem:$0x9A0];
	_ =	sdelay $0x4  }
0x286: {  	v7 =	vshrl.u32 v6, $0x3  }
0x287: {  	v7 =	vmul.u32 $0x30, v7  }
0x288: {  	v6 =	vand.u32 $0x7, v6  }
0x289: {  	v6 =	vor.u32 v6, v7  }
0x28a: {  	v7 =	vperm.xlane v6, v1;
	_ =	sdelay $0x1  }
0x28b: {  	v7 =	vadd.s32 v4, v7;
	_ =	sdelay $0x3  }
0x28c: {  	v6 =	vperm.xlane v6, v5  }
0x28d: {  	[tilespmem:s6], [sflag:$0x4] =	stream.indirect_vreg.gather [hbm4b:s0+s3], $0x80, v7, vm0, $0xb8;
	[tilespmem:$0x1EC00] =	vst v63  }
0x28e: {  	s7 =	simm.s32 $0x13400;
	v6 =	vadd.s32 v4, v6  }
0x28f: {  	[tilespmem:s7], [sflag:$0x4] =	stream.indirect_vreg.gather [hbm4b:s10+s3], $0x80, v7, vm0, $0xb8;
	[tilespmem:$0x1EC00] =	vst v63  }
0x290: {  	s29 =	simm.s32 $0x13C00  }
0x291: {  	[tilespmem:s29], [sflag:$0x4] =	stream.indirect_vreg.gather [hbm4b:s11+s3], $0x80, v7, vm0, $0xb8;
	[tilespmem:$0x1EC00] =	vst v63  }
0x292: {  	s7 =	simm.s32 $0x14400  }
0x293: {  	[tilespmem:s7], [sflag:$0x4] =	stream.indirect_vreg.gather [hbm4b:s0+s3], $0x80, v6, vm0, $0xb8;
	[tilespmem:$0x1EC00] =	vst v63  }
0x294: {  	s29 =	simm.s32 $0x14C00  }
0x295: {  	[tilespmem:s29], [sflag:$0x4] =	stream.indirect_vreg.gather [hbm4b:s10+s3], $0x80, v6, vm0, $0xb8;
	[tilespmem:$0x1EC00] =	vst v63  }
0x296: {  	_ = 	snop  }
0x297: {  	[tilespmem:s14], [sflag:$0x4] =	stream.indirect_vreg.gather [hbm4b:s11+s3], $0x80, v6, vm0, $0xb8;
	[tilespmem:$0x1EC00] =	vst v63  }
0x298: {  	v6 =	vld [tilespmem:$0x9B0];
	_ =	sdelay $0x4  }
0x299: {  	v7 =	vshrl.u32 v6, $0x3  }
0x29a: {  	v7 =	vmul.u32 $0x30, v7  }
0x29b: {  	v6 =	vand.u32 $0x7, v6  }
0x29c: {  	v6 =	vor.u32 v6, v7  }
0x29d: {  	v7 =	vperm.xlane v6, v1;
	_ =	sdelay $0x1  }
0x29e: {  	v7 =	vadd.s32 v4, v7;
	_ =	sdelay $0x3  }
0x29f: {  	s7 =	simm.s32 $0x15C00;
	v6 =	vperm.xlane v6, v5  }
0x2a0: {  	[tilespmem:s7], [sflag:$0x4] =	stream.indirect_vreg.gather [hbm4b:s0+s3], $0x80, v7, vm0, $0xb8;
	[tilespmem:$0x1EC00] =	vst v63  }
0x2a1: {  	s29 =	simm.s32 $0x16400;
	v6 =	vadd.s32 v4, v6  }
0x2a2: {  	[tilespmem:s29], [sflag:$0x4] =	stream.indirect_vreg.gather [hbm4b:s10+s3], $0x80, v7, vm0, $0xb8;
	[tilespmem:$0x1EC00] =	vst v63  }
0x2a3: {  	s7 =	simm.s32 $0x16C00  }
0x2a4: {  	[tilespmem:s7], [sflag:$0x4] =	stream.indirect_vreg.gather [hbm4b:s11+s3], $0x80, v7, vm0, $0xb8;
	[tilespmem:$0x1EC00] =	vst v63  }
0x2a5: {  	_ = 	snop  }
0x2a6: {  	[tilespmem:s8], [sflag:$0x4] =	stream.indirect_vreg.gather [hbm4b:s0+s3], $0x80, v6, vm0, $0xb8;
	[tilespmem:$0x1EC00] =	vst v63  }
0x2a7: {  	s29 =	simm.s32 $0x17C00  }
0x2a8: {  	[tilespmem:s29], [sflag:$0x4] =	stream.indirect_vreg.gather [hbm4b:s10+s3], $0x80, v6, vm0, $0xb8;
	[tilespmem:$0x1EC00] =	vst v63  }
0x2a9: {  	s7 =	simm.s32 $0x18400  }
0x2aa: {  	[tilespmem:s7], [sflag:$0x4] =	stream.indirect_vreg.gather [hbm4b:s11+s3], $0x80, v6, vm0, $0xb8;
	[tilespmem:$0x1EC00] =	vst v63  }
0x2ab: {  	_ =	swait.ge [sflag:s25], $0x6000  }
0x2ac: {  	[sflag:s25] =	ssyncset.done $0x0  }
0x2ad: {  	s4 =	simm.s32 $0x18C00;
	s8 =	rddreg [dreg:$0x10];
	[sflag:s25] =	ssyncadd.s32 $0xFFFFA000  }
0x2ae: {  	[hbm4b:s8+s3] =	stream.linear.scatter [tilespmem:s4], [sflag:$0xA], $0x6000, $0x38;
	[tilespmem:$0x1EC00] =	vst v63  }
0x2af: {  	_ =	swait.ge [sflag:s5], $0x6000  }
0x2b0: {  	[sflag:s5] =	ssyncset.done $0x0  }
0x2b1: {  	[sflag:s5] =	ssyncadd.s32 $0xFFFFA000  }
0x2b2: {  	v6 =	vld [tilespmem:$0x9C0];
	_ =	sdelay $0x4  }
0x2b3: {  	v7 =	vshrl.u32 v6, $0x3  }
0x2b4: {  	v7 =	vmul.u32 $0x30, v7  }
0x2b5: {  	v6 =	vand.u32 $0x7, v6  }
0x2b6: {  	v6 =	vor.u32 v6, v7  }
0x2b7: {  	v7 =	vperm.xlane v6, v1;
	_ =	sdelay $0x1  }
0x2b8: {  	v7 =	vadd.s32 v4, v7;
	_ =	sdelay $0x3  }
0x2b9: {  	v6 =	vperm.xlane v6, v5  }
0x2ba: {  	[tilespmem:s4], [sflag:$0x5] =	stream.indirect_vreg.gather [hbm4b:s0+s3], $0x80, v7, vm0, $0xb8;
	[tilespmem:$0x1EC00] =	vst v63  }
0x2bb: {  	s6 =	simm.s32 $0x19400;
	v6 =	vadd.s32 v4, v6  }
0x2bc: {  	[tilespmem:s6], [sflag:$0x5] =	stream.indirect_vreg.gather [hbm4b:s10+s3], $0x80, v7, vm0, $0xb8;
	[tilespmem:$0x1EC00] =	vst v63  }
0x2bd: {  	s7 =	simm.s32 $0x19C00  }
0x2be: {  	[tilespmem:s7], [sflag:$0x5] =	stream.indirect_vreg.gather [hbm4b:s11+s3], $0x80, v7, vm0, $0xb8;
	[tilespmem:$0x1EC00] =	vst v63  }
0x2bf: {  	_ = 	snop  }
0x2c0: {  	[tilespmem:s15], [sflag:$0x5] =	stream.indirect_vreg.gather [hbm4b:s0+s3], $0x80, v6, vm0, $0xb8;
	[tilespmem:$0x1EC00] =	vst v63  }
0x2c1: {  	_ = 	snop  }
0x2c2: {  	[tilespmem:s20], [sflag:$0x5] =	stream.indirect_vreg.gather [hbm4b:s10+s3], $0x80, v6, vm0, $0xb8;
	[tilespmem:$0x1EC00] =	vst v63  }
0x2c3: {  	s6 =	simm.s32 $0x1B400  }
0x2c4: {  	[tilespmem:s6], [sflag:$0x5] =	stream.indirect_vreg.gather [hbm4b:s11+s3], $0x80, v6, vm0, $0xb8;
	[tilespmem:$0x1EC00] =	vst v63  }
0x2c5: {  	v6 =	vld [tilespmem:$0x9D0];
	_ =	sdelay $0x4  }
0x2c6: {  	v7 =	vshrl.u32 v6, $0x3  }
0x2c7: {  	v7 =	vmul.u32 $0x30, v7  }
0x2c8: {  	v6 =	vand.u32 $0x7, v6  }
0x2c9: {  	v6 =	vor.u32 v6, v7  }
0x2ca: {  	v7 =	vperm.xlane v6, v1;
	_ =	sdelay $0x1  }
0x2cb: {  	v7 =	vadd.s32 v4, v7;
	_ =	sdelay $0x3  }
0x2cc: {  	s8 =	simm.s32 $0x1BC00;
	v6 =	vperm.xlane v6, v5  }
0x2cd: {  	[tilespmem:s8], [sflag:$0x5] =	stream.indirect_vreg.gather [hbm4b:s0+s3], $0x80, v7, vm0, $0xb8;
	[tilespmem:$0x1EC00] =	vst v63  }
0x2ce: {  	v6 =	vadd.s32 v4, v6  }
0x2cf: {  	[tilespmem:s26], [sflag:$0x5] =	stream.indirect_vreg.gather [hbm4b:s10+s3], $0x80, v7, vm0, $0xb8;
	[tilespmem:$0x1EC00] =	vst v63  }
0x2d0: {  	s15 =	simm.s32 $0x1CC00  }
0x2d1: {  	[tilespmem:s15], [sflag:$0x5] =	stream.indirect_vreg.gather [hbm4b:s11+s3], $0x80, v7, vm0, $0xb8;
	[tilespmem:$0x1EC00] =	vst v63  }
0x2d2: {  	s20 =	simm.s32 $0x1D400  }
0x2d3: {  	[tilespmem:s20], [sflag:$0x5] =	stream.indirect_vreg.gather [hbm4b:s0+s3], $0x80, v6, vm0, $0xb8;
	[tilespmem:$0x1EC00] =	vst v63  }
0x2d4: {  	s26 =	simm.s32 $0x1DC00  }
0x2d5: {  	[tilespmem:s26], [sflag:$0x5] =	stream.indirect_vreg.gather [hbm4b:s10+s3], $0x80, v6, vm0, $0xb8;
	[tilespmem:$0x1EC00] =	vst v63  }
0x2d6: {  	s29 =	simm.s32 $0x1E400  }
0x2d7: {  	[tilespmem:s29], [sflag:$0x5] =	stream.indirect_vreg.gather [hbm4b:s11+s3], $0x80, v6, vm0, $0xb8;
	[tilespmem:$0x1EC00] =	vst v63  }
0x2d8: {  	_ =	swait.ge [sflag:s16], $0x6000  }
0x2d9: {  	[sflag:s16] =	ssyncset.done $0x0  }
0x2da: {  	s1 =	simm.s32 $0xC00;
	s4 =	rddreg [dreg:$0x11];
	[sflag:s16] =	ssyncadd.s32 $0xFFFFA000  }
0x2db: {  	[hbm4b:s4+s3] =	stream.linear.scatter [tilespmem:s1], [sflag:$0x6], $0x6000, $0x38;
	[tilespmem:$0x1EC00] =	vst v63  }
0x2dc: {  	_ =	swait.ge [sflag:s17], $0x6000  }
0x2dd: {  	[sflag:s17] =	ssyncset.done $0x0  }
0x2de: {  	[sflag:s17] =	ssyncadd.s32 $0xFFFFA000  }
0x2df: {  	v6 =	vld [tilespmem:$0x9E0];
	_ =	sdelay $0x4  }
0x2e0: {  	v7 =	vshrl.u32 v6, $0x3  }
0x2e1: {  	v7 =	vmul.u32 $0x30, v7  }
0x2e2: {  	v6 =	vand.u32 $0x7, v6  }
0x2e3: {  	v6 =	vor.u32 v6, v7  }
0x2e4: {  	v7 =	vperm.xlane v6, v1;
	_ =	sdelay $0x1  }
0x2e5: {  	v7 =	vadd.s32 v4, v7;
	_ =	sdelay $0x3  }
0x2e6: {  	v6 =	vperm.xlane v6, v5  }
0x2e7: {  	[tilespmem:s1], [sflag:$0x1] =	stream.indirect_vreg.gather [hbm4b:s0+s3], $0x80, v7, vm0, $0xb8;
	[tilespmem:$0x1EC00] =	vst v63  }
0x2e8: {  	s7 =	simm.s32 $0x1400;
	v6 =	vadd.s32 v4, v6  }
0x2e9: {  	[tilespmem:s7], [sflag:$0x1] =	stream.indirect_vreg.gather [hbm4b:s10+s3], $0x80, v7, vm0, $0xb8;
	[tilespmem:$0x1EC00] =	vst v63  }
0x2ea: {  	s8 =	simm.s32 $0x1C00  }
0x2eb: {  	[tilespmem:s8], [sflag:$0x1] =	stream.indirect_vreg.gather [hbm4b:s11+s3], $0x80, v7, vm0, $0xb8;
	[tilespmem:$0x1EC00] =	vst v63  }
0x2ec: {  	s15 =	simm.s32 $0x2400  }
0x2ed: {  	[tilespmem:s15], [sflag:$0x1] =	stream.indirect_vreg.gather [hbm4b:s0+s3], $0x80, v6, vm0, $0xb8;
	[tilespmem:$0x1EC00] =	vst v63  }
0x2ee: {  	s7 =	simm.s32 $0x2C00  }
0x2ef: {  	[tilespmem:s7], [sflag:$0x1] =	stream.indirect_vreg.gather [hbm4b:s10+s3], $0x80, v6, vm0, $0xb8;
	[tilespmem:$0x1EC00] =	vst v63  }
0x2f0: {  	_ = 	snop  }
0x2f1: {  	[tilespmem:s9], [sflag:$0x1] =	stream.indirect_vreg.gather [hbm4b:s11+s3], $0x80, v6, vm0, $0xb8;
	[tilespmem:$0x1EC00] =	vst v63  }
0x2f2: {  	v6 =	vld [tilespmem:$0x9F0];
	_ =	sdelay $0x4  }
0x2f3: {  	v7 =	vshrl.u32 v6, $0x3  }
0x2f4: {  	v7 =	vmul.u32 $0x30, v7  }
0x2f5: {  	v6 =	vand.u32 $0x7, v6  }
0x2f6: {  	v6 =	vor.u32 v6, v7  }
0x2f7: {  	v7 =	vperm.xlane v6, v1;
	_ =	sdelay $0x1  }
0x2f8: {  	v7 =	vadd.s32 v4, v7;
	_ =	sdelay $0x3  }
0x2f9: {  	s20 =	simm.s32 $0x3C00;
	v6 =	vperm.xlane v6, v5  }
0x2fa: {  	[tilespmem:s20], [sflag:$0x1] =	stream.indirect_vreg.gather [hbm4b:s0+s3], $0x80, v7, vm0, $0xb8;
	[tilespmem:$0x1EC00] =	vst v63  }
0x2fb: {  	s26 =	simm.s32 $0x4400;
	v6 =	vadd.s32 v4, v6  }
0x2fc: {  	[tilespmem:s26], [sflag:$0x1] =	stream.indirect_vreg.gather [hbm4b:s10+s3], $0x80, v7, vm0, $0xb8;
	[tilespmem:$0x1EC00] =	vst v63  }
0x2fd: {  	s20 =	simm.s32 $0x4C00  }
0x2fe: {  	[tilespmem:s20], [sflag:$0x1] =	stream.indirect_vreg.gather [hbm4b:s11+s3], $0x80, v7, vm0, $0xb8;
	[tilespmem:$0x1EC00] =	vst v63  }
0x2ff: {  	s26 =	simm.s32 $0x5400  }
0x300: {  	[tilespmem:s26], [sflag:$0x1] =	stream.indirect_vreg.gather [hbm4b:s0+s3], $0x80, v6, vm0, $0xb8;
	[tilespmem:$0x1EC00] =	vst v63  }
0x301: {  	s29 =	simm.s32 $0x5C00  }
0x302: {  	[tilespmem:s29], [sflag:$0x1] =	stream.indirect_vreg.gather [hbm4b:s10+s3], $0x80, v6, vm0, $0xb8;
	[tilespmem:$0x1EC00] =	vst v63  }
0x303: {  	s4 =	simm.s32 $0x6400  }
0x304: {  	[tilespmem:s4], [sflag:$0x1] =	stream.indirect_vreg.gather [hbm4b:s11+s3], $0x80, v6, vm0, $0xb8;
	[tilespmem:$0x1EC00] =	vst v63  }
0x305: {  	_ =	swait.ge [sflag:s18], $0x6000  }
0x306: {  	[sflag:s18] =	ssyncset.done $0x0  }
0x307: {  	s2 =	simm.s32 $0x6C00;
	s8 =	rddreg [dreg:$0x12];
	[sflag:s18] =	ssyncadd.s32 $0xFFFFA000  }
0x308: {  	[hbm4b:s8+s3] =	stream.linear.scatter [tilespmem:s2], [sflag:$0x7], $0x6000, $0x38;
	[tilespmem:$0x1EC00] =	vst v63  }
0x309: {  	_ =	swait.ge [sflag:s19], $0x6000  }
0x30a: {  	[sflag:s19] =	ssyncset.done $0x0  }
0x30b: {  	[sflag:s19] =	ssyncadd.s32 $0xFFFFA000  }
0x30c: {  	v6 =	vld [tilespmem:$0xA00];
	_ =	sdelay $0x4  }
0x30d: {  	v7 =	vshrl.u32 v6, $0x3  }
0x30e: {  	v7 =	vmul.u32 $0x30, v7  }
0x30f: {  	v6 =	vand.u32 $0x7, v6  }
0x310: {  	v6 =	vor.u32 v6, v7  }
0x311: {  	v7 =	vperm.xlane v6, v1;
	_ =	sdelay $0x1  }
0x312: {  	v7 =	vadd.s32 v4, v7;
	_ =	sdelay $0x3  }
0x313: {  	v6 =	vperm.xlane v6, v5  }
0x314: {  	[tilespmem:s2], [sflag:$0x2] =	stream.indirect_vreg.gather [hbm4b:s0+s3], $0x80, v7, vm0, $0xb8;
	[tilespmem:$0x1EC00] =	vst v63  }
0x315: {  	s9 =	simm.s32 $0x7400;
	v6 =	vadd.s32 v4, v6  }
0x316: {  	[tilespmem:s9], [sflag:$0x2] =	stream.indirect_vreg.gather [hbm4b:s10+s3], $0x80, v7, vm0, $0xb8;
	[tilespmem:$0x1EC00] =	vst v63  }
0x317: {  	_ = 	snop  }
0x318: {  	[tilespmem:s12], [sflag:$0x2] =	stream.indirect_vreg.gather [hbm4b:s11+s3], $0x80, v7, vm0, $0xb8;
	[tilespmem:$0x1EC00] =	vst v63  }
0x319: {  	s15 =	simm.s32 $0x8400  }
0x31a: {  	[tilespmem:s15], [sflag:$0x2] =	stream.indirect_vreg.gather [hbm4b:s0+s3], $0x80, v6, vm0, $0xb8;
	[tilespmem:$0x1EC00] =	vst v63  }
0x31b: {  	_ = 	snop  }
0x31c: {  	[tilespmem:s28], [sflag:$0x2] =	stream.indirect_vreg.gather [hbm4b:s10+s3], $0x80, v6, vm0, $0xb8;
	[tilespmem:$0x1EC00] =	vst v63  }
0x31d: {  	s29 =	simm.s32 $0x9400  }
0x31e: {  	[tilespmem:s29], [sflag:$0x2] =	stream.indirect_vreg.gather [hbm4b:s11+s3], $0x80, v6, vm0, $0xb8;
	[tilespmem:$0x1EC00] =	vst v63  }
0x31f: {  	v6 =	vld [tilespmem:$0xA10];
	_ =	sdelay $0x4  }
0x320: {  	v7 =	vshrl.u32 v6, $0x3  }
0x321: {  	v7 =	vmul.u32 $0x30, v7  }
0x322: {  	v6 =	vand.u32 $0x7, v6  }
0x323: {  	v6 =	vor.u32 v6, v7  }
0x324: {  	v7 =	vperm.xlane v6, v1;
	_ =	sdelay $0x1  }
0x325: {  	v7 =	vadd.s32 v4, v7;
	_ =	sdelay $0x3  }
0x326: {  	s2 =	simm.s32 $0x9C00;
	v6 =	vperm.xlane v6, v5  }
0x327: {  	[tilespmem:s2], [sflag:$0x2] =	stream.indirect_vreg.gather [hbm4b:s0+s3], $0x80, v7, vm0, $0xb8;
	[tilespmem:$0x1EC00] =	vst v63  }
0x328: {  	v6 =	vadd.s32 v4, v6  }
0x329: {  	[tilespmem:s31], [sflag:$0x2] =	stream.indirect_vreg.gather [hbm4b:s10+s3], $0x80, v7, vm0, $0xb8;
	[tilespmem:$0x1EC00] =	vst v63  }
0x32a: {  	_ = 	snop  }
0x32b: {  	[tilespmem:s30], [sflag:$0x2] =	stream.indirect_vreg.gather [hbm4b:s11+s3], $0x80, v7, vm0, $0xb8;
	[tilespmem:$0x1EC00] =	vst v63  }
0x32c: {  	s31 =	simm.s32 $0xB400  }
0x32d: {  	[tilespmem:s31], [sflag:$0x2] =	stream.indirect_vreg.gather [hbm4b:s0+s3], $0x80, v6, vm0, $0xb8;
	[tilespmem:$0x1EC00] =	vst v63  }
0x32e: {  	s4 =	simm.s32 $0xBC00  }
0x32f: {  	[tilespmem:s4], [sflag:$0x2] =	stream.indirect_vreg.gather [hbm4b:s10+s3], $0x80, v6, vm0, $0xb8;
	[tilespmem:$0x1EC00] =	vst v63  }
0x330: {  	s8 =	simm.s32 $0xC400  }
0x331: {  	[tilespmem:s8], [sflag:$0x2] =	stream.indirect_vreg.gather [hbm4b:s11+s3], $0x80, v6, vm0, $0xb8;
	[tilespmem:$0x1EC00] =	vst v63  }
0x332: {  	_ =	swait.ge [sflag:s21], $0x6000  }
0x333: {  	[sflag:s21] =	ssyncset.done $0x0  }
0x334: {  	s12 =	simm.s32 $0xCC00;
	s9 =	rddreg [dreg:$0x13];
	[sflag:s21] =	ssyncadd.s32 $0xFFFFA000  }
0x335: {  	[hbm4b:s9+s3] =	stream.linear.scatter [tilespmem:s12], [sflag:$0x8], $0x6000, $0x38;
	[tilespmem:$0x1EC00] =	vst v63  }
0x336: {  	_ =	swait.ge [sflag:s22], $0x6000  }
0x337: {  	[sflag:s22] =	ssyncset.done $0x0  }
0x338: {  	[sflag:s22] =	ssyncadd.s32 $0xFFFFA000  }
0x339: {  	v6 =	vld [tilespmem:$0xA20];
	_ =	sdelay $0x4  }
0x33a: {  	v7 =	vshrl.u32 v6, $0x3  }
0x33b: {  	v7 =	vmul.u32 $0x30, v7  }
0x33c: {  	v6 =	vand.u32 $0x7, v6  }
0x33d: {  	v6 =	vor.u32 v6, v7  }
0x33e: {  	v7 =	vperm.xlane v6, v1;
	_ =	sdelay $0x1  }
0x33f: {  	v7 =	vadd.s32 v4, v7;
	_ =	sdelay $0x3  }
0x340: {  	v6 =	vperm.xlane v6, v5  }
0x341: {  	[tilespmem:s12], [sflag:$0x3] =	stream.indirect_vreg.gather [hbm4b:s0+s3], $0x80, v7, vm0, $0xb8;
	[tilespmem:$0x1EC00] =	vst v63  }
0x342: {  	s15 =	simm.s32 $0xD400;
	v6 =	vadd.s32 v4, v6  }
0x343: {  	[tilespmem:s15], [sflag:$0x3] =	stream.indirect_vreg.gather [hbm4b:s10+s3], $0x80, v7, vm0, $0xb8;
	[tilespmem:$0x1EC00] =	vst v63  }
0x344: {  	s28 =	simm.s32 $0xDC00  }
0x345: {  	[tilespmem:s28], [sflag:$0x3] =	stream.indirect_vreg.gather [hbm4b:s11+s3], $0x80, v7, vm0, $0xb8;
	[tilespmem:$0x1EC00] =	vst v63  }
0x346: {  	s29 =	simm.s32 $0xE400  }
0x347: {  	[tilespmem:s29], [sflag:$0x3] =	stream.indirect_vreg.gather [hbm4b:s0+s3], $0x80, v6, vm0, $0xb8;
	[tilespmem:$0x1EC00] =	vst v63  }
0x348: {  	s30 =	simm.s32 $0xEC00  }
0x349: {  	[tilespmem:s30], [sflag:$0x3] =	stream.indirect_vreg.gather [hbm4b:s10+s3], $0x80, v6, vm0, $0xb8;
	[tilespmem:$0x1EC00] =	vst v63  }
0x34a: {  	s31 =	simm.s32 $0xF400  }
0x34b: {  	[tilespmem:s31], [sflag:$0x3] =	stream.indirect_vreg.gather [hbm4b:s11+s3], $0x80, v6, vm0, $0xb8;
	[tilespmem:$0x1EC00] =	vst v63  }
0x34c: {  	v6 =	vld [tilespmem:$0xA30];
	_ =	sdelay $0x4  }
0x34d: {  	v7 =	vshrl.u32 v6, $0x3  }
0x34e: {  	v7 =	vmul.u32 $0x30, v7  }
0x34f: {  	v6 =	vand.u32 $0x7, v6  }
0x350: {  	v6 =	vor.u32 v6, v7  }
0x351: {  	v7 =	vperm.xlane v6, v1;
	_ =	sdelay $0x1  }
0x352: {  	v7 =	vadd.s32 v4, v7;
	_ =	sdelay $0x3  }
0x353: {  	s4 =	simm.s32 $0xFC00;
	v6 =	vperm.xlane v6, v5  }
0x354: {  	[tilespmem:s4], [sflag:$0x3] =	stream.indirect_vreg.gather [hbm4b:s0+s3], $0x80, v7, vm0, $0xb8;
	[tilespmem:$0x1EC00] =	vst v63  }
0x355: {  	s9 =	simm.s32 $0x10400;
	v6 =	vadd.s32 v4, v6  }
0x356: {  	[tilespmem:s9], [sflag:$0x3] =	stream.indirect_vreg.gather [hbm4b:s10+s3], $0x80, v7, vm0, $0xb8;
	[tilespmem:$0x1EC00] =	vst v63  }
0x357: {  	s12 =	simm.s32 $0x10C00  }
0x358: {  	[tilespmem:s12], [sflag:$0x3] =	stream.indirect_vreg.gather [hbm4b:s11+s3], $0x80, v7, vm0, $0xb8;
	[tilespmem:$0x1EC00] =	vst v63  }
0x359: {  	s15 =	simm.s32 $0x11400  }
0x35a: {  	[tilespmem:s15], [sflag:$0x3] =	stream.indirect_vreg.gather [hbm4b:s0+s3], $0x80, v6, vm0, $0xb8;
	[tilespmem:$0x1EC00] =	vst v63  }
0x35b: {  	s28 =	simm.s32 $0x11C00  }
0x35c: {  	[tilespmem:s28], [sflag:$0x3] =	stream.indirect_vreg.gather [hbm4b:s10+s3], $0x80, v6, vm0, $0xb8;
	[tilespmem:$0x1EC00] =	vst v63  }
0x35d: {  	s29 =	simm.s32 $0x12400  }
0x35e: {  	[tilespmem:s29], [sflag:$0x3] =	stream.indirect_vreg.gather [hbm4b:s11+s3], $0x80, v6, vm0, $0xb8;
	[tilespmem:$0x1EC00] =	vst v63  }
0x35f: {  	_ =	swait.ge [sflag:s23], $0x6000  }
0x360: {  	[sflag:s23] =	ssyncset.done $0x0  }
0x361: {  	s31 =	simm.s32 $0x12C00;
	s30 =	rddreg [dreg:$0x14];
	[sflag:s23] =	ssyncadd.s32 $0xFFFFA000  }
0x362: {  	[hbm4b:s30+s3] =	stream.linear.scatter [tilespmem:s31], [sflag:$0x9], $0x6000, $0x38;
	[tilespmem:$0x1EC00] =	vst v63  }
0x363: {  	_ =	swait.ge [sflag:s24], $0x6000  }
0x364: {  	[sflag:s24] =	ssyncset.done $0x0  }
0x365: {  	[sflag:s24] =	ssyncadd.s32 $0xFFFFA000  }
0x366: {  	v6 =	vld [tilespmem:$0xA40];
	_ =	sdelay $0x4  }
0x367: {  	v7 =	vshrl.u32 v6, $0x3  }
0x368: {  	v7 =	vmul.u32 $0x30, v7  }
0x369: {  	v6 =	vand.u32 $0x7, v6  }
0x36a: {  	v6 =	vor.u32 v6, v7  }
0x36b: {  	v7 =	vperm.xlane v6, v1;
	_ =	sdelay $0x1  }
0x36c: {  	v7 =	vadd.s32 v4, v7;
	_ =	sdelay $0x3  }
0x36d: {  	v6 =	vperm.xlane v6, v5  }
0x36e: {  	[tilespmem:s31], [sflag:$0x4] =	stream.indirect_vreg.gather [hbm4b:s0+s3], $0x80, v7, vm0, $0xb8;
	[tilespmem:$0x1EC00] =	vst v63  }
0x36f: {  	s4 =	simm.s32 $0x13400;
	v6 =	vadd.s32 v4, v6  }
0x370: {  	[tilespmem:s4], [sflag:$0x4] =	stream.indirect_vreg.gather [hbm4b:s10+s3], $0x80, v7, vm0, $0xb8;
	[tilespmem:$0x1EC00] =	vst v63  }
0x371: {  	s12 =	simm.s32 $0x13C00  }
0x372: {  	[tilespmem:s12], [sflag:$0x4] =	stream.indirect_vreg.gather [hbm4b:s11+s3], $0x80, v7, vm0, $0xb8;
	[tilespmem:$0x1EC00] =	vst v63  }
0x373: {  	s15 =	simm.s32 $0x14400  }
0x374: {  	[tilespmem:s15], [sflag:$0x4] =	stream.indirect_vreg.gather [hbm4b:s0+s3], $0x80, v6, vm0, $0xb8;
	[tilespmem:$0x1EC00] =	vst v63  }
0x375: {  	s28 =	simm.s32 $0x14C00  }
0x376: {  	[tilespmem:s28], [sflag:$0x4] =	stream.indirect_vreg.gather [hbm4b:s10+s3], $0x80, v6, vm0, $0xb8;
	[tilespmem:$0x1EC00] =	vst v63  }
0x377: {  	s14 =	simm.s32 $0x15400  }
0x378: {  	[tilespmem:s14], [sflag:$0x4] =	stream.indirect_vreg.gather [hbm4b:s11+s3], $0x80, v6, vm0, $0xb8;
	[tilespmem:$0x1EC00] =	vst v63  }
0x379: {  	v6 =	vld [tilespmem:$0xA50];
	_ =	sdelay $0x4  }
0x37a: {  	v7 =	vshrl.u32 v6, $0x3  }
0x37b: {  	v7 =	vmul.u32 $0x30, v7  }
0x37c: {  	v6 =	vand.u32 $0x7, v6  }
0x37d: {  	v6 =	vor.u32 v6, v7  }
0x37e: {  	v7 =	vperm.xlane v6, v1;
	_ =	sdelay $0x1  }
0x37f: {  	v7 =	vadd.s32 v4, v7;
	_ =	sdelay $0x3  }
0x380: {  	s29 =	simm.s32 $0x15C00;
	v6 =	vperm.xlane v6, v5  }
0x381: {  	[tilespmem:s29], [sflag:$0x4] =	stream.indirect_vreg.gather [hbm4b:s0+s3], $0x80, v7, vm0, $0xb8;
	[tilespmem:$0x1EC00] =	vst v63  }
0x382: {  	s30 =	simm.s32 $0x16400;
	v6 =	vadd.s32 v4, v6  }
0x383: {  	[tilespmem:s30], [sflag:$0x4] =	stream.indirect_vreg.gather [hbm4b:s10+s3], $0x80, v7, vm0, $0xb8;
	[tilespmem:$0x1EC00] =	vst v63  }
0x384: {  	s31 =	simm.s32 $0x16C00  }
0x385: {  	[tilespmem:s31], [sflag:$0x4] =	stream.indirect_vreg.gather [hbm4b:s11+s3], $0x80, v7, vm0, $0xb8;
	[tilespmem:$0x1EC00] =	vst v63  }
0x386: {  	s15 =	simm.s32 $0x17400  }
0x387: {  	[tilespmem:s15], [sflag:$0x4] =	stream.indirect_vreg.gather [hbm4b:s0+s3], $0x80, v6, vm0, $0xb8;
	[tilespmem:$0x1EC00] =	vst v63  }
0x388: {  	s4 =	simm.s32 $0x17C00  }
0x389: {  	[tilespmem:s4], [sflag:$0x4] =	stream.indirect_vreg.gather [hbm4b:s10+s3], $0x80, v6, vm0, $0xb8;
	[tilespmem:$0x1EC00] =	vst v63  }
0x38a: {  	s12 =	simm.s32 $0x18400  }
0x38b: {  	[tilespmem:s12], [sflag:$0x4] =	stream.indirect_vreg.gather [hbm4b:s11+s3], $0x80, v6, vm0, $0xb8;
	[tilespmem:$0x1EC00] =	vst v63  }
0x38c: {  	_ =	swait.ge [sflag:s25], $0x6000  }
0x38d: {  	[sflag:s25] =	ssyncset.done $0x0  }
0x38e: {  	s28 =	simm.s32 $0x18C00;
	s14 =	rddreg [dreg:$0x15];
	[sflag:s25] =	ssyncadd.s32 $0xFFFFA000  }
0x38f: {  	[hbm4b:s14+s3] =	stream.linear.scatter [tilespmem:s28], [sflag:$0xA], $0x6000, $0x38;
	[tilespmem:$0x1EC00] =	vst v63  }
0x390: {  	_ =	swait.ge [sflag:s5], $0x6000  }
0x391: {  	[sflag:s5] =	ssyncset.done $0x0  }
0x392: {  	[sflag:s5] =	ssyncadd.s32 $0xFFFFA000  }
0x393: {  	v6 =	vld [tilespmem:$0xA60];
	_ =	sdelay $0x4  }
0x394: {  	v7 =	vshrl.u32 v6, $0x3  }
0x395: {  	v7 =	vmul.u32 $0x30, v7  }
0x396: {  	v6 =	vand.u32 $0x7, v6  }
0x397: {  	v6 =	vor.u32 v6, v7  }
0x398: {  	v7 =	vperm.xlane v6, v1;
	_ =	sdelay $0x1  }
0x399: {  	v7 =	vadd.s32 v4, v7;
	_ =	sdelay $0x3  }
0x39a: {  	v6 =	vperm.xlane v6, v5  }
0x39b: {  	[tilespmem:s28], [sflag:$0x5] =	stream.indirect_vreg.gather [hbm4b:s0+s3], $0x80, v7, vm0, $0xb8;
	[tilespmem:$0x1EC00] =	vst v63  }
0x39c: {  	s29 =	simm.s32 $0x19400;
	v6 =	vadd.s32 v4, v6  }
0x39d: {  	[tilespmem:s29], [sflag:$0x5] =	stream.indirect_vreg.gather [hbm4b:s10+s3], $0x80, v7, vm0, $0xb8;
	[tilespmem:$0x1EC00] =	vst v63  }
0x39e: {  	s30 =	simm.s32 $0x19C00  }
0x39f: {  	[tilespmem:s30], [sflag:$0x5] =	stream.indirect_vreg.gather [hbm4b:s11+s3], $0x80, v7, vm0, $0xb8;
	[tilespmem:$0x1EC00] =	vst v63  }
0x3a0: {  	s28 =	simm.s32 $0x1A400  }
0x3a1: {  	[tilespmem:s28], [sflag:$0x5] =	stream.indirect_vreg.gather [hbm4b:s0+s3], $0x80, v6, vm0, $0xb8;
	[tilespmem:$0x1EC00] =	vst v63  }
0x3a2: {  	s30 =	simm.s32 $0x1AC00  }
0x3a3: {  	[tilespmem:s30], [sflag:$0x5] =	stream.indirect_vreg.gather [hbm4b:s10+s3], $0x80, v6, vm0, $0xb8;
	[tilespmem:$0x1EC00] =	vst v63  }
0x3a4: {  	_ = 	snop  }
0x3a5: {  	[tilespmem:s6], [sflag:$0x5] =	stream.indirect_vreg.gather [hbm4b:s11+s3], $0x80, v6, vm0, $0xb8;
	[tilespmem:$0x1EC00] =	vst v63  }
0x3a6: {  	v6 =	vld [tilespmem:$0xA70];
	_ =	sdelay $0x4  }
0x3a7: {  	v7 =	vshrl.u32 v6, $0x3  }
0x3a8: {  	v7 =	vmul.u32 $0x30, v7  }
0x3a9: {  	v6 =	vand.u32 $0x7, v6  }
0x3aa: {  	v6 =	vor.u32 v6, v7  }
0x3ab: {  	v7 =	vperm.xlane v6, v1;
	_ =	sdelay $0x1  }
0x3ac: {  	v7 =	vadd.s32 v4, v7;
	_ =	sdelay $0x3  }
0x3ad: {  	s31 =	simm.s32 $0x1BC00;
	v6 =	vperm.xlane v6, v5  }
0x3ae: {  	[tilespmem:s31], [sflag:$0x5] =	stream.indirect_vreg.gather [hbm4b:s0+s3], $0x80, v7, vm0, $0xb8;
	[tilespmem:$0x1EC00] =	vst v63  }
0x3af: {  	s6 =	simm.s32 $0x1C400;
	v6 =	vadd.s32 v4, v6  }
0x3b0: {  	[tilespmem:s6], [sflag:$0x5] =	stream.indirect_vreg.gather [hbm4b:s10+s3], $0x80, v7, vm0, $0xb8;
	[tilespmem:$0x1EC00] =	vst v63  }
0x3b1: {  	s31 =	simm.s32 $0x1CC00  }
0x3b2: {  	[tilespmem:s31], [sflag:$0x5] =	stream.indirect_vreg.gather [hbm4b:s11+s3], $0x80, v7, vm0, $0xb8;
	[tilespmem:$0x1EC00] =	vst v63  }
0x3b3: {  	s12 =	simm.s32 $0x1D400  }
0x3b4: {  	[tilespmem:s12], [sflag:$0x5] =	stream.indirect_vreg.gather [hbm4b:s0+s3], $0x80, v6, vm0, $0xb8;
	[tilespmem:$0x1EC00] =	vst v63  }
0x3b5: {  	s14 =	simm.s32 $0x1DC00  }
0x3b6: {  	[tilespmem:s14], [sflag:$0x5] =	stream.indirect_vreg.gather [hbm4b:s10+s3], $0x80, v6, vm0, $0xb8;
	[tilespmem:$0x1EC00] =	vst v63  }
0x3b7: {  	s29 =	simm.s32 $0x1E400  }
0x3b8: {  	[tilespmem:s29], [sflag:$0x5] =	stream.indirect_vreg.gather [hbm4b:s11+s3], $0x80, v6, vm0, $0xb8;
	[tilespmem:$0x1EC00] =	vst v63  }
0x3b9: {  	_ =	swait.ge [sflag:s16], $0x6000  }
0x3ba: {  	[sflag:s16] =	ssyncset.done $0x0  }
0x3bb: {  	s6 =	simm.s32 $0xC00;
	s1 =	rddreg [dreg:$0x16];
	[sflag:s16] =	ssyncadd.s32 $0xFFFFA000  }
0x3bc: {  	[hbm4b:s1+s3] =	stream.linear.scatter [tilespmem:s6], [sflag:$0x6], $0x6000, $0x38;
	[tilespmem:$0x1EC00] =	vst v63  }
0x3bd: {  	_ =	swait.ge [sflag:s17], $0x6000  }
0x3be: {  	[sflag:s17] =	ssyncset.done $0x0  }
0x3bf: {  	[sflag:s17] =	ssyncadd.s32 $0xFFFFA000  }
0x3c0: {  	v6 =	vld [tilespmem:$0xA80];
	_ =	sdelay $0x4  }
0x3c1: {  	v7 =	vshrl.u32 v6, $0x3  }
0x3c2: {  	v7 =	vmul.u32 $0x30, v7  }
0x3c3: {  	v6 =	vand.u32 $0x7, v6  }
0x3c4: {  	v6 =	vor.u32 v6, v7  }
0x3c5: {  	v7 =	vperm.xlane v6, v1;
	_ =	sdelay $0x1  }
0x3c6: {  	v7 =	vadd.s32 v4, v7;
	_ =	sdelay $0x3  }
0x3c7: {  	v6 =	vperm.xlane v6, v5  }
0x3c8: {  	[tilespmem:s6], [sflag:$0x1] =	stream.indirect_vreg.gather [hbm4b:s0+s3], $0x80, v7, vm0, $0xb8;
	[tilespmem:$0x1EC00] =	vst v63  }
0x3c9: {  	s12 =	simm.s32 $0x1400;
	v6 =	vadd.s32 v4, v6  }
0x3ca: {  	[tilespmem:s12], [sflag:$0x1] =	stream.indirect_vreg.gather [hbm4b:s10+s3], $0x80, v7, vm0, $0xb8;
	[tilespmem:$0x1EC00] =	vst v63  }
0x3cb: {  	s14 =	simm.s32 $0x1C00  }
0x3cc: {  	[tilespmem:s14], [sflag:$0x1] =	stream.indirect_vreg.gather [hbm4b:s11+s3], $0x80, v7, vm0, $0xb8;
	[tilespmem:$0x1EC00] =	vst v63  }
0x3cd: {  	s29 =	simm.s32 $0x2400  }
0x3ce: {  	[tilespmem:s29], [sflag:$0x1] =	stream.indirect_vreg.gather [hbm4b:s0+s3], $0x80, v6, vm0, $0xb8;
	[tilespmem:$0x1EC00] =	vst v63  }
0x3cf: {  	_ = 	snop  }
0x3d0: {  	[tilespmem:s7], [sflag:$0x1] =	stream.indirect_vreg.gather [hbm4b:s10+s3], $0x80, v6, vm0, $0xb8;
	[tilespmem:$0x1EC00] =	vst v63  }
0x3d1: {  	s14 =	simm.s32 $0x3400  }
0x3d2: {  	[tilespmem:s14], [sflag:$0x1] =	stream.indirect_vreg.gather [hbm4b:s11+s3], $0x80, v6, vm0, $0xb8;
	[tilespmem:$0x1EC00] =	vst v63  }
0x3d3: {  	v6 =	vld [tilespmem:$0xA90];
	_ =	sdelay $0x4  }
0x3d4: {  	v7 =	vshrl.u32 v6, $0x3  }
0x3d5: {  	v7 =	vmul.u32 $0x30, v7  }
0x3d6: {  	v6 =	vand.u32 $0x7, v6  }
0x3d7: {  	v6 =	vor.u32 v6, v7  }
0x3d8: {  	v7 =	vperm.xlane v6, v1;
	_ =	sdelay $0x1  }
0x3d9: {  	v7 =	vadd.s32 v4, v7;
	_ =	sdelay $0x3  }
0x3da: {  	s7 =	simm.s32 $0x3C00;
	v6 =	vperm.xlane v6, v5  }
0x3db: {  	[tilespmem:s7], [sflag:$0x1] =	stream.indirect_vreg.gather [hbm4b:s0+s3], $0x80, v7, vm0, $0xb8;
	[tilespmem:$0x1EC00] =	vst v63  }
0x3dc: {  	s12 =	simm.s32 $0x4400;
	v6 =	vadd.s32 v4, v6  }
0x3dd: {  	[tilespmem:s12], [sflag:$0x1] =	stream.indirect_vreg.gather [hbm4b:s10+s3], $0x80, v7, vm0, $0xb8;
	[tilespmem:$0x1EC00] =	vst v63  }
0x3de: {  	_ = 	snop  }
0x3df: {  	[tilespmem:s20], [sflag:$0x1] =	stream.indirect_vreg.gather [hbm4b:s11+s3], $0x80, v7, vm0, $0xb8;
	[tilespmem:$0x1EC00] =	vst v63  }
0x3e0: {  	_ = 	snop  }
0x3e1: {  	[tilespmem:s26], [sflag:$0x1] =	stream.indirect_vreg.gather [hbm4b:s0+s3], $0x80, v6, vm0, $0xb8;
	[tilespmem:$0x1EC00] =	vst v63  }
0x3e2: {  	s26 =	simm.s32 $0x5C00  }
0x3e3: {  	[tilespmem:s26], [sflag:$0x1] =	stream.indirect_vreg.gather [hbm4b:s10+s3], $0x80, v6, vm0, $0xb8;
	[tilespmem:$0x1EC00] =	vst v63  }
0x3e4: {  	s29 =	simm.s32 $0x6400  }
0x3e5: {  	[tilespmem:s29], [sflag:$0x1] =	stream.indirect_vreg.gather [hbm4b:s11+s3], $0x80, v6, vm0, $0xb8;
	[tilespmem:$0x1EC00] =	vst v63  }
0x3e6: {  	_ =	swait.ge [sflag:s18], $0x6000  }
0x3e7: {  	[sflag:s18] =	ssyncset.done $0x0  }
0x3e8: {  	s7 =	simm.s32 $0x6C00;
	s6 =	rddreg [dreg:$0x17];
	[sflag:s18] =	ssyncadd.s32 $0xFFFFA000  }
0x3e9: {  	[hbm4b:s6+s3] =	stream.linear.scatter [tilespmem:s7], [sflag:$0x7], $0x6000, $0x38;
	[tilespmem:$0x1EC00] =	vst v63  }
0x3ea: {  	_ =	swait.ge [sflag:s19], $0x6000  }
0x3eb: {  	[sflag:s19] =	ssyncset.done $0x0  }
0x3ec: {  	[sflag:s19] =	ssyncadd.s32 $0xFFFFA000  }
0x3ed: {  	v6 =	vld [tilespmem:$0xAA0];
	_ =	sdelay $0x4  }
0x3ee: {  	v7 =	vshrl.u32 v6, $0x3  }
0x3ef: {  	v7 =	vmul.u32 $0x30, v7  }
0x3f0: {  	v6 =	vand.u32 $0x7, v6  }
0x3f1: {  	v6 =	vor.u32 v6, v7  }
0x3f2: {  	v7 =	vperm.xlane v6, v1;
	_ =	sdelay $0x1  }
0x3f3: {  	v7 =	vadd.s32 v4, v7;
	_ =	sdelay $0x3  }
0x3f4: {  	v6 =	vperm.xlane v6, v5  }
0x3f5: {  	[tilespmem:s7], [sflag:$0x2] =	stream.indirect_vreg.gather [hbm4b:s0+s3], $0x80, v7, vm0, $0xb8;
	[tilespmem:$0x1EC00] =	vst v63  }
0x3f6: {  	s12 =	simm.s32 $0x7400;
	v6 =	vadd.s32 v4, v6  }
0x3f7: {  	[tilespmem:s12], [sflag:$0x2] =	stream.indirect_vreg.gather [hbm4b:s10+s3], $0x80, v7, vm0, $0xb8;
	[tilespmem:$0x1EC00] =	vst v63  }
0x3f8: {  	s12 =	simm.s32 $0x7C00  }
0x3f9: {  	[tilespmem:s12], [sflag:$0x2] =	stream.indirect_vreg.gather [hbm4b:s11+s3], $0x80, v7, vm0, $0xb8;
	[tilespmem:$0x1EC00] =	vst v63  }
0x3fa: {  	s20 =	simm.s32 $0x8400  }
0x3fb: {  	[tilespmem:s20], [sflag:$0x2] =	stream.indirect_vreg.gather [hbm4b:s0+s3], $0x80, v6, vm0, $0xb8;
	[tilespmem:$0x1EC00] =	vst v63  }
0x3fc: {  	s26 =	simm.s32 $0x8C00  }
0x3fd: {  	[tilespmem:s26], [sflag:$0x2] =	stream.indirect_vreg.gather [hbm4b:s10+s3], $0x80, v6, vm0, $0xb8;
	[tilespmem:$0x1EC00] =	vst v63  }
0x3fe: {  	s26 =	simm.s32 $0x9400  }
0x3ff: {  	[tilespmem:s26], [sflag:$0x2] =	stream.indirect_vreg.gather [hbm4b:s11+s3], $0x80, v6, vm0, $0xb8;
	[tilespmem:$0x1EC00] =	vst v63  }
0x400: {  	v6 =	vld [tilespmem:$0xAB0];
	_ =	sdelay $0x4  }
0x401: {  	v7 =	vshrl.u32 v6, $0x3  }
0x402: {  	v7 =	vmul.u32 $0x30, v7  }
0x403: {  	v6 =	vand.u32 $0x7, v6  }
0x404: {  	v6 =	vor.u32 v6, v7  }
0x405: {  	v7 =	vperm.xlane v6, v1;
	_ =	sdelay $0x1  }
0x406: {  	v7 =	vadd.s32 v4, v7;
	_ =	sdelay $0x3  }
0x407: {  	v6 =	vperm.xlane v6, v5  }
0x408: {  	[tilespmem:s2], [sflag:$0x2] =	stream.indirect_vreg.gather [hbm4b:s0+s3], $0x80, v7, vm0, $0xb8;
	[tilespmem:$0x1EC00] =	vst v63  }
0x409: {  	s6 =	simm.s32 $0xA400;
	v6 =	vadd.s32 v4, v6  }
0x40a: {  	[tilespmem:s6], [sflag:$0x2] =	stream.indirect_vreg.gather [hbm4b:s10+s3], $0x80, v7, vm0, $0xb8;
	[tilespmem:$0x1EC00] =	vst v63  }
0x40b: {  	s29 =	simm.s32 $0xAC00  }
0x40c: {  	[tilespmem:s29], [sflag:$0x2] =	stream.indirect_vreg.gather [hbm4b:s11+s3], $0x80, v7, vm0, $0xb8;
	[tilespmem:$0x1EC00] =	vst v63  }
0x40d: {  	s20 =	simm.s32 $0xB400  }
0x40e: {  	[tilespmem:s20], [sflag:$0x2] =	stream.indirect_vreg.gather [hbm4b:s0+s3], $0x80, v6, vm0, $0xb8;
	[tilespmem:$0x1EC00] =	vst v63  }
0x40f: {  	s20 =	simm.s32 $0xBC00  }
0x410: {  	[tilespmem:s20], [sflag:$0x2] =	stream.indirect_vreg.gather [hbm4b:s10+s3], $0x80, v6, vm0, $0xb8;
	[tilespmem:$0x1EC00] =	vst v63  }
0x411: {  	s29 =	simm.s32 $0xC400  }
0x412: {  	[tilespmem:s29], [sflag:$0x2] =	stream.indirect_vreg.gather [hbm4b:s11+s3], $0x80, v6, vm0, $0xb8;
	[tilespmem:$0x1EC00] =	vst v63  }
0x413: {  	_ =	swait.ge [sflag:s21], $0x6000  }
0x414: {  	[sflag:s21] =	ssyncset.done $0x0  }
0x415: {  	s8 =	simm.s32 $0xCC00;
	s2 =	rddreg [dreg:$0x18];
	[sflag:s21] =	ssyncadd.s32 $0xFFFFA000  }
0x416: {  	[hbm4b:s2+s3] =	stream.linear.scatter [tilespmem:s8], [sflag:$0x8], $0x6000, $0x38;
	[tilespmem:$0x1EC00] =	vst v63  }
0x417: {  	_ =	swait.ge [sflag:s22], $0x6000  }
0x418: {  	[sflag:s22] =	ssyncset.done $0x0  }
0x419: {  	[sflag:s22] =	ssyncadd.s32 $0xFFFFA000  }
0x41a: {  	v6 =	vld [tilespmem:$0xAC0];
	_ =	sdelay $0x4  }
0x41b: {  	v7 =	vshrl.u32 v6, $0x3  }
0x41c: {  	v7 =	vmul.u32 $0x30, v7  }
0x41d: {  	v6 =	vand.u32 $0x7, v6  }
0x41e: {  	v6 =	vor.u32 v6, v7  }
0x41f: {  	v7 =	vperm.xlane v6, v1;
	_ =	sdelay $0x1  }
0x420: {  	v7 =	vadd.s32 v4, v7;
	_ =	sdelay $0x3  }
0x421: {  	v6 =	vperm.xlane v6, v5  }
0x422: {  	[tilespmem:s8], [sflag:$0x3] =	stream.indirect_vreg.gather [hbm4b:s0+s3], $0x80, v7, vm0, $0xb8;
	[tilespmem:$0x1EC00] =	vst v63  }
0x423: {  	s29 =	simm.s32 $0xD400;
	v6 =	vadd.s32 v4, v6  }
0x424: {  	[tilespmem:s29], [sflag:$0x3] =	stream.indirect_vreg.gather [hbm4b:s10+s3], $0x80, v7, vm0, $0xb8;
	[tilespmem:$0x1EC00] =	vst v63  }
0x425: {  	s8 =	simm.s32 $0xDC00  }
0x426: {  	[tilespmem:s8], [sflag:$0x3] =	stream.indirect_vreg.gather [hbm4b:s11+s3], $0x80, v7, vm0, $0xb8;
	[tilespmem:$0x1EC00] =	vst v63  }
0x427: {  	s29 =	simm.s32 $0xE400  }
0x428: {  	[tilespmem:s29], [sflag:$0x3] =	stream.indirect_vreg.gather [hbm4b:s0+s3], $0x80, v6, vm0, $0xb8;
	[tilespmem:$0x1EC00] =	vst v63  }
0x429: {  	s8 =	simm.s32 $0xEC00  }
0x42a: {  	[tilespmem:s8], [sflag:$0x3] =	stream.indirect_vreg.gather [hbm4b:s10+s3], $0x80, v6, vm0, $0xb8;
	[tilespmem:$0x1EC00] =	vst v63  }
0x42b: {  	s29 =	simm.s32 $0xF400  }
0x42c: {  	[tilespmem:s29], [sflag:$0x3] =	stream.indirect_vreg.gather [hbm4b:s11+s3], $0x80, v6, vm0, $0xb8;
	[tilespmem:$0x1EC00] =	vst v63  }
0x42d: {  	v6 =	vld [tilespmem:$0xAD0];
	_ =	sdelay $0x4  }
0x42e: {  	v7 =	vshrl.u32 v6, $0x3  }
0x42f: {  	v7 =	vmul.u32 $0x30, v7  }
0x430: {  	v6 =	vand.u32 $0x7, v6  }
0x431: {  	v6 =	vor.u32 v6, v7  }
0x432: {  	v7 =	vperm.xlane v6, v1;
	_ =	sdelay $0x1  }
0x433: {  	v7 =	vadd.s32 v4, v7;
	_ =	sdelay $0x3  }
0x434: {  	s8 =	simm.s32 $0xFC00;
	v6 =	vperm.xlane v6, v5  }
0x435: {  	[tilespmem:s8], [sflag:$0x3] =	stream.indirect_vreg.gather [hbm4b:s0+s3], $0x80, v7, vm0, $0xb8;
	[tilespmem:$0x1EC00] =	vst v63  }
0x436: {  	s29 =	simm.s32 $0x10400;
	v6 =	vadd.s32 v4, v6  }
0x437: {  	[tilespmem:s29], [sflag:$0x3] =	stream.indirect_vreg.gather [hbm4b:s10+s3], $0x80, v7, vm0, $0xb8;
	[tilespmem:$0x1EC00] =	vst v63  }
0x438: {  	s8 =	simm.s32 $0x10C00  }
0x439: {  	[tilespmem:s8], [sflag:$0x3] =	stream.indirect_vreg.gather [hbm4b:s11+s3], $0x80, v7, vm0, $0xb8;
	[tilespmem:$0x1EC00] =	vst v63  }
0x43a: {  	s29 =	simm.s32 $0x11400  }
0x43b: {  	[tilespmem:s29], [sflag:$0x3] =	stream.indirect_vreg.gather [hbm4b:s0+s3], $0x80, v6, vm0, $0xb8;
	[tilespmem:$0x1EC00] =	vst v63  }
0x43c: {  	s8 =	simm.s32 $0x11C00  }
0x43d: {  	[tilespmem:s8], [sflag:$0x3] =	stream.indirect_vreg.gather [hbm4b:s10+s3], $0x80, v6, vm0, $0xb8;
	[tilespmem:$0x1EC00] =	vst v63  }
0x43e: {  	s29 =	simm.s32 $0x12400  }
0x43f: {  	[tilespmem:s29], [sflag:$0x3] =	stream.indirect_vreg.gather [hbm4b:s11+s3], $0x80, v6, vm0, $0xb8;
	[tilespmem:$0x1EC00] =	vst v63  }
0x440: {  	_ =	swait.ge [sflag:s23], $0x6000  }
0x441: {  	[sflag:s23] =	ssyncset.done $0x0  }
0x442: {  	s9 =	simm.s32 $0x12C00;
	s2 =	rddreg [dreg:$0x19];
	[sflag:s23] =	ssyncadd.s32 $0xFFFFA000  }
0x443: {  	[hbm4b:s2+s3] =	stream.linear.scatter [tilespmem:s9], [sflag:$0x9], $0x6000, $0x38;
	[tilespmem:$0x1EC00] =	vst v63  }
0x444: {  	_ =	swait.ge [sflag:s24], $0x6000  }
0x445: {  	[sflag:s24] =	ssyncset.done $0x0  }
0x446: {  	[sflag:s24] =	ssyncadd.s32 $0xFFFFA000  }
0x447: {  	v6 =	vld [tilespmem:$0xAE0];
	_ =	sdelay $0x4  }
0x448: {  	v7 =	vshrl.u32 v6, $0x3  }
0x449: {  	v7 =	vmul.u32 $0x30, v7  }
0x44a: {  	v6 =	vand.u32 $0x7, v6  }
0x44b: {  	v6 =	vor.u32 v6, v7  }
0x44c: {  	v7 =	vperm.xlane v6, v1;
	_ =	sdelay $0x1  }
0x44d: {  	v7 =	vadd.s32 v4, v7;
	_ =	sdelay $0x3  }
0x44e: {  	v6 =	vperm.xlane v6, v5  }
0x44f: {  	[tilespmem:s9], [sflag:$0x4] =	stream.indirect_vreg.gather [hbm4b:s0+s3], $0x80, v7, vm0, $0xb8;
	[tilespmem:$0x1EC00] =	vst v63  }
0x450: {  	s8 =	simm.s32 $0x13400;
	v6 =	vadd.s32 v4, v6  }
0x451: {  	[tilespmem:s8], [sflag:$0x4] =	stream.indirect_vreg.gather [hbm4b:s10+s3], $0x80, v7, vm0, $0xb8;
	[tilespmem:$0x1EC00] =	vst v63  }
0x452: {  	s9 =	simm.s32 $0x13C00  }
0x453: {  	[tilespmem:s9], [sflag:$0x4] =	stream.indirect_vreg.gather [hbm4b:s11+s3], $0x80, v7, vm0, $0xb8;
	[tilespmem:$0x1EC00] =	vst v63  }
0x454: {  	s29 =	simm.s32 $0x14400  }
0x455: {  	[tilespmem:s29], [sflag:$0x4] =	stream.indirect_vreg.gather [hbm4b:s0+s3], $0x80, v6, vm0, $0xb8;
	[tilespmem:$0x1EC00] =	vst v63  }
0x456: {  	s8 =	simm.s32 $0x14C00  }
0x457: {  	[tilespmem:s8], [sflag:$0x4] =	stream.indirect_vreg.gather [hbm4b:s10+s3], $0x80, v6, vm0, $0xb8;
	[tilespmem:$0x1EC00] =	vst v63  }
0x458: {  	s9 =	simm.s32 $0x15400  }
0x459: {  	[tilespmem:s9], [sflag:$0x4] =	stream.indirect_vreg.gather [hbm4b:s11+s3], $0x80, v6, vm0, $0xb8;
	[tilespmem:$0x1EC00] =	vst v63  }
0x45a: {  	v6 =	vld [tilespmem:$0xAF0];
	_ =	sdelay $0x4  }
0x45b: {  	v7 =	vshrl.u32 v6, $0x3  }
0x45c: {  	v7 =	vmul.u32 $0x30, v7  }
0x45d: {  	v6 =	vand.u32 $0x7, v6  }
0x45e: {  	v6 =	vor.u32 v6, v7  }
0x45f: {  	v7 =	vperm.xlane v6, v1;
	_ =	sdelay $0x1  }
0x460: {  	v7 =	vadd.s32 v4, v7;
	_ =	sdelay $0x3  }
0x461: {  	s29 =	simm.s32 $0x15C00;
	v6 =	vperm.xlane v6, v5  }
0x462: {  	[tilespmem:s29], [sflag:$0x4] =	stream.indirect_vreg.gather [hbm4b:s0+s3], $0x80, v7, vm0, $0xb8;
	[tilespmem:$0x1EC00] =	vst v63  }
0x463: {  	s8 =	simm.s32 $0x16400;
	v6 =	vadd.s32 v4, v6  }
0x464: {  	[tilespmem:s8], [sflag:$0x4] =	stream.indirect_vreg.gather [hbm4b:s10+s3], $0x80, v7, vm0, $0xb8;
	[tilespmem:$0x1EC00] =	vst v63  }
0x465: {  	s9 =	simm.s32 $0x16C00  }
0x466: {  	[tilespmem:s9], [sflag:$0x4] =	stream.indirect_vreg.gather [hbm4b:s11+s3], $0x80, v7, vm0, $0xb8;
	[tilespmem:$0x1EC00] =	vst v63  }
0x467: {  	_ = 	snop  }
0x468: {  	[tilespmem:s15], [sflag:$0x4] =	stream.indirect_vreg.gather [hbm4b:s0+s3], $0x80, v6, vm0, $0xb8;
	[tilespmem:$0x1EC00] =	vst v63  }
0x469: {  	s15 =	simm.s32 $0x17C00  }
0x46a: {  	[tilespmem:s15], [sflag:$0x4] =	stream.indirect_vreg.gather [hbm4b:s10+s3], $0x80, v6, vm0, $0xb8;
	[tilespmem:$0x1EC00] =	vst v63  }
0x46b: {  	s29 =	simm.s32 $0x18400  }
0x46c: {  	[tilespmem:s29], [sflag:$0x4] =	stream.indirect_vreg.gather [hbm4b:s11+s3], $0x80, v6, vm0, $0xb8;
	[tilespmem:$0x1EC00] =	vst v63  }
0x46d: {  	_ =	swait.ge [sflag:s25], $0x6000  }
0x46e: {  	[sflag:s25] =	ssyncset.done $0x0  }
0x46f: {  	s4 =	simm.s32 $0x18C00;
	s8 =	rddreg [dreg:$0x1a];
	[sflag:s25] =	ssyncadd.s32 $0xFFFFA000  }
0x470: {  	[hbm4b:s8+s3] =	stream.linear.scatter [tilespmem:s4], [sflag:$0xA], $0x6000, $0x38;
	[tilespmem:$0x1EC00] =	vst v63  }
0x471: {  	_ =	swait.ge [sflag:s5], $0x6000  }
0x472: {  	[sflag:s5] =	ssyncset.done $0x0  }
0x473: {  	[sflag:s5] =	ssyncadd.s32 $0xFFFFA000  }
0x474: {  	v6 =	vld [tilespmem:$0xB00];
	_ =	sdelay $0x4  }
0x475: {  	v7 =	vshrl.u32 v6, $0x3  }
0x476: {  	v7 =	vmul.u32 $0x30, v7  }
0x477: {  	v6 =	vand.u32 $0x7, v6  }
0x478: {  	v6 =	vor.u32 v6, v7  }
0x479: {  	v7 =	vperm.xlane v6, v1;
	_ =	sdelay $0x1  }
0x47a: {  	v7 =	vadd.s32 v4, v7;
	_ =	sdelay $0x3  }
0x47b: {  	v6 =	vperm.xlane v6, v5  }
0x47c: {  	[tilespmem:s4], [sflag:$0x5] =	stream.indirect_vreg.gather [hbm4b:s0+s3], $0x80, v7, vm0, $0xb8;
	[tilespmem:$0x1EC00] =	vst v63  }
0x47d: {  	s9 =	simm.s32 $0x19400;
	v6 =	vadd.s32 v4, v6  }
0x47e: {  	[tilespmem:s9], [sflag:$0x5] =	stream.indirect_vreg.gather [hbm4b:s10+s3], $0x80, v7, vm0, $0xb8;
	[tilespmem:$0x1EC00] =	vst v63  }
0x47f: {  	s15 =	simm.s32 $0x19C00  }
0x480: {  	[tilespmem:s15], [sflag:$0x5] =	stream.indirect_vreg.gather [hbm4b:s11+s3], $0x80, v7, vm0, $0xb8;
	[tilespmem:$0x1EC00] =	vst v63  }
0x481: {  	_ = 	snop  }
0x482: {  	[tilespmem:s28], [sflag:$0x5] =	stream.indirect_vreg.gather [hbm4b:s0+s3], $0x80, v6, vm0, $0xb8;
	[tilespmem:$0x1EC00] =	vst v63  }
0x483: {  	_ = 	snop  }
0x484: {  	[tilespmem:s30], [sflag:$0x5] =	stream.indirect_vreg.gather [hbm4b:s10+s3], $0x80, v6, vm0, $0xb8;
	[tilespmem:$0x1EC00] =	vst v63  }
0x485: {  	s29 =	simm.s32 $0x1B400  }
0x486: {  	[tilespmem:s29], [sflag:$0x5] =	stream.indirect_vreg.gather [hbm4b:s11+s3], $0x80, v6, vm0, $0xb8;
	[tilespmem:$0x1EC00] =	vst v63  }
0x487: {  	v6 =	vld [tilespmem:$0xB10];
	_ =	sdelay $0x4  }
0x488: {  	v7 =	vshrl.u32 v6, $0x3  }
0x489: {  	v7 =	vmul.u32 $0x30, v7  }
0x48a: {  	v6 =	vand.u32 $0x7, v6  }
0x48b: {  	v6 =	vor.u32 v6, v7  }
0x48c: {  	v7 =	vperm.xlane v6, v1;
	_ =	sdelay $0x1  }
0x48d: {  	v7 =	vadd.s32 v4, v7;
	_ =	sdelay $0x3  }
0x48e: {  	s30 =	simm.s32 $0x1BC00;
	v6 =	vperm.xlane v6, v5  }
0x48f: {  	[tilespmem:s30], [sflag:$0x5] =	stream.indirect_vreg.gather [hbm4b:s0+s3], $0x80, v7, vm0, $0xb8;
	[tilespmem:$0x1EC00] =	vst v63  }
0x490: {  	s4 =	simm.s32 $0x1C400;
	v6 =	vadd.s32 v4, v6  }
0x491: {  	[tilespmem:s4], [sflag:$0x5] =	stream.indirect_vreg.gather [hbm4b:s10+s3], $0x80, v7, vm0, $0xb8;
	[tilespmem:$0x1EC00] =	vst v63  }
0x492: {  	_ = 	snop  }
0x493: {  	[tilespmem:s31], [sflag:$0x5] =	stream.indirect_vreg.gather [hbm4b:s11+s3], $0x80, v7, vm0, $0xb8;
	[tilespmem:$0x1EC00] =	vst v63  }
0x494: {  	s8 =	simm.s32 $0x1D400  }
0x495: {  	[tilespmem:s8], [sflag:$0x5] =	stream.indirect_vreg.gather [hbm4b:s0+s3], $0x80, v6, vm0, $0xb8;
	[tilespmem:$0x1EC00] =	vst v63  }
0x496: {  	s15 =	simm.s32 $0x1DC00  }
0x497: {  	[tilespmem:s15], [sflag:$0x5] =	stream.indirect_vreg.gather [hbm4b:s10+s3], $0x80, v6, vm0, $0xb8;
	[tilespmem:$0x1EC00] =	vst v63  }
0x498: {  	s29 =	simm.s32 $0x1E400  }
0x499: {  	[tilespmem:s29], [sflag:$0x5] =	stream.indirect_vreg.gather [hbm4b:s11+s3], $0x80, v6, vm0, $0xb8;
	[tilespmem:$0x1EC00] =	vst v63  }
0x49a: {  	_ =	swait.ge [sflag:s16], $0x6000  }
0x49b: {  	[sflag:s16] =	ssyncset.done $0x0  }
0x49c: {  	s1 =	simm.s32 $0xC00;
	s8 =	rddreg [dreg:$0x1b];
	[sflag:s16] =	ssyncadd.s32 $0xFFFFA000  }
0x49d: {  	[hbm4b:s8+s3] =	stream.linear.scatter [tilespmem:s1], [sflag:$0x6], $0x6000, $0x38;
	[tilespmem:$0x1EC00] =	vst v63  }
0x49e: {  	_ =	swait.ge [sflag:s17], $0x6000  }
0x49f: {  	[sflag:s17] =	ssyncset.done $0x0  }
0x4a0: {  	[sflag:s17] =	ssyncadd.s32 $0xFFFFA000  }
0x4a1: {  	v6 =	vld [tilespmem:$0xB20];
	_ =	sdelay $0x4  }
0x4a2: {  	v7 =	vshrl.u32 v6, $0x3  }
0x4a3: {  	v7 =	vmul.u32 $0x30, v7  }
0x4a4: {  	v6 =	vand.u32 $0x7, v6  }
0x4a5: {  	v6 =	vor.u32 v6, v7  }
0x4a6: {  	v7 =	vperm.xlane v6, v1;
	_ =	sdelay $0x1  }
0x4a7: {  	v7 =	vadd.s32 v4, v7;
	_ =	sdelay $0x3  }
0x4a8: {  	v6 =	vperm.xlane v6, v5  }
0x4a9: {  	[tilespmem:s1], [sflag:$0x1] =	stream.indirect_vreg.gather [hbm4b:s0+s3], $0x80, v7, vm0, $0xb8;
	[tilespmem:$0x1EC00] =	vst v63  }
0x4aa: {  	s15 =	simm.s32 $0x1400;
	v6 =	vadd.s32 v4, v6  }
0x4ab: {  	[tilespmem:s15], [sflag:$0x1] =	stream.indirect_vreg.gather [hbm4b:s10+s3], $0x80, v7, vm0, $0xb8;
	[tilespmem:$0x1EC00] =	vst v63  }
0x4ac: {  	s29 =	simm.s32 $0x1C00  }
0x4ad: {  	[tilespmem:s29], [sflag:$0x1] =	stream.indirect_vreg.gather [hbm4b:s11+s3], $0x80, v7, vm0, $0xb8;
	[tilespmem:$0x1EC00] =	vst v63  }
0x4ae: {  	s2 =	simm.s32 $0x2400  }
0x4af: {  	[tilespmem:s2], [sflag:$0x1] =	stream.indirect_vreg.gather [hbm4b:s0+s3], $0x80, v6, vm0, $0xb8;
	[tilespmem:$0x1EC00] =	vst v63  }
0x4b0: {  	s8 =	simm.s32 $0x2C00  }
0x4b1: {  	[tilespmem:s8], [sflag:$0x1] =	stream.indirect_vreg.gather [hbm4b:s10+s3], $0x80, v6, vm0, $0xb8;
	[tilespmem:$0x1EC00] =	vst v63  }
0x4b2: {  	_ = 	snop  }
0x4b3: {  	[tilespmem:s14], [sflag:$0x1] =	stream.indirect_vreg.gather [hbm4b:s11+s3], $0x80, v6, vm0, $0xb8;
	[tilespmem:$0x1EC00] =	vst v63  }
0x4b4: {  	v6 =	vld [tilespmem:$0xB30];
	_ =	sdelay $0x4  }
0x4b5: {  	v7 =	vshrl.u32 v6, $0x3  }
0x4b6: {  	v7 =	vmul.u32 $0x30, v7  }
0x4b7: {  	v6 =	vand.u32 $0x7, v6  }
0x4b8: {  	v6 =	vor.u32 v6, v7  }
0x4b9: {  	v7 =	vperm.xlane v6, v1;
	_ =	sdelay $0x1  }
0x4ba: {  	v7 =	vadd.s32 v4, v7;
	_ =	sdelay $0x3  }
0x4bb: {  	s14 =	simm.s32 $0x3C00;
	v6 =	vperm.xlane v6, v5  }
0x4bc: {  	[tilespmem:s14], [sflag:$0x1] =	stream.indirect_vreg.gather [hbm4b:s0+s3], $0x80, v7, vm0, $0xb8;
	[tilespmem:$0x1EC00] =	vst v63  }
0x4bd: {  	s15 =	simm.s32 $0x4400;
	v6 =	vadd.s32 v4, v6  }
0x4be: {  	[tilespmem:s15], [sflag:$0x1] =	stream.indirect_vreg.gather [hbm4b:s10+s3], $0x80, v7, vm0, $0xb8;
	[tilespmem:$0x1EC00] =	vst v63  }
0x4bf: {  	s29 =	simm.s32 $0x4C00  }
0x4c0: {  	[tilespmem:s29], [sflag:$0x1] =	stream.indirect_vreg.gather [hbm4b:s11+s3], $0x80, v7, vm0, $0xb8;
	[tilespmem:$0x1EC00] =	vst v63  }
0x4c1: {  	s2 =	simm.s32 $0x5400  }
0x4c2: {  	[tilespmem:s2], [sflag:$0x1] =	stream.indirect_vreg.gather [hbm4b:s0+s3], $0x80, v6, vm0, $0xb8;
	[tilespmem:$0x1EC00] =	vst v63  }
0x4c3: {  	s8 =	simm.s32 $0x5C00  }
0x4c4: {  	[tilespmem:s8], [sflag:$0x1] =	stream.indirect_vreg.gather [hbm4b:s10+s3], $0x80, v6, vm0, $0xb8;
	[tilespmem:$0x1EC00] =	vst v63  }
0x4c5: {  	s14 =	simm.s32 $0x6400  }
0x4c6: {  	[tilespmem:s14], [sflag:$0x1] =	stream.indirect_vreg.gather [hbm4b:s11+s3], $0x80, v6, vm0, $0xb8;
	[tilespmem:$0x1EC00] =	vst v63  }
0x4c7: {  	_ =	swait.ge [sflag:s18], $0x6000  }
0x4c8: {  	[sflag:s18] =	ssyncset.done $0x0  }
0x4c9: {  	s7 =	simm.s32 $0x6C00;
	s15 =	rddreg [dreg:$0x1c];
	[sflag:s18] =	ssyncadd.s32 $0xFFFFA000  }
0x4ca: {  	[hbm4b:s15+s3] =	stream.linear.scatter [tilespmem:s7], [sflag:$0x7], $0x6000, $0x38;
	[tilespmem:$0x1EC00] =	vst v63  }
0x4cb: {  	_ =	swait.ge [sflag:s19], $0x6000  }
0x4cc: {  	[sflag:s19] =	ssyncset.done $0x0  }
0x4cd: {  	[sflag:s19] =	ssyncadd.s32 $0xFFFFA000  }
0x4ce: {  	v6 =	vld [tilespmem:$0xB40];
	_ =	sdelay $0x4  }
0x4cf: {  	v7 =	vshrl.u32 v6, $0x3  }
0x4d0: {  	v7 =	vmul.u32 $0x30, v7  }
0x4d1: {  	v6 =	vand.u32 $0x7, v6  }
0x4d2: {  	v6 =	vor.u32 v6, v7  }
0x4d3: {  	v7 =	vperm.xlane v6, v1;
	_ =	sdelay $0x1  }
0x4d4: {  	v7 =	vadd.s32 v4, v7;
	_ =	sdelay $0x3  }
0x4d5: {  	v6 =	vperm.xlane v6, v5  }
0x4d6: {  	[tilespmem:s7], [sflag:$0x2] =	stream.indirect_vreg.gather [hbm4b:s0+s3], $0x80, v7, vm0, $0xb8;
	[tilespmem:$0x1EC00] =	vst v63  }
0x4d7: {  	s29 =	simm.s32 $0x7400;
	v6 =	vadd.s32 v4, v6  }
0x4d8: {  	[tilespmem:s29], [sflag:$0x2] =	stream.indirect_vreg.gather [hbm4b:s10+s3], $0x80, v7, vm0, $0xb8;
	[tilespmem:$0x1EC00] =	vst v63  }
0x4d9: {  	_ = 	snop  }
0x4da: {  	[tilespmem:s12], [sflag:$0x2] =	stream.indirect_vreg.gather [hbm4b:s11+s3], $0x80, v7, vm0, $0xb8;
	[tilespmem:$0x1EC00] =	vst v63  }
0x4db: {  	s2 =	simm.s32 $0x8400  }
0x4dc: {  	[tilespmem:s2], [sflag:$0x2] =	stream.indirect_vreg.gather [hbm4b:s0+s3], $0x80, v6, vm0, $0xb8;
	[tilespmem:$0x1EC00] =	vst v63  }
0x4dd: {  	s7 =	simm.s32 $0x8C00  }
0x4de: {  	[tilespmem:s7], [sflag:$0x2] =	stream.indirect_vreg.gather [hbm4b:s10+s3], $0x80, v6, vm0, $0xb8;
	[tilespmem:$0x1EC00] =	vst v63  }
0x4df: {  	_ = 	snop  }
0x4e0: {  	[tilespmem:s26], [sflag:$0x2] =	stream.indirect_vreg.gather [hbm4b:s11+s3], $0x80, v6, vm0, $0xb8;
	[tilespmem:$0x1EC00] =	vst v63  }
0x4e1: {  	v6 =	vld [tilespmem:$0xB50];
	_ =	sdelay $0x4  }
0x4e2: {  	v7 =	vshrl.u32 v6, $0x3  }
0x4e3: {  	v7 =	vmul.u32 $0x30, v7  }
0x4e4: {  	v6 =	vand.u32 $0x7, v6  }
0x4e5: {  	v6 =	vor.u32 v6, v7  }
0x4e6: {  	v7 =	vperm.xlane v6, v1;
	_ =	sdelay $0x1  }
0x4e7: {  	v7 =	vadd.s32 v4, v7;
	_ =	sdelay $0x3  }
0x4e8: {  	s12 =	simm.s32 $0x9C00;
	v6 =	vperm.xlane v6, v5  }
0x4e9: {  	[tilespmem:s12], [sflag:$0x2] =	stream.indirect_vreg.gather [hbm4b:s0+s3], $0x80, v7, vm0, $0xb8;
	[tilespmem:$0x1EC00] =	vst v63  }
0x4ea: {  	v6 =	vadd.s32 v4, v6  }
0x4eb: {  	[tilespmem:s6], [sflag:$0x2] =	stream.indirect_vreg.gather [hbm4b:s10+s3], $0x80, v7, vm0, $0xb8;
	[tilespmem:$0x1EC00] =	vst v63  }
0x4ec: {  	s14 =	simm.s32 $0xAC00  }
0x4ed: {  	[tilespmem:s14], [sflag:$0x2] =	stream.indirect_vreg.gather [hbm4b:s11+s3], $0x80, v7, vm0, $0xb8;
	[tilespmem:$0x1EC00] =	vst v63  }
0x4ee: {  	s15 =	simm.s32 $0xB400  }
0x4ef: {  	[tilespmem:s15], [sflag:$0x2] =	stream.indirect_vreg.gather [hbm4b:s0+s3], $0x80, v6, vm0, $0xb8;
	[tilespmem:$0x1EC00] =	vst v63  }
0x4f0: {  	_ = 	snop  }
0x4f1: {  	[tilespmem:s20], [sflag:$0x2] =	stream.indirect_vreg.gather [hbm4b:s10+s3], $0x80, v6, vm0, $0xb8;
	[tilespmem:$0x1EC00] =	vst v63  }
0x4f2: {  	s29 =	simm.s32 $0xC400  }
0x4f3: {  	[tilespmem:s29], [sflag:$0x2] =	stream.indirect_vreg.gather [hbm4b:s11+s3], $0x80, v6, vm0, $0xb8;
	[tilespmem:$0x1EC00] =	vst v63  }
0x4f4: {  	_ =	swait.ge [sflag:s21], $0x6000  }
0x4f5: {  	[sflag:s21] =	ssyncset.done $0x0  }
0x4f6: {  	s12 =	simm.s32 $0xCC00;
	s2 =	rddreg [dreg:$0x1d];
	[sflag:s21] =	ssyncadd.s32 $0xFFFFA000  }
0x4f7: {  	[hbm4b:s2+s3] =	stream.linear.scatter [tilespmem:s12], [sflag:$0x8], $0x6000, $0x38;
	[tilespmem:$0x1EC00] =	vst v63  }
0x4f8: {  	_ =	swait.ge [sflag:s22], $0x6000  }
0x4f9: {  	[sflag:s22] =	ssyncset.done $0x0  }
0x4fa: {  	[sflag:s22] =	ssyncadd.s32 $0xFFFFA000  }
0x4fb: {  	v6 =	vld [tilespmem:$0xB60];
	_ =	sdelay $0x4  }
0x4fc: {  	v7 =	vshrl.u32 v6, $0x3  }
0x4fd: {  	v7 =	vmul.u32 $0x30, v7  }
0x4fe: {  	v6 =	vand.u32 $0x7, v6  }
0x4ff: {  	v6 =	vor.u32 v6, v7  }
0x500: {  	v7 =	vperm.xlane v6, v1;
	_ =	sdelay $0x1  }
0x501: {  	v7 =	vadd.s32 v4, v7;
	_ =	sdelay $0x3  }
0x502: {  	v6 =	vperm.xlane v6, v5  }
0x503: {  	[tilespmem:s12], [sflag:$0x3] =	stream.indirect_vreg.gather [hbm4b:s0+s3], $0x80, v7, vm0, $0xb8;
	[tilespmem:$0x1EC00] =	vst v63  }
0x504: {  	s14 =	simm.s32 $0xD400;
	v6 =	vadd.s32 v4, v6  }
0x505: {  	[tilespmem:s14], [sflag:$0x3] =	stream.indirect_vreg.gather [hbm4b:s10+s3], $0x80, v7, vm0, $0xb8;
	[tilespmem:$0x1EC00] =	vst v63  }
0x506: {  	s29 =	simm.s32 $0xDC00  }
0x507: {  	[tilespmem:s29], [sflag:$0x3] =	stream.indirect_vreg.gather [hbm4b:s11+s3], $0x80, v7, vm0, $0xb8;
	[tilespmem:$0x1EC00] =	vst v63  }
0x508: {  	s12 =	simm.s32 $0xE400  }
0x509: {  	[tilespmem:s12], [sflag:$0x3] =	stream.indirect_vreg.gather [hbm4b:s0+s3], $0x80, v6, vm0, $0xb8;
	[tilespmem:$0x1EC00] =	vst v63  }
0x50a: {  	s14 =	simm.s32 $0xEC00  }
0x50b: {  	[tilespmem:s14], [sflag:$0x3] =	stream.indirect_vreg.gather [hbm4b:s10+s3], $0x80, v6, vm0, $0xb8;
	[tilespmem:$0x1EC00] =	vst v63  }
0x50c: {  	s29 =	simm.s32 $0xF400  }
0x50d: {  	[tilespmem:s29], [sflag:$0x3] =	stream.indirect_vreg.gather [hbm4b:s11+s3], $0x80, v6, vm0, $0xb8;
	[tilespmem:$0x1EC00] =	vst v63  }
0x50e: {  	v6 =	vld [tilespmem:$0xB70];
	_ =	sdelay $0x4  }
0x50f: {  	v7 =	vshrl.u32 v6, $0x3  }
0x510: {  	v7 =	vmul.u32 $0x30, v7  }
0x511: {  	v6 =	vand.u32 $0x7, v6  }
0x512: {  	v6 =	vor.u32 v6, v7  }
0x513: {  	v7 =	vperm.xlane v6, v1;
	_ =	sdelay $0x1  }
0x514: {  	v7 =	vadd.s32 v4, v7;
	_ =	sdelay $0x3  }
0x515: {  	s12 =	simm.s32 $0xFC00;
	v6 =	vperm.xlane v6, v5  }
0x516: {  	[tilespmem:s12], [sflag:$0x3] =	stream.indirect_vreg.gather [hbm4b:s0+s3], $0x80, v7, vm0, $0xb8;
	[tilespmem:$0x1EC00] =	vst v63  }
0x517: {  	s14 =	simm.s32 $0x10400;
	v6 =	vadd.s32 v4, v6  }
0x518: {  	[tilespmem:s14], [sflag:$0x3] =	stream.indirect_vreg.gather [hbm4b:s10+s3], $0x80, v7, vm0, $0xb8;
	[tilespmem:$0x1EC00] =	vst v63  }
0x519: {  	s29 =	simm.s32 $0x10C00  }
0x51a: {  	[tilespmem:s29], [sflag:$0x3] =	stream.indirect_vreg.gather [hbm4b:s11+s3], $0x80, v7, vm0, $0xb8;
	[tilespmem:$0x1EC00] =	vst v63  }
0x51b: {  	s12 =	simm.s32 $0x11400  }
0x51c: {  	[tilespmem:s12], [sflag:$0x3] =	stream.indirect_vreg.gather [hbm4b:s0+s3], $0x80, v6, vm0, $0xb8;
	[tilespmem:$0x1EC00] =	vst v63  }
0x51d: {  	s14 =	simm.s32 $0x11C00  }
0x51e: {  	[tilespmem:s14], [sflag:$0x3] =	stream.indirect_vreg.gather [hbm4b:s10+s3], $0x80, v6, vm0, $0xb8;
	[tilespmem:$0x1EC00] =	vst v63  }
0x51f: {  	s29 =	simm.s32 $0x12400  }
0x520: {  	[tilespmem:s29], [sflag:$0x3] =	stream.indirect_vreg.gather [hbm4b:s11+s3], $0x80, v6, vm0, $0xb8;
	[tilespmem:$0x1EC00] =	vst v63  }
0x521: {  	_ =	swait.ge [sflag:s23], $0x6000  }
0x522: {  	[sflag:s23] =	ssyncset.done $0x0  }
0x523: {  	s14 =	simm.s32 $0x12C00;
	s12 =	rddreg [dreg:$0x1e];
	[sflag:s23] =	ssyncadd.s32 $0xFFFFA000  }
0x524: {  	[hbm4b:s12+s3] =	stream.linear.scatter [tilespmem:s14], [sflag:$0x9], $0x6000, $0x38;
	[tilespmem:$0x1EC00] =	vst v63  }
0x525: {  	_ =	swait.ge [sflag:s24], $0x6000  }
0x526: {  	[sflag:s24] =	ssyncset.done $0x0  }
0x527: {  	[sflag:s24] =	ssyncadd.s32 $0xFFFFA000  }
0x528: {  	v6 =	vld [tilespmem:$0xB80];
	_ =	sdelay $0x4  }
0x529: {  	v7 =	vshrl.u32 v6, $0x3  }
0x52a: {  	v7 =	vmul.u32 $0x30, v7  }
0x52b: {  	v6 =	vand.u32 $0x7, v6  }
0x52c: {  	v6 =	vor.u32 v6, v7  }
0x52d: {  	v7 =	vperm.xlane v6, v1;
	_ =	sdelay $0x1  }
0x52e: {  	v7 =	vadd.s32 v4, v7;
	_ =	sdelay $0x3  }
0x52f: {  	v6 =	vperm.xlane v6, v5  }
0x530: {  	[tilespmem:s14], [sflag:$0x4] =	stream.indirect_vreg.gather [hbm4b:s0+s3], $0x80, v7, vm0, $0xb8;
	[tilespmem:$0x1EC00] =	vst v63  }
0x531: {  	s29 =	simm.s32 $0x13400;
	v6 =	vadd.s32 v4, v6  }
0x532: {  	[tilespmem:s29], [sflag:$0x4] =	stream.indirect_vreg.gather [hbm4b:s10+s3], $0x80, v7, vm0, $0xb8;
	[tilespmem:$0x1EC00] =	vst v63  }
0x533: {  	s14 =	simm.s32 $0x13C00  }
0x534: {  	[tilespmem:s14], [sflag:$0x4] =	stream.indirect_vreg.gather [hbm4b:s11+s3], $0x80, v7, vm0, $0xb8;
	[tilespmem:$0x1EC00] =	vst v63  }
0x535: {  	s29 =	simm.s32 $0x14400  }
0x536: {  	[tilespmem:s29], [sflag:$0x4] =	stream.indirect_vreg.gather [hbm4b:s0+s3], $0x80, v6, vm0, $0xb8;
	[tilespmem:$0x1EC00] =	vst v63  }
0x537: {  	s14 =	simm.s32 $0x14C00  }
0x538: {  	[tilespmem:s14], [sflag:$0x4] =	stream.indirect_vreg.gather [hbm4b:s10+s3], $0x80, v6, vm0, $0xb8;
	[tilespmem:$0x1EC00] =	vst v63  }
0x539: {  	s29 =	simm.s32 $0x15400  }
0x53a: {  	[tilespmem:s29], [sflag:$0x4] =	stream.indirect_vreg.gather [hbm4b:s11+s3], $0x80, v6, vm0, $0xb8;
	[tilespmem:$0x1EC00] =	vst v63  }
0x53b: {  	v6 =	vld [tilespmem:$0xB90];
	_ =	sdelay $0x4  }
0x53c: {  	v7 =	vshrl.u32 v6, $0x3  }
0x53d: {  	v7 =	vmul.u32 $0x30, v7  }
0x53e: {  	v6 =	vand.u32 $0x7, v6  }
0x53f: {  	v6 =	vor.u32 v6, v7  }
0x540: {  	v7 =	vperm.xlane v6, v1;
	_ =	sdelay $0x1  }
0x541: {  	v7 =	vadd.s32 v4, v7;
	_ =	sdelay $0x3  }
0x542: {  	s14 =	simm.s32 $0x15C00;
	v6 =	vperm.xlane v6, v5  }
0x543: {  	[tilespmem:s14], [sflag:$0x4] =	stream.indirect_vreg.gather [hbm4b:s0+s3], $0x80, v7, vm0, $0xb8;
	[tilespmem:$0x1EC00] =	vst v63  }
0x544: {  	s29 =	simm.s32 $0x16400;
	v6 =	vadd.s32 v4, v6  }
0x545: {  	[tilespmem:s29], [sflag:$0x4] =	stream.indirect_vreg.gather [hbm4b:s10+s3], $0x80, v7, vm0, $0xb8;
	[tilespmem:$0x1EC00] =	vst v63  }
0x546: {  	s14 =	simm.s32 $0x16C00  }
0x547: {  	[tilespmem:s14], [sflag:$0x4] =	stream.indirect_vreg.gather [hbm4b:s11+s3], $0x80, v7, vm0, $0xb8;
	[tilespmem:$0x1EC00] =	vst v63  }
0x548: {  	s29 =	simm.s32 $0x17400  }
0x549: {  	[tilespmem:s29], [sflag:$0x4] =	stream.indirect_vreg.gather [hbm4b:s0+s3], $0x80, v6, vm0, $0xb8;
	[tilespmem:$0x1EC00] =	vst v63  }
0x54a: {  	s14 =	simm.s32 $0x17C00  }
0x54b: {  	[tilespmem:s14], [sflag:$0x4] =	stream.indirect_vreg.gather [hbm4b:s10+s3], $0x80, v6, vm0, $0xb8;
	[tilespmem:$0x1EC00] =	vst v63  }
0x54c: {  	s29 =	simm.s32 $0x18400  }
0x54d: {  	[tilespmem:s29], [sflag:$0x4] =	stream.indirect_vreg.gather [hbm4b:s11+s3], $0x80, v6, vm0, $0xb8;
	[tilespmem:$0x1EC00] =	vst v63  }
0x54e: {  	_ =	swait.ge [sflag:s25], $0x6000  }
0x54f: {  	[sflag:s25] =	ssyncset.done $0x0  }
0x550: {  	s1 =	simm.s32 $0x18C00;
	s14 =	rddreg [dreg:$0x1f];
	[sflag:s25] =	ssyncadd.s32 $0xFFFFA000  }
0x551: {  	[hbm4b:s14+s3] =	stream.linear.scatter [tilespmem:s1], [sflag:$0xA], $0x6000, $0x38;
	[tilespmem:$0x1EC00] =	vst v63  }
0x552: {  	_ =	swait.ge [sflag:s5], $0x6000  }
0x553: {  	[sflag:s5] =	ssyncset.done $0x0  }
0x554: {  	[sflag:s5] =	ssyncadd.s32 $0xFFFFA000  }
0x555: {  	v6 =	vld [tilespmem:$0xBA0];
	_ =	sdelay $0x4  }
0x556: {  	v7 =	vshrl.u32 v6, $0x3  }
0x557: {  	v7 =	vmul.u32 $0x30, v7  }
0x558: {  	v6 =	vand.u32 $0x7, v6  }
0x559: {  	v6 =	vor.u32 v6, v7  }
0x55a: {  	v7 =	vperm.xlane v6, v1;
	_ =	sdelay $0x1  }
0x55b: {  	v7 =	vadd.s32 v4, v7;
	_ =	sdelay $0x3  }
0x55c: {  	v6 =	vperm.xlane v6, v5  }
0x55d: {  	[tilespmem:s1], [sflag:$0x5] =	stream.indirect_vreg.gather [hbm4b:s0+s3], $0x80, v7, vm0, $0xb8;
	[tilespmem:$0x1EC00] =	vst v63  }
0x55e: {  	s29 =	simm.s32 $0x19400;
	v6 =	vadd.s32 v4, v6  }
0x55f: {  	[tilespmem:s29], [sflag:$0x5] =	stream.indirect_vreg.gather [hbm4b:s10+s3], $0x80, v7, vm0, $0xb8;
	[tilespmem:$0x1EC00] =	vst v63  }
0x560: {  	s29 =	simm.s32 $0x19C00  }
0x561: {  	[tilespmem:s29], [sflag:$0x5] =	stream.indirect_vreg.gather [hbm4b:s11+s3], $0x80, v7, vm0, $0xb8;
	[tilespmem:$0x1EC00] =	vst v63  }
0x562: {  	s9 =	simm.s32 $0x1A400  }
0x563: {  	[tilespmem:s9], [sflag:$0x5] =	stream.indirect_vreg.gather [hbm4b:s0+s3], $0x80, v6, vm0, $0xb8;
	[tilespmem:$0x1EC00] =	vst v63  }
0x564: {  	s28 =	simm.s32 $0x1AC00  }
0x565: {  	[tilespmem:s28], [sflag:$0x5] =	stream.indirect_vreg.gather [hbm4b:s10+s3], $0x80, v6, vm0, $0xb8;
	[tilespmem:$0x1EC00] =	vst v63  }
0x566: {  	s28 =	simm.s32 $0x1B400  }
0x567: {  	[tilespmem:s28], [sflag:$0x5] =	stream.indirect_vreg.gather [hbm4b:s11+s3], $0x80, v6, vm0, $0xb8;
	[tilespmem:$0x1EC00] =	vst v63  }
0x568: {  	v6 =	vld [tilespmem:$0xBB0];
	_ =	sdelay $0x4  }
0x569: {  	v7 =	vshrl.u32 v6, $0x3  }
0x56a: {  	v7 =	vmul.u32 $0x30, v7  }
0x56b: {  	v6 =	vand.u32 $0x7, v6  }
0x56c: {  	v6 =	vor.u32 v6, v7  }
0x56d: {  	v7 =	vperm.xlane v6, v1;
	_ =	sdelay $0x1  }
0x56e: {  	v7 =	vadd.s32 v4, v7;
	_ =	sdelay $0x3  }
0x56f: {  	s29 =	simm.s32 $0x1BC00;
	v6 =	vperm.xlane v6, v5  }
0x570: {  	[tilespmem:s29], [sflag:$0x5] =	stream.indirect_vreg.gather [hbm4b:s0+s3], $0x80, v7, vm0, $0xb8;
	[tilespmem:$0x1EC00] =	vst v63  }
0x571: {  	s4 =	simm.s32 $0x1C400;
	v6 =	vadd.s32 v4, v6  }
0x572: {  	[tilespmem:s4], [sflag:$0x5] =	stream.indirect_vreg.gather [hbm4b:s10+s3], $0x80, v7, vm0, $0xb8;
	[tilespmem:$0x1EC00] =	vst v63  }
0x573: {  	s30 =	simm.s32 $0x1CC00  }
0x574: {  	[tilespmem:s30], [sflag:$0x5] =	stream.indirect_vreg.gather [hbm4b:s11+s3], $0x80, v7, vm0, $0xb8;
	[tilespmem:$0x1EC00] =	vst v63  }
0x575: {  	s31 =	simm.s32 $0x1D400  }
0x576: {  	[tilespmem:s31], [sflag:$0x5] =	stream.indirect_vreg.gather [hbm4b:s0+s3], $0x80, v6, vm0, $0xb8;
	[tilespmem:$0x1EC00] =	vst v63  }
0x577: {  	s4 =	simm.s32 $0x1DC00  }
0x578: {  	[tilespmem:s4], [sflag:$0x5] =	stream.indirect_vreg.gather [hbm4b:s10+s3], $0x80, v6, vm0, $0xb8;
	[tilespmem:$0x1EC00] =	vst v63  }
0x579: {  	s9 =	simm.s32 $0x1E400  }
0x57a: {  	[tilespmem:s9], [sflag:$0x5] =	stream.indirect_vreg.gather [hbm4b:s11+s3], $0x80, v6, vm0, $0xb8;
	[tilespmem:$0x1EC00] =	vst v63  }
0x57b: {  	_ =	swait.ge [sflag:s16], $0x6000  }
0x57c: {  	s28 =	sld [smem:$0x7F6]  }
0x57d: {  	[sflag:s16] =	ssyncset.done $0x0  }
0x57e: {  	s30 =	simm.s32 $0xC00;
	[sflag:s16] =	ssyncadd.s32 $0xFFFFA000  }
0x57f: {  	[hbm4b:s28+s3] =	stream.linear.scatter [tilespmem:s30], [sflag:$0x6], $0x6000, $0x38;
	[tilespmem:$0x1EC00] =	vst v63  }
0x580: {  	_ =	swait.ge [sflag:s17], $0x6000  }
0x581: {  	[sflag:s17] =	ssyncset.done $0x0  }
0x582: {  	[sflag:s17] =	ssyncadd.s32 $0xFFFFA000  }
0x583: {  	v6 =	vld [tilespmem:$0xBC0];
	_ =	sdelay $0x4  }
0x584: {  	v7 =	vshrl.u32 v6, $0x3  }
0x585: {  	v7 =	vmul.u32 $0x30, v7  }
0x586: {  	v6 =	vand.u32 $0x7, v6  }
0x587: {  	v6 =	vor.u32 v6, v7  }
0x588: {  	v7 =	vperm.xlane v6, v1;
	_ =	sdelay $0x1  }
0x589: {  	v7 =	vadd.s32 v4, v7;
	_ =	sdelay $0x3  }
0x58a: {  	v6 =	vperm.xlane v6, v5  }
0x58b: {  	[tilespmem:s30], [sflag:$0x1] =	stream.indirect_vreg.gather [hbm4b:s0+s3], $0x80, v7, vm0, $0xb8;
	[tilespmem:$0x1EC00] =	vst v63  }
0x58c: {  	s31 =	simm.s32 $0x1400;
	v6 =	vadd.s32 v4, v6  }
0x58d: {  	[tilespmem:s31], [sflag:$0x1] =	stream.indirect_vreg.gather [hbm4b:s10+s3], $0x80, v7, vm0, $0xb8;
	[tilespmem:$0x1EC00] =	vst v63  }
0x58e: {  	s9 =	simm.s32 $0x1C00  }
0x58f: {  	[tilespmem:s9], [sflag:$0x1] =	stream.indirect_vreg.gather [hbm4b:s11+s3], $0x80, v7, vm0, $0xb8;
	[tilespmem:$0x1EC00] =	vst v63  }
0x590: {  	s28 =	simm.s32 $0x2400  }
0x591: {  	[tilespmem:s28], [sflag:$0x1] =	stream.indirect_vreg.gather [hbm4b:s0+s3], $0x80, v6, vm0, $0xb8;
	[tilespmem:$0x1EC00] =	vst v63  }
0x592: {  	s29 =	simm.s32 $0x2C00  }
0x593: {  	[tilespmem:s29], [sflag:$0x1] =	stream.indirect_vreg.gather [hbm4b:s10+s3], $0x80, v6, vm0, $0xb8;
	[tilespmem:$0x1EC00] =	vst v63  }
0x594: {  	s30 =	simm.s32 $0x3400  }
0x595: {  	[tilespmem:s30], [sflag:$0x1] =	stream.indirect_vreg.gather [hbm4b:s11+s3], $0x80, v6, vm0, $0xb8;
	[tilespmem:$0x1EC00] =	vst v63  }
0x596: {  	v6 =	vld [tilespmem:$0xBD0];
	_ =	sdelay $0x4  }
0x597: {  	v7 =	vshrl.u32 v6, $0x3  }
0x598: {  	v7 =	vmul.u32 $0x30, v7  }
0x599: {  	v6 =	vand.u32 $0x7, v6  }
0x59a: {  	v6 =	vor.u32 v6, v7  }
0x59b: {  	v7 =	vperm.xlane v6, v1;
	_ =	sdelay $0x1  }
0x59c: {  	v7 =	vadd.s32 v4, v7;
	_ =	sdelay $0x3  }
0x59d: {  	s31 =	simm.s32 $0x3C00;
	v6 =	vperm.xlane v6, v5  }
0x59e: {  	[tilespmem:s31], [sflag:$0x1] =	stream.indirect_vreg.gather [hbm4b:s0+s3], $0x80, v7, vm0, $0xb8;
	[tilespmem:$0x1EC00] =	vst v63  }
0x59f: {  	s9 =	simm.s32 $0x4400;
	v6 =	vadd.s32 v4, v6  }
0x5a0: {  	[tilespmem:s9], [sflag:$0x1] =	stream.indirect_vreg.gather [hbm4b:s10+s3], $0x80, v7, vm0, $0xb8;
	[tilespmem:$0x1EC00] =	vst v63  }
0x5a1: {  	s28 =	simm.s32 $0x4C00  }
0x5a2: {  	[tilespmem:s28], [sflag:$0x1] =	stream.indirect_vreg.gather [hbm4b:s11+s3], $0x80, v7, vm0, $0xb8;
	[tilespmem:$0x1EC00] =	vst v63  }
0x5a3: {  	s29 =	simm.s32 $0x5400  }
0x5a4: {  	[tilespmem:s29], [sflag:$0x1] =	stream.indirect_vreg.gather [hbm4b:s0+s3], $0x80, v6, vm0, $0xb8;
	[tilespmem:$0x1EC00] =	vst v63  }
0x5a5: {  	s30 =	simm.s32 $0x5C00  }
0x5a6: {  	[tilespmem:s30], [sflag:$0x1] =	stream.indirect_vreg.gather [hbm4b:s10+s3], $0x80, v6, vm0, $0xb8;
	[tilespmem:$0x1EC00] =	vst v63  }
0x5a7: {  	s31 =	simm.s32 $0x6400  }
0x5a8: {  	[tilespmem:s31], [sflag:$0x1] =	stream.indirect_vreg.gather [hbm4b:s11+s3], $0x80, v6, vm0, $0xb8;
	[tilespmem:$0x1EC00] =	vst v63  }
0x5a9: {  	_ =	swait.ge [sflag:s18], $0x6000  }
0x5aa: {  	s9 =	sld [smem:$0x7F7]  }
0x5ab: {  	[sflag:s18] =	ssyncset.done $0x0  }
0x5ac: {  	s28 =	simm.s32 $0x6C00;
	[sflag:s18] =	ssyncadd.s32 $0xFFFFA000  }
0x5ad: {  	[hbm4b:s9+s3] =	stream.linear.scatter [tilespmem:s28], [sflag:$0x7], $0x6000, $0x38;
	[tilespmem:$0x1EC00] =	vst v63  }
0x5ae: {  	_ =	swait.ge [sflag:s19], $0x6000  }
0x5af: {  	[sflag:s19] =	ssyncset.done $0x0  }
0x5b0: {  	[sflag:s19] =	ssyncadd.s32 $0xFFFFA000  }
0x5b1: {  	v6 =	vld [tilespmem:$0xBE0];
	_ =	sdelay $0x4  }
0x5b2: {  	v7 =	vshrl.u32 v6, $0x3  }
0x5b3: {  	v7 =	vmul.u32 $0x30, v7  }
0x5b4: {  	v6 =	vand.u32 $0x7, v6  }
0x5b5: {  	v6 =	vor.u32 v6, v7  }
0x5b6: {  	v7 =	vperm.xlane v6, v1;
	_ =	sdelay $0x1  }
0x5b7: {  	v7 =	vadd.s32 v4, v7;
	_ =	sdelay $0x3  }
0x5b8: {  	v6 =	vperm.xlane v6, v5  }
0x5b9: {  	[tilespmem:s28], [sflag:$0x2] =	stream.indirect_vreg.gather [hbm4b:s0+s3], $0x80, v7, vm0, $0xb8;
	[tilespmem:$0x1EC00] =	vst v63  }
0x5ba: {  	s8 =	simm.s32 $0x7400;
	v6 =	vadd.s32 v4, v6  }
0x5bb: {  	[tilespmem:s8], [sflag:$0x2] =	stream.indirect_vreg.gather [hbm4b:s10+s3], $0x80, v7, vm0, $0xb8;
	[tilespmem:$0x1EC00] =	vst v63  }
0x5bc: {  	s29 =	simm.s32 $0x7C00  }
0x5bd: {  	[tilespmem:s29], [sflag:$0x2] =	stream.indirect_vreg.gather [hbm4b:s11+s3], $0x80, v7, vm0, $0xb8;
	[tilespmem:$0x1EC00] =	vst v63  }
0x5be: {  	s30 =	simm.s32 $0x8400  }
0x5bf: {  	[tilespmem:s30], [sflag:$0x2] =	stream.indirect_vreg.gather [hbm4b:s0+s3], $0x80, v6, vm0, $0xb8;
	[tilespmem:$0x1EC00] =	vst v63  }
0x5c0: {  	s31 =	simm.s32 $0x8C00  }
0x5c1: {  	[tilespmem:s31], [sflag:$0x2] =	stream.indirect_vreg.gather [hbm4b:s10+s3], $0x80, v6, vm0, $0xb8;
	[tilespmem:$0x1EC00] =	vst v63  }
0x5c2: {  	s26 =	simm.s32 $0x9400  }
0x5c3: {  	[tilespmem:s26], [sflag:$0x2] =	stream.indirect_vreg.gather [hbm4b:s11+s3], $0x80, v6, vm0, $0xb8;
	[tilespmem:$0x1EC00] =	vst v63  }
0x5c4: {  	v6 =	vld [tilespmem:$0xBF0];
	_ =	sdelay $0x4  }
0x5c5: {  	v7 =	vshrl.u32 v6, $0x3  }
0x5c6: {  	v7 =	vmul.u32 $0x30, v7  }
0x5c7: {  	v6 =	vand.u32 $0x7, v6  }
0x5c8: {  	v6 =	vor.u32 v6, v7  }
0x5c9: {  	v7 =	vperm.xlane v6, v1;
	_ =	sdelay $0x1  }
0x5ca: {  	v7 =	vadd.s32 v4, v7;
	_ =	sdelay $0x3  }
0x5cb: {  	s9 =	simm.s32 $0x9C00;
	v6 =	vperm.xlane v6, v5  }
0x5cc: {  	[tilespmem:s9], [sflag:$0x2] =	stream.indirect_vreg.gather [hbm4b:s0+s3], $0x80, v7, vm0, $0xb8;
	[tilespmem:$0x1EC00] =	vst v63  }
0x5cd: {  	s6 =	simm.s32 $0xA400;
	v6 =	vadd.s32 v4, v6  }
0x5ce: {  	[tilespmem:s6], [sflag:$0x2] =	stream.indirect_vreg.gather [hbm4b:s10+s3], $0x80, v7, vm0, $0xb8;
	[tilespmem:$0x1EC00] =	vst v63  }
0x5cf: {  	s7 =	simm.s32 $0xAC00  }
0x5d0: {  	[tilespmem:s7], [sflag:$0x2] =	stream.indirect_vreg.gather [hbm4b:s11+s3], $0x80, v7, vm0, $0xb8;
	[tilespmem:$0x1EC00] =	vst v63  }
0x5d1: {  	s15 =	simm.s32 $0xB400  }
0x5d2: {  	[tilespmem:s15], [sflag:$0x2] =	stream.indirect_vreg.gather [hbm4b:s0+s3], $0x80, v6, vm0, $0xb8;
	[tilespmem:$0x1EC00] =	vst v63  }
0x5d3: {  	s20 =	simm.s32 $0xBC00  }
0x5d4: {  	[tilespmem:s20], [sflag:$0x2] =	stream.indirect_vreg.gather [hbm4b:s10+s3], $0x80, v6, vm0, $0xb8;
	[tilespmem:$0x1EC00] =	vst v63  }
0x5d5: {  	s20 =	simm.s32 $0xC400  }
0x5d6: {  	[tilespmem:s20], [sflag:$0x2] =	stream.indirect_vreg.gather [hbm4b:s11+s3], $0x80, v6, vm0, $0xb8;
	[tilespmem:$0x1EC00] =	vst v63  }
0x5d7: {  	_ =	swait.ge [sflag:s21], $0x6000  }
0x5d8: {  	[sflag:s21] =	ssyncset.done $0x0  }
0x5d9: {  	[sflag:s21] =	ssyncadd.s32 $0xFFFFA000;
	s21 =	sld [smem:$0x7F8];
	_ =	sdelay $0x1  }
0x5da: {  	s2 =	simm.s32 $0xCC00  }
0x5db: {  	[hbm4b:s21+s3] =	stream.linear.scatter [tilespmem:s2], [sflag:$0x8], $0x6000, $0x38;
	[tilespmem:$0x1EC00] =	vst v63  }
0x5dc: {  	_ =	swait.ge [sflag:s23], $0x6000  }
0x5dd: {  	[sflag:s23] =	ssyncset.done $0x0  }
0x5de: {  	[sflag:s23] =	ssyncadd.s32 $0xFFFFA000;
	s23 =	sld [smem:$0x7F9];
	_ =	sdelay $0x1  }
0x5df: {  	s12 =	simm.s32 $0x12C00  }
0x5e0: {  	[hbm4b:s23+s3] =	stream.linear.scatter [tilespmem:s12], [sflag:$0x9], $0x6000, $0x38;
	[tilespmem:$0x1EC00] =	vst v63  }
0x5e1: {  	_ =	swait.ge [sflag:s25], $0x6000  }
0x5e2: {  	[sflag:s25] =	ssyncset.done $0x0  }
0x5e3: {  	[sflag:s25] =	ssyncadd.s32 $0xFFFFA000;
	s25 =	sld [smem:$0x7FA];
	_ =	sdelay $0x1  }
0x5e4: {  	s14 =	simm.s32 $0x18C00  }
0x5e5: {  	[hbm4b:s25+s3] =	stream.linear.scatter [tilespmem:s14], [sflag:$0xA], $0x6000, $0x38;
	[tilespmem:$0x1EC00] =	vst v63  }
0x5e6: {  	_ =	swait.ge [sflag:s16], $0x6000  }
0x5e7: {  	s26 =	sld [smem:$0x7FB]  }
0x5e8: {  	[sflag:s16] =	ssyncset.done $0x0  }
0x5e9: {  	s1 =	simm.s32 $0xC00;
	[sflag:s16] =	ssyncadd.s32 $0xFFFFA000  }
0x5ea: {  	[hbm4b:s26+s3] =	stream.linear.scatter [tilespmem:s1], [sflag:$0x6], $0x6000, $0x38;
	[tilespmem:$0x1EC00] =	vst v63  }
0x5eb: {  	_ =	swait.ge [sflag:s18], $0x6000  }
0x5ec: {  	s28 =	sld [smem:$0x7FC]  }
0x5ed: {  	[sflag:s18] =	ssyncset.done $0x0  }
0x5ee: {  	s4 =	simm.s32 $0x6C00;
	[sflag:s18] =	ssyncadd.s32 $0xFFFFA000  }
0x5ef: {  	[hbm4b:s28+s3] =	stream.linear.scatter [tilespmem:s4], [sflag:$0x7], $0x6000, $0x38;
	[tilespmem:$0x1EC00] =	vst v63  }
0x5f0: {  	_ =	swait.ge [sflag:s22], $0x6000  }
0x5f1: {  	[sflag:s22] =	ssyncset.done $0x0  }
0x5f2: {  	[sflag:s22] =	ssyncadd.s32 $0xFFFFA000  }
0x5f3: {  	_ =	swait.ge [sflag:s24], $0x6000  }
0x5f4: {  	[sflag:s24] =	ssyncset.done $0x0  }
0x5f5: {  	[sflag:s24] =	ssyncadd.s32 $0xFFFFA000  }
0x5f6: {  	_ =	swait.ge [sflag:s5], $0x6000  }
0x5f7: {  	[sflag:s5] =	ssyncset.done $0x0  }
0x5f8: {  	[sflag:s5] =	ssyncadd.s32 $0xFFFFA000  }
0x5f9: {  	_ =	swait.ge [sflag:s17], $0x6000  }
0x5fa: {  	[sflag:s17] =	ssyncset.done $0x0  }
0x5fb: {  	[sflag:s17] =	ssyncadd.s32 $0xFFFFA000  }
0x5fc: {  	_ =	swait.ge [sflag:s19], $0x6000  }
0x5fd: {  	s30 =	sld [smem:$0x7F5]  }
0x5fe: {  	s31 =	sld [smem:$0x7FD];
	_ =	sdelay $0x1  }
0x5ff: {  	s1 =	sadd.s32 $0x1, s30  }
0x600: {  	p0 =	sne.s32 s1, s31  }
.Ltmp1:
0x601: {  	_ = 	snop;
	(pc) =	sbr.rel @p0 .LBB2_1-.Ltmp1, $3  }
0x602: {  	_ =	sdelay $0x1  }
0x603: {  	[sflag:s19] =	ssyncset.done $0x0  }
0x604: {  	[sflag:s19] =	ssyncadd.s32 $0xFFFFA000  }
0x605: {  	_ =	sfence.sel $0x180000  }
0x606: {  	[bflag:$0x0] =	sbarrier.arrive $0xFFFF  }
0x607: {  	_ =	strace $0x90000047  }
0x608: {  	s0 =	stileid.u32;
	[bflag:$0x2] =	sbarrier.arrive $0xFFFF  }
0x609: {  	p0 =	sne.s32 s0, $0x0;
	s0 =	rddreg [dreg:$0x4]  }
0x60a: {  	s0 =	sadd.s32 @!p0 $0x100000, s0  }
0x60b: {  	[sflag:s0] =	ssyncadd.tile.s32 @!p0 $0x1;
	_ =	shalt  }
.Lfunc_end2:
_tile_overlayer_lowered:
.L_overlay_start_2:
0x60c: {  	(tag) =	ssettag $0x2  }
0x60d: {  	s0 =	rddreg [dreg:$0x0];
	s2 =	stileid.u32  }
0x60e: {  	s1 =	rddreg [dreg:$0x1];
	p0 =	sne.s32 s2, $0x0  }
0x60f: {  	s3 =	rddreg [dreg:$0x2];
	[bflag:$0x3] =	sbarrier.arrive $0xFFFF;
	s2 =	simm.s32 @!p0 $0x1C0B  }
0x610: {  	[timem:s3], [sflag:s2] =	dma.local @!p0 [hbm:s0], s1  }
0x611: {  	s0 =	simm.s32 @!p0 $0xB  }
0x612: {  	_ =	swait.ge @!p0 [sflag:s0], s1  }
0x613: {  	s1 =	ssub.s32 @!p0 $0x0, s1;
	[sflag:s0] =	ssyncset.done @!p0 $0x0  }
0x614: {  	[sflag:s0] =	ssyncadd.s32 @!p0 s1  }
0x615: {  	[bflag:$0x3] =	sbarrier.arrive $0xFFFF  }
0x616: {  	_ =	shalt  }

</sc_bundles>
